<compile_context>
chip_gen: v7x
topology: tpu7x:2x2x1
jax: 0.10.2.dev20260603
libtpu: 0.0.44.dev20260713+nightly
codegen_flags: <defaults>
</compile_context>

<pallas_src>
import functools

import jax
import jax.numpy as jnp
from jax import lax
from jax.experimental import pallas as pl
from jax.experimental.pallas import tpu as pltpu
from jax.experimental.pallas import tpu_sc as plsc

N = 10000
E = 320000
IN_DIM = 128
HID = 32
OUT = 16

CH = 128
NTILES = 32
CHUNKS = E // CH
BASE = CHUNKS // NTILES
NEXTRA = CHUNKS - BASE * NTILES
OUTN = 10240
ROWS_PER_SUBCORE = OUTN // 16
YSTRIPE = N // 16


def _make_agg(D):
  mesh = plsc.VectorSubcoreMesh(core_axis_name="c", subcore_axis_name="s")

  @functools.partial(
      pl.kernel,
      out_type=jax.ShapeDtypeStruct((2, OUTN, D), jnp.float32),
      mesh=mesh,
      scratch_types=[
          pltpu.VMEM((BASE, CH), jnp.int32),
          pltpu.VMEM((BASE, CH), jnp.int32),
          pltpu.VMEM((1, CH), jnp.int32),
          pltpu.VMEM((1, CH), jnp.int32),
          pltpu.VMEM((6, CH, D), jnp.float32),
          pltpu.VMEM_SHARED((OUTN, D), jnp.float32),
          pltpu.VMEM_SHARED((N, D), jnp.float32),
          [pltpu.SemaphoreType.DMA] * 6,
          [pltpu.SemaphoreType.DMA] * 6,
      ],
      compiler_params=pltpu.CompilerParams(use_tc_tiling_on_sc=False),
  )
  def agg(y_hbm, ei3_hbm, zero_hbm, out_hbm, rowi, coli, rowx, colx,
          gb, acc, y_s, gsem, ssem):
    c = lax.axis_index("c")
    s = lax.axis_index("s")
    tile = c * 16 + s

    @pl.when(s == 0)
    def _init():
      pltpu.sync_copy(zero_hbm, acc)

    pltpu.sync_copy(y_hbm.at[pl.ds(s * YSTRIPE, YSTRIPE)],
                    y_s.at[pl.ds(s * YSTRIPE, YSTRIPE)])

    start = tile * BASE
    pltpu.sync_copy(ei3_hbm.at[0, pl.ds(start, BASE)], rowi)
    pltpu.sync_copy(ei3_hbm.at[1, pl.ds(start, BASE)], coli)

    @pl.when(tile < NEXTRA)
    def _load_extra():
      pltpu.sync_copy(ei3_hbm.at[0, pl.ds(BASE * NTILES + tile, 1)], rowx)
      pltpu.sync_copy(ei3_hbm.at[1, pl.ds(BASE * NTILES + tile, 1)], colx)

    plsc.subcore_barrier()

    pltpu.async_copy(y_s.at[coli.at[0]], gb.at[0], gsem[0])
    pltpu.async_copy(y_s.at[coli.at[1]], gb.at[1], gsem[1])
    pltpu.async_copy(y_s.at[coli.at[2]], gb.at[2], gsem[2])

    def body(i6, carry):
      j0 = i6 * 6
      for k in range(6):
        j = j0 + k
        bn = (k + 3) % 6

        pltpu.make_async_copy(y_s.at[coli.at[j]], gb.at[k], gsem[k]).wait()
        pltpu.async_copy(gb.at[k], acc.at[rowi.at[j]], ssem[k], add=True)

        @pl.when(j - 3 >= 0)
        def _():
          pltpu.make_async_copy(gb.at[bn], acc.at[rowi.at[j - 3]],
                                ssem[bn]).wait()

        @pl.when(j + 3 < BASE)
        def _():
          pltpu.async_copy(y_s.at[coli.at[j + 3]], gb.at[bn], gsem[bn])
      return carry

    lax.fori_loop(0, BASE // 6, body, 0)

    for k in range(3, 6):
      pltpu.make_async_copy(gb.at[k], acc.at[rowi.at[BASE - 6 + k]],
                            ssem[k]).wait()

    @pl.when(tile < NEXTRA)
    def _do_extra():
      pltpu.async_copy(y_s.at[colx.at[0]], gb.at[0], gsem[0]).wait()
      pltpu.sync_copy(gb.at[0], acc.at[rowx.at[0]], add=True)

    plsc.subcore_barrier()
    pltpu.sync_copy(
        acc.at[pl.ds(s * ROWS_PER_SUBCORE, ROWS_PER_SUBCORE)],
        out_hbm.at[c, pl.ds(s * ROWS_PER_SUBCORE, ROWS_PER_SUBCORE)])

  return agg


_agg32 = _make_agg(HID)
_agg16 = _make_agg(OUT)


_RB1 = 5000
_RB2 = 2560


def _mm1_body(x_ref, w_ref, o_ref):
  o_ref[...] = lax.dot_general(
      x_ref[...], w_ref[...], (((1,), (1,)), ((), ())),
      preferred_element_type=jnp.float32)


def _mid_body(p_ref, b_ref, w_ref, o_ref):
  h = jnp.maximum(p_ref[0] + p_ref[1] + b_ref[...], 0.0)
  o_ref[...] = lax.dot_general(
      h, w_ref[...], (((1,), (0,)), ((), ())),
      preferred_element_type=jnp.float32)


def _fin_body(q_ref, b_ref, o_ref):
  o_ref[...] = q_ref[0] + q_ref[1] + b_ref[...]


def kernel(x, edge_index, W1, b1, W2, b2):
  ei3 = edge_index.reshape(2, CHUNKS, CH)
  zeros32 = jnp.zeros((OUTN, HID), jnp.float32)
  zeros16 = jnp.zeros((OUTN, OUT), jnp.float32)
  w2big = jnp.kron(jnp.eye(4, dtype=jnp.float32), W2.T)
  b1t = jnp.tile(b1, 4).reshape(1, 128)
  b2t = jnp.tile(b2, 8).reshape(1, 128)

  y = pl.pallas_call(
      _mm1_body,
      grid=(N // _RB1,),
      in_specs=[pl.BlockSpec((_RB1, IN_DIM), lambda i: (i, 0)),
                pl.BlockSpec((HID, IN_DIM), lambda i: (0, 0))],
      out_specs=pl.BlockSpec((_RB1, HID), lambda i: (i, 0)),
      out_shape=jax.ShapeDtypeStruct((N, HID), jnp.float32),
  )(x, W1)

  p = _agg32(y, ei3, zeros32)

  p128 = p.reshape(2, OUTN * HID // 128, 128)
  z64 = pl.pallas_call(
      _mid_body,
      grid=(OUTN * HID // 128 // _RB2,),
      in_specs=[pl.BlockSpec((2, _RB2, 128), lambda i: (0, i, 0)),
                pl.BlockSpec((1, 128), lambda i: (0, 0)),
                pl.BlockSpec((128, 64), lambda i: (0, 0))],
      out_specs=pl.BlockSpec((_RB2, 64), lambda i: (i, 0)),
      out_shape=jax.ShapeDtypeStruct((OUTN * HID // 128, 64), jnp.float32),
  )(p128, b1t, w2big)

  z = z64.reshape(OUTN, OUT)
  q = _agg16(z, ei3, zeros16)

  q128 = q.reshape(2, OUTN * OUT // 128, 128)
  o128 = pl.pallas_call(
      _fin_body,
      grid=(1,),
      in_specs=[pl.BlockSpec((2, OUTN * OUT // 128, 128), lambda i: (0, 0, 0)),
                pl.BlockSpec((1, 128), lambda i: (0, 0))],
      out_specs=pl.BlockSpec((OUTN * OUT // 128, 128), lambda i: (i, 0)),
      out_shape=jax.ShapeDtypeStruct((OUTN * OUT // 128, 128), jnp.float32),
  )(q128, b2t)

  return o128[:N * OUT // 128].reshape(N, OUT)

# --- scband reference (transcript-rebuilt; emitter-appended) ---
"""Pipeline reference for scband-anchor-gnn-18433999634946 (READ-ONLY COPY).

The authoritative reference and input builder live on the scoring server;
editing this copy changes nothing except your own understanding.
"""

import jax, jax.numpy as jnp
import numpy as np

N = 10000
E = 320000
IN_DIM = 128
HIDDEN_DIM = 32
OUT_DIM = 16

def setup_inputs(seed: int = 0) -> dict:
    key = jax.random.key(seed)
    k1, k2, k3, k4, k5, k6 = jax.random.split(key, 6)
    x = jax.random.normal(k1, (N, IN_DIM), dtype=jnp.float32)
    edge_index = jax.random.randint(k2, (2, E), 0, N, dtype=jnp.int64 if jax.config.jax_enable_x64 else jnp.int32).astype(jnp.int32)
    # Linear layer params (PyTorch convention: W [out, in], y = x @ W.T + b)
    bound1 = 1.0 / np.sqrt(IN_DIM)
    W1 = jax.random.uniform(k3, (HIDDEN_DIM, IN_DIM), minval=-bound1, maxval=bound1, dtype=jnp.float32)
    b1 = jax.random.uniform(k4, (HIDDEN_DIM,), minval=-bound1, maxval=bound1, dtype=jnp.float32)
    bound2 = 1.0 / np.sqrt(HIDDEN_DIM)
    W2 = jax.random.uniform(k5, (OUT_DIM, HIDDEN_DIM), minval=-bound2, maxval=bound2, dtype=jnp.float32)
    b2 = jax.random.uniform(k6, (OUT_DIM,), minval=-bound2, maxval=bound2, dtype=jnp.float32)
    return {"x": x, "edge_index": edge_index, "W1": W1, "b1": b1, "W2": W2, "b2": b2}

def reference(x, edge_index, W1, b1, W2, b2):
    row = edge_index[0]
    col = edge_index[1]
    # agg = zeros_like(x); agg.index_add_(0, row, x[col])
    agg = jnp.zeros_like(x).at[row].add(x[col])
    h = jax.nn.relu(agg @ W1.T + b1)
    agg2 = jnp.zeros_like(h).at[row].add(h[col])
    out = agg2 @ W2.T + b2
    return out

if __name__ == "__main__":
    import jax
    _d = setup_inputs()
    print(jax.jit(kernel)(*tuple(_d.values())))

</pallas_src>

<mosaic_0001>
#map = affine_map<(d0, d1) -> (0, 0)>
#map1 = affine_map<(d0, d1) -> (0, 0, 0)>
module attributes {stable_mosaic.version = 14 : i64} {
  func.func @agg(%arg0: i32, %arg1: i32, %arg2: memref<10240x16xf32, #tpu.memory_space<hbm>>, %arg3: memref<2x2500x128xi32, #tpu.memory_space<hbm>>, %arg4: memref<10240x16xf32, #tpu.memory_space<hbm>>, %arg5: memref<2x10240x16xf32, #tpu.memory_space<hbm>>, %arg6: memref<78x128xi32, #tpu.memory_space<vmem>>, %arg7: memref<78x128xi32, #tpu.memory_space<vmem>>, %arg8: memref<1x128xi32, #tpu.memory_space<vmem>>, %arg9: memref<1x128xi32, #tpu.memory_space<vmem>>, %arg10: memref<6x128x16xf32, #tpu.memory_space<vmem>>, %arg11: memref<10240x16xf32, #tpu.memory_space<vmem_shared>>, %arg12: memref<10000x16xf32, #tpu.memory_space<vmem_shared>>, %arg13: memref<!tpu.dma_semaphore, #tpu.memory_space<semaphore_mem>>, %arg14: memref<!tpu.dma_semaphore, #tpu.memory_space<semaphore_mem>>, %arg15: memref<!tpu.dma_semaphore, #tpu.memory_space<semaphore_mem>>, %arg16: memref<!tpu.dma_semaphore, #tpu.memory_space<semaphore_mem>>, %arg17: memref<!tpu.dma_semaphore, #tpu.memory_space<semaphore_mem>>, %arg18: memref<!tpu.dma_semaphore, #tpu.memory_space<semaphore_mem>>, %arg19: memref<!tpu.dma_semaphore, #tpu.memory_space<semaphore_mem>>, %arg20: memref<!tpu.dma_semaphore, #tpu.memory_space<semaphore_mem>>, %arg21: memref<!tpu.dma_semaphore, #tpu.memory_space<semaphore_mem>>, %arg22: memref<!tpu.dma_semaphore, #tpu.memory_space<semaphore_mem>>, %arg23: memref<!tpu.dma_semaphore, #tpu.memory_space<semaphore_mem>>, %arg24: memref<!tpu.dma_semaphore, #tpu.memory_space<semaphore_mem>>) attributes {dimension_semantics = [#tpu.dimension_semantics<core_parallel>, #tpu.dimension_semantics<subcore_parallel>], iteration_bounds = array<i64: 2, 16>, scalar_prefetch = 0 : i64, scratch_operands = 19 : i64, tpu.core_type = #tpu.core_type<sc_vector_subcore>, window_params = [{transform_indices = #map}, {transform_indices = #map1}, {transform_indices = #map}, {transform_indices = #map1}]} {
    %mul3A = arith.constant 16 : i32
    %mul3A_0 = arith.muli %arg0, %mul3A : i32
    %add3A = arith.addi %mul3A_0, %arg1 : i32
    %eq3A = arith.constant 0 : i32
    %eq3A_1 = arith.cmpi eq, %arg1, %eq3A : i32
    %convert_element_type3A = arith.extui %eq3A_1 : i1 to i32
    %cond3A = arith.constant 0 : i32
    %cond3A_2 = arith.cmpi ne, %convert_element_type3A, %cond3A : i32
    scf.if %cond3A_2 {
      "tpu.region"() ({
        %run_scoped3A_99 = tpu.sem_alloc : memref<!tpu.dma_semaphore, #tpu.memory_space<semaphore_mem>>
        tpu.enqueue_dma source(%arg4 : memref<10240x16xf32, #tpu.memory_space<hbm>>) target(%arg11 : memref<10240x16xf32, #tpu.memory_space<vmem_shared>>) target_semaphore(%run_scoped3A_99 : memref<!tpu.dma_semaphore, #tpu.memory_space<semaphore_mem>>)
        tpu.wait_dma2 semaphore(%run_scoped3A_99 : memref<!tpu.dma_semaphore, #tpu.memory_space<semaphore_mem>>) src(%arg4 : memref<10240x16xf32, #tpu.memory_space<hbm>>) dst(%arg11 : memref<10240x16xf32, #tpu.memory_space<vmem_shared>>)
        tpu.yield
      }) : () -> ()
    } else {
    }
    %mul3A_3 = arith.constant 625 : i32
    %mul3A_4 = arith.muli %arg1, %mul3A_3 : i32
    %mul3A_5 = arith.constant 625 : i32
    %mul3A_6 = arith.muli %arg1, %mul3A_5 : i32
    "tpu.region"() ({
      %run_scoped3A_99 = tpu.sem_alloc : memref<!tpu.dma_semaphore, #tpu.memory_space<semaphore_mem>>
      %dma_start3A_100 = arith.constant 0 : i32
      %dma_start3A_101 = tpu.memref_slice %arg12[%mul3A_6, %dma_start3A_100] : memref<10000x16xf32, #tpu.memory_space<vmem_shared>> -> memref<625x16xf32, #tpu.memory_space<vmem_shared>>
      %dma_start3A_102 = arith.constant 0 : i32
      %dma_start3A_103 = tpu.memref_slice %arg2[%mul3A_4, %dma_start3A_102] : memref<10240x16xf32, #tpu.memory_space<hbm>> -> memref<625x16xf32, #tpu.memory_space<hbm>>
      tpu.enqueue_dma source(%dma_start3A_103 : memref<625x16xf32, #tpu.memory_space<hbm>>) target(%dma_start3A_101 : memref<625x16xf32, #tpu.memory_space<vmem_shared>>) target_semaphore(%run_scoped3A_99 : memref<!tpu.dma_semaphore, #tpu.memory_space<semaphore_mem>>)
      %dma_wait3A_104 = arith.constant 0 : i32
      %dma_wait3A_105 = tpu.memref_slice %arg12[%mul3A_6, %dma_wait3A_104] : memref<10000x16xf32, #tpu.memory_space<vmem_shared>> -> memref<625x16xf32, #tpu.memory_space<vmem_shared>>
      %dma_wait3A_106 = arith.constant 0 : i32
      %dma_wait3A_107 = tpu.memref_slice %arg2[%mul3A_4, %dma_wait3A_106] : memref<10240x16xf32, #tpu.memory_space<hbm>> -> memref<625x16xf32, #tpu.memory_space<hbm>>
      tpu.wait_dma2 semaphore(%run_scoped3A_99 : memref<!tpu.dma_semaphore, #tpu.memory_space<semaphore_mem>>) src(%dma_wait3A_107 : memref<625x16xf32, #tpu.memory_space<hbm>>) dst(%dma_wait3A_105 : memref<625x16xf32, #tpu.memory_space<vmem_shared>>)
      tpu.yield
    }) : () -> ()
    %mul3A_7 = arith.constant 78 : i32
    %mul3A_8 = arith.muli %add3A, %mul3A_7 : i32
    %run_scoped3A = arith.constant 0 : i32
    "tpu.region"() ({
      %run_scoped3A_99 = tpu.sem_alloc : memref<!tpu.dma_semaphore, #tpu.memory_space<semaphore_mem>>
      %dma_start3A_100 = arith.constant 0 : i32
      %dma_start3A_101 = tpu.memref_slice %arg3[%run_scoped3A, %mul3A_8, %dma_start3A_100] : memref<2x2500x128xi32, #tpu.memory_space<hbm>> -> memref<1x78x128xi32, #tpu.memory_space<hbm>>
      %dma_start3A_102 = tpu.memref_squeeze %dma_start3A_101 : memref<1x78x128xi32, #tpu.memory_space<hbm>> -> memref<78x128xi32, #tpu.memory_space<hbm>>
      %dma_start3A_103 = arith.constant 0 : i32
      %dma_start3A_104 = tpu.memref_slice %arg3[%run_scoped3A, %mul3A_8, %dma_start3A_103] : memref<2x2500x128xi32, #tpu.memory_space<hbm>> -> memref<1x78x128xi32, #tpu.memory_space<hbm>>
      %dma_start3A_105 = tpu.memref_squeeze %dma_start3A_104 : memref<1x78x128xi32, #tpu.memory_space<hbm>> -> memref<78x128xi32, #tpu.memory_space<hbm>>
      tpu.enqueue_dma source(%dma_start3A_105 : memref<78x128xi32, #tpu.memory_space<hbm>>) target(%arg6 : memref<78x128xi32, #tpu.memory_space<vmem>>) target_semaphore(%run_scoped3A_99 : memref<!tpu.dma_semaphore, #tpu.memory_space<semaphore_mem>>)
      %dma_wait3A_106 = arith.constant 0 : i32
      %dma_wait3A_107 = tpu.memref_slice %arg3[%run_scoped3A, %mul3A_8, %dma_wait3A_106] : memref<2x2500x128xi32, #tpu.memory_space<hbm>> -> memref<1x78x128xi32, #tpu.memory_space<hbm>>
      %dma_wait3A_108 = tpu.memref_squeeze %dma_wait3A_107 : memref<1x78x128xi32, #tpu.memory_space<hbm>> -> memref<78x128xi32, #tpu.memory_space<hbm>>
      %dma_wait3A_109 = arith.constant 0 : i32
      %dma_wait3A_110 = tpu.memref_slice %arg3[%run_scoped3A, %mul3A_8, %dma_wait3A_109] : memref<2x2500x128xi32, #tpu.memory_space<hbm>> -> memref<1x78x128xi32, #tpu.memory_space<hbm>>
      %dma_wait3A_111 = tpu.memref_squeeze %dma_wait3A_110 : memref<1x78x128xi32, #tpu.memory_space<hbm>> -> memref<78x128xi32, #tpu.memory_space<hbm>>
      tpu.wait_dma2 semaphore(%run_scoped3A_99 : memref<!tpu.dma_semaphore, #tpu.memory_space<semaphore_mem>>) src(%dma_wait3A_111 : memref<78x128xi32, #tpu.memory_space<hbm>>) dst(%arg6 : memref<78x128xi32, #tpu.memory_space<vmem>>)
      tpu.yield
    }) : () -> ()
    %run_scoped3A_9 = arith.constant 1 : i32
    "tpu.region"() ({
      %run_scoped3A_99 = tpu.sem_alloc : memref<!tpu.dma_semaphore, #tpu.memory_space<semaphore_mem>>
      %dma_start3A_100 = arith.constant 0 : i32
      %dma_start3A_101 = tpu.memref_slice %arg3[%run_scoped3A_9, %mul3A_8, %dma_start3A_100] : memref<2x2500x128xi32, #tpu.memory_space<hbm>> -> memref<1x78x128xi32, #tpu.memory_space<hbm>>
      %dma_start3A_102 = tpu.memref_squeeze %dma_start3A_101 : memref<1x78x128xi32, #tpu.memory_space<hbm>> -> memref<78x128xi32, #tpu.memory_space<hbm>>
      %dma_start3A_103 = arith.constant 0 : i32
      %dma_start3A_104 = tpu.memref_slice %arg3[%run_scoped3A_9, %mul3A_8, %dma_start3A_103] : memref<2x2500x128xi32, #tpu.memory_space<hbm>> -> memref<1x78x128xi32, #tpu.memory_space<hbm>>
      %dma_start3A_105 = tpu.memref_squeeze %dma_start3A_104 : memref<1x78x128xi32, #tpu.memory_space<hbm>> -> memref<78x128xi32, #tpu.memory_space<hbm>>
      tpu.enqueue_dma source(%dma_start3A_105 : memref<78x128xi32, #tpu.memory_space<hbm>>) target(%arg7 : memref<78x128xi32, #tpu.memory_space<vmem>>) target_semaphore(%run_scoped3A_99 : memref<!tpu.dma_semaphore, #tpu.memory_space<semaphore_mem>>)
      %dma_wait3A_106 = arith.constant 0 : i32
      %dma_wait3A_107 = tpu.memref_slice %arg3[%run_scoped3A_9, %mul3A_8, %dma_wait3A_106] : memref<2x2500x128xi32, #tpu.memory_space<hbm>> -> memref<1x78x128xi32, #tpu.memory_space<hbm>>
      %dma_wait3A_108 = tpu.memref_squeeze %dma_wait3A_107 : memref<1x78x128xi32, #tpu.memory_space<hbm>> -> memref<78x128xi32, #tpu.memory_space<hbm>>
      %dma_wait3A_109 = arith.constant 0 : i32
      %dma_wait3A_110 = tpu.memref_slice %arg3[%run_scoped3A_9, %mul3A_8, %dma_wait3A_109] : memref<2x2500x128xi32, #tpu.memory_space<hbm>> -> memref<1x78x128xi32, #tpu.memory_space<hbm>>
      %dma_wait3A_111 = tpu.memref_squeeze %dma_wait3A_110 : memref<1x78x128xi32, #tpu.memory_space<hbm>> -> memref<78x128xi32, #tpu.memory_space<hbm>>
      tpu.wait_dma2 semaphore(%run_scoped3A_99 : memref<!tpu.dma_semaphore, #tpu.memory_space<semaphore_mem>>) src(%dma_wait3A_111 : memref<78x128xi32, #tpu.memory_space<hbm>>) dst(%arg7 : memref<78x128xi32, #tpu.memory_space<vmem>>)
      tpu.yield
    }) : () -> ()
    %lt3A = arith.constant 4 : i32
    %lt3A_10 = arith.cmpi slt, %add3A, %lt3A : i32
    %convert_element_type3A_11 = arith.extui %lt3A_10 : i1 to i32
    %cond3A_12 = arith.constant 0 : i32
    %cond3A_13 = arith.cmpi ne, %convert_element_type3A_11, %cond3A_12 : i32
    scf.if %cond3A_13 {
      %add3A_99 = arith.constant 2496 : i32
      %add3A_100 = arith.addi %add3A_99, %add3A : i32
      %run_scoped3A_101 = arith.constant 0 : i32
      "tpu.region"() ({
        %run_scoped3A_105 = tpu.sem_alloc : memref<!tpu.dma_semaphore, #tpu.memory_space<semaphore_mem>>
        %dma_start3A_106 = arith.constant 0 : i32
        %dma_start3A_107 = tpu.memref_slice %arg3[%run_scoped3A_101, %add3A_100, %dma_start3A_106] : memref<2x2500x128xi32, #tpu.memory_space<hbm>> -> memref<1x1x128xi32, #tpu.memory_space<hbm>>
        %dma_start3A_108 = tpu.memref_squeeze %dma_start3A_107 : memref<1x1x128xi32, #tpu.memory_space<hbm>> -> memref<1x128xi32, #tpu.memory_space<hbm>>
        %dma_start3A_109 = arith.constant 0 : i32
        %dma_start3A_110 = tpu.memref_slice %arg3[%run_scoped3A_101, %add3A_100, %dma_start3A_109] : memref<2x2500x128xi32, #tpu.memory_space<hbm>> -> memref<1x1x128xi32, #tpu.memory_space<hbm>>
        %dma_start3A_111 = tpu.memref_squeeze %dma_start3A_110 : memref<1x1x128xi32, #tpu.memory_space<hbm>> -> memref<1x128xi32, #tpu.memory_space<hbm>>
        tpu.enqueue_dma source(%dma_start3A_111 : memref<1x128xi32, #tpu.memory_space<hbm>>) target(%arg8 : memref<1x128xi32, #tpu.memory_space<vmem>>) target_semaphore(%run_scoped3A_105 : memref<!tpu.dma_semaphore, #tpu.memory_space<semaphore_mem>>)
        %dma_wait3A_112 = arith.constant 0 : i32
        %dma_wait3A_113 = tpu.memref_slice %arg3[%run_scoped3A_101, %add3A_100, %dma_wait3A_112] : memref<2x2500x128xi32, #tpu.memory_space<hbm>> -> memref<1x1x128xi32, #tpu.memory_space<hbm>>
        %dma_wait3A_114 = tpu.memref_squeeze %dma_wait3A_113 : memref<1x1x128xi32, #tpu.memory_space<hbm>> -> memref<1x128xi32, #tpu.memory_space<hbm>>
        %dma_wait3A_115 = arith.constant 0 : i32
        %dma_wait3A_116 = tpu.memref_slice %arg3[%run_scoped3A_101, %add3A_100, %dma_wait3A_115] : memref<2x2500x128xi32, #tpu.memory_space<hbm>> -> memref<1x1x128xi32, #tpu.memory_space<hbm>>
        %dma_wait3A_117 = tpu.memref_squeeze %dma_wait3A_116 : memref<1x1x128xi32, #tpu.memory_space<hbm>> -> memref<1x128xi32, #tpu.memory_space<hbm>>
        tpu.wait_dma2 semaphore(%run_scoped3A_105 : memref<!tpu.dma_semaphore, #tpu.memory_space<semaphore_mem>>) src(%dma_wait3A_117 : memref<1x128xi32, #tpu.memory_space<hbm>>) dst(%arg8 : memref<1x128xi32, #tpu.memory_space<vmem>>)
        tpu.yield
      }) : () -> ()
      %add3A_102 = arith.constant 2496 : i32
      %add3A_103 = arith.addi %add3A_102, %add3A : i32
      %run_scoped3A_104 = arith.constant 1 : i32
      "tpu.region"() ({
        %run_scoped3A_105 = tpu.sem_alloc : memref<!tpu.dma_semaphore, #tpu.memory_space<semaphore_mem>>
        %dma_start3A_106 = arith.constant 0 : i32
        %dma_start3A_107 = tpu.memref_slice %arg3[%run_scoped3A_104, %add3A_103, %dma_start3A_106] : memref<2x2500x128xi32, #tpu.memory_space<hbm>> -> memref<1x1x128xi32, #tpu.memory_space<hbm>>
        %dma_start3A_108 = tpu.memref_squeeze %dma_start3A_107 : memref<1x1x128xi32, #tpu.memory_space<hbm>> -> memref<1x128xi32, #tpu.memory_space<hbm>>
        %dma_start3A_109 = arith.constant 0 : i32
        %dma_start3A_110 = tpu.memref_slice %arg3[%run_scoped3A_104, %add3A_103, %dma_start3A_109] : memref<2x2500x128xi32, #tpu.memory_space<hbm>> -> memref<1x1x128xi32, #tpu.memory_space<hbm>>
        %dma_start3A_111 = tpu.memref_squeeze %dma_start3A_110 : memref<1x1x128xi32, #tpu.memory_space<hbm>> -> memref<1x128xi32, #tpu.memory_space<hbm>>
        tpu.enqueue_dma source(%dma_start3A_111 : memref<1x128xi32, #tpu.memory_space<hbm>>) target(%arg9 : memref<1x128xi32, #tpu.memory_space<vmem>>) target_semaphore(%run_scoped3A_105 : memref<!tpu.dma_semaphore, #tpu.memory_space<semaphore_mem>>)
        %dma_wait3A_112 = arith.constant 0 : i32
        %dma_wait3A_113 = tpu.memref_slice %arg3[%run_scoped3A_104, %add3A_103, %dma_wait3A_112] : memref<2x2500x128xi32, #tpu.memory_space<hbm>> -> memref<1x1x128xi32, #tpu.memory_space<hbm>>
        %dma_wait3A_114 = tpu.memref_squeeze %dma_wait3A_113 : memref<1x1x128xi32, #tpu.memory_space<hbm>> -> memref<1x128xi32, #tpu.memory_space<hbm>>
        %dma_wait3A_115 = arith.constant 0 : i32
        %dma_wait3A_116 = tpu.memref_slice %arg3[%run_scoped3A_104, %add3A_103, %dma_wait3A_115] : memref<2x2500x128xi32, #tpu.memory_space<hbm>> -> memref<1x1x128xi32, #tpu.memory_space<hbm>>
        %dma_wait3A_117 = tpu.memref_squeeze %dma_wait3A_116 : memref<1x1x128xi32, #tpu.memory_space<hbm>> -> memref<1x128xi32, #tpu.memory_space<hbm>>
        tpu.wait_dma2 semaphore(%run_scoped3A_105 : memref<!tpu.dma_semaphore, #tpu.memory_space<semaphore_mem>>) src(%dma_wait3A_117 : memref<1x128xi32, #tpu.memory_space<hbm>>) dst(%arg9 : memref<1x128xi32, #tpu.memory_space<vmem>>)
        tpu.yield
      }) : () -> ()
    } else {
    }
    %barrier3A = arith.constant 0 : index
    tpu.barrier barrier_id(%barrier3A)
    %dma_start3A = arith.constant 0 : i32
    %dma_start3A_14 = arith.constant 0 : i32
    %dma_start3A_15 = arith.constant 0 : i32
    %dma_start3A_16 = arith.constant 0 : i32
    %dma_start3A_17 = tpu.memref_slice %arg10[%dma_start3A_14, %dma_start3A_15, %dma_start3A_16] : memref<6x128x16xf32, #tpu.memory_space<vmem>> -> memref<1x128x16xf32, #tpu.memory_space<vmem>>
    %dma_start3A_18 = tpu.memref_squeeze %dma_start3A_17 : memref<1x128x16xf32, #tpu.memory_space<vmem>> -> memref<128x16xf32, #tpu.memory_space<vmem>>
    %dma_start3A_19 = arith.constant 0 : i32
    %dma_start3A_20 = tpu.memref_slice %arg7[%dma_start3A, %dma_start3A_19] : memref<78x128xi32, #tpu.memory_space<vmem>> -> memref<1x128xi32, #tpu.memory_space<vmem>>
    %dma_start3A_21 = tpu.memref_squeeze %dma_start3A_20 : memref<1x128xi32, #tpu.memory_space<vmem>> -> memref<128xi32, #tpu.memory_space<vmem>>
    %dma_start3A_22 = arith.constant 0 : i32
    %dma_start3A_23 = arith.constant 0 : i32
    %dma_start3A_24 = tpu.memref_slice %arg12[%dma_start3A_22, %dma_start3A_23] : memref<10000x16xf32, #tpu.memory_space<vmem_shared>> -> memref<10000x16xf32, #tpu.memory_space<vmem_shared>>
    tpu.enqueue_indirect_dma source(%dma_start3A_24 : memref<10000x16xf32, #tpu.memory_space<vmem_shared>>) target(%dma_start3A_18 : memref<128x16xf32, #tpu.memory_space<vmem>>) offsets(%dma_start3A_21 : memref<128xi32, #tpu.memory_space<vmem>>) semaphore(%arg13 : memref<!tpu.dma_semaphore, #tpu.memory_space<semaphore_mem>>)
    %dma_start3A_25 = arith.constant 1 : i32
    %dma_start3A_26 = arith.constant 1 : i32
    %dma_start3A_27 = arith.constant 0 : i32
    %dma_start3A_28 = arith.constant 0 : i32
    %dma_start3A_29 = tpu.memref_slice %arg10[%dma_start3A_26, %dma_start3A_27, %dma_start3A_28] : memref<6x128x16xf32, #tpu.memory_space<vmem>> -> memref<1x128x16xf32, #tpu.memory_space<vmem>>
    %dma_start3A_30 = tpu.memref_squeeze %dma_start3A_29 : memref<1x128x16xf32, #tpu.memory_space<vmem>> -> memref<128x16xf32, #tpu.memory_space<vmem>>
    %dma_start3A_31 = arith.constant 0 : i32
    %dma_start3A_32 = tpu.memref_slice %arg7[%dma_start3A_25, %dma_start3A_31] : memref<78x128xi32, #tpu.memory_space<vmem>> -> memref<1x128xi32, #tpu.memory_space<vmem>>
    %dma_start3A_33 = tpu.memref_squeeze %dma_start3A_32 : memref<1x128xi32, #tpu.memory_space<vmem>> -> memref<128xi32, #tpu.memory_space<vmem>>
    %dma_start3A_34 = arith.constant 0 : i32
    %dma_start3A_35 = arith.constant 0 : i32
    %dma_start3A_36 = tpu.memref_slice %arg12[%dma_start3A_34, %dma_start3A_35] : memref<10000x16xf32, #tpu.memory_space<vmem_shared>> -> memref<10000x16xf32, #tpu.memory_space<vmem_shared>>
    tpu.enqueue_indirect_dma source(%dma_start3A_36 : memref<10000x16xf32, #tpu.memory_space<vmem_shared>>) target(%dma_start3A_30 : memref<128x16xf32, #tpu.memory_space<vmem>>) offsets(%dma_start3A_33 : memref<128xi32, #tpu.memory_space<vmem>>) semaphore(%arg14 : memref<!tpu.dma_semaphore, #tpu.memory_space<semaphore_mem>>)
    %dma_start3A_37 = arith.constant 2 : i32
    %dma_start3A_38 = arith.constant 2 : i32
    %dma_start3A_39 = arith.constant 0 : i32
    %dma_start3A_40 = arith.constant 0 : i32
    %dma_start3A_41 = tpu.memref_slice %arg10[%dma_start3A_38, %dma_start3A_39, %dma_start3A_40] : memref<6x128x16xf32, #tpu.memory_space<vmem>> -> memref<1x128x16xf32, #tpu.memory_space<vmem>>
    %dma_start3A_42 = tpu.memref_squeeze %dma_start3A_41 : memref<1x128x16xf32, #tpu.memory_space<vmem>> -> memref<128x16xf32, #tpu.memory_space<vmem>>
    %dma_start3A_43 = arith.constant 0 : i32
    %dma_start3A_44 = tpu.memref_slice %arg7[%dma_start3A_37, %dma_start3A_43] : memref<78x128xi32, #tpu.memory_space<vmem>> -> memref<1x128xi32, #tpu.memory_space<vmem>>
    %dma_start3A_45 = tpu.memref_squeeze %dma_start3A_44 : memref<1x128xi32, #tpu.memory_space<vmem>> -> memref<128xi32, #tpu.memory_space<vmem>>
    %dma_start3A_46 = arith.constant 0 : i32
    %dma_start3A_47 = arith.constant 0 : i32
    %dma_start3A_48 = tpu.memref_slice %arg12[%dma_start3A_46, %dma_start3A_47] : memref<10000x16xf32, #tpu.memory_space<vmem_shared>> -> memref<10000x16xf32, #tpu.memory_space<vmem_shared>>
    tpu.enqueue_indirect_dma source(%dma_start3A_48 : memref<10000x16xf32, #tpu.memory_space<vmem_shared>>) target(%dma_start3A_42 : memref<128x16xf32, #tpu.memory_space<vmem>>) offsets(%dma_start3A_45 : memref<128xi32, #tpu.memory_space<vmem>>) semaphore(%arg15 : memref<!tpu.dma_semaphore, #tpu.memory_space<semaphore_mem>>)
    %scan3A = arith.constant 0 : i32
    %scan3A_49 = arith.constant 0 : i32
    %scan3A_50 = arith.constant 13 : i32
    %scan3A_51 = arith.addi %scan3A_49, %scan3A_50 : i32
    %scan3A_52 = arith.constant 1 : i32
    scf.for %scan3A_99 = %scan3A_49 to %scan3A_51 step %scan3A_52  : i32 {
      %mul3A_100 = arith.constant 6 : i32
      %mul3A_101 = arith.muli %scan3A_99, %mul3A_100 : i32
      %add3A_102 = arith.constant 0 : i32
      %add3A_103 = arith.addi %mul3A_101, %add3A_102 : i32
      %dma_wait3A_104 = arith.constant 0 : i32
      %dma_wait3A_105 = arith.constant 0 : i32
      %dma_wait3A_106 = arith.constant 0 : i32
      %dma_wait3A_107 = tpu.memref_slice %arg10[%dma_wait3A_104, %dma_wait3A_105, %dma_wait3A_106] : memref<6x128x16xf32, #tpu.memory_space<vmem>> -> memref<1x128x16xf32, #tpu.memory_space<vmem>>
      %dma_wait3A_108 = tpu.memref_squeeze %dma_wait3A_107 : memref<1x128x16xf32, #tpu.memory_space<vmem>> -> memref<128x16xf32, #tpu.memory_space<vmem>>
      %dma_wait3A_109 = arith.constant 0 : i32
      %dma_wait3A_110 = tpu.memref_slice %arg7[%add3A_103, %dma_wait3A_109] : memref<78x128xi32, #tpu.memory_space<vmem>> -> memref<1x128xi32, #tpu.memory_space<vmem>>
      %dma_wait3A_111 = tpu.memref_squeeze %dma_wait3A_110 : memref<1x128xi32, #tpu.memory_space<vmem>> -> memref<128xi32, #tpu.memory_space<vmem>>
      %dma_wait3A_112 = arith.constant 0 : i32
      %dma_wait3A_113 = arith.constant 0 : i32
      %dma_wait3A_114 = tpu.memref_slice %arg12[%dma_wait3A_112, %dma_wait3A_113] : memref<10000x16xf32, #tpu.memory_space<vmem_shared>> -> memref<10000x16xf32, #tpu.memory_space<vmem_shared>>
      tpu.wait_indirect_dma semaphore(%arg13 : memref<!tpu.dma_semaphore, #tpu.memory_space<semaphore_mem>>) src(%dma_wait3A_114 : memref<10000x16xf32, #tpu.memory_space<vmem_shared>>) dst(%dma_wait3A_108 : memref<128x16xf32, #tpu.memory_space<vmem>>)
      %dma_start3A_115 = arith.constant 0 : i32
      %dma_start3A_116 = arith.constant 0 : i32
      %dma_start3A_117 = arith.constant 0 : i32
      %dma_start3A_118 = tpu.memref_slice %arg10[%dma_start3A_115, %dma_start3A_116, %dma_start3A_117] : memref<6x128x16xf32, #tpu.memory_space<vmem>> -> memref<1x128x16xf32, #tpu.memory_space<vmem>>
      %dma_start3A_119 = tpu.memref_squeeze %dma_start3A_118 : memref<1x128x16xf32, #tpu.memory_space<vmem>> -> memref<128x16xf32, #tpu.memory_space<vmem>>
      %dma_start3A_120 = arith.constant 0 : i32
      %dma_start3A_121 = tpu.memref_slice %arg6[%add3A_103, %dma_start3A_120] : memref<78x128xi32, #tpu.memory_space<vmem>> -> memref<1x128xi32, #tpu.memory_space<vmem>>
      %dma_start3A_122 = tpu.memref_squeeze %dma_start3A_121 : memref<1x128xi32, #tpu.memory_space<vmem>> -> memref<128xi32, #tpu.memory_space<vmem>>
      %dma_start3A_123 = arith.constant 0 : i32
      %dma_start3A_124 = arith.constant 0 : i32
      %dma_start3A_125 = tpu.memref_slice %arg11[%dma_start3A_123, %dma_start3A_124] : memref<10240x16xf32, #tpu.memory_space<vmem_shared>> -> memref<10240x16xf32, #tpu.memory_space<vmem_shared>>
      tpu.enqueue_indirect_dma source(%dma_start3A_119 : memref<128x16xf32, #tpu.memory_space<vmem>>) target(%dma_start3A_125 : memref<10240x16xf32, #tpu.memory_space<vmem_shared>>) offsets(%dma_start3A_122 : memref<128xi32, #tpu.memory_space<vmem>>) semaphore(%arg19 : memref<!tpu.dma_semaphore, #tpu.memory_space<semaphore_mem>>) {add = true}
      %sub3A = arith.constant 3 : i32
      %sub3A_126 = arith.subi %add3A_103, %sub3A : i32
      %ge3A = arith.constant 0 : i32
      %ge3A_127 = arith.cmpi sge, %sub3A_126, %ge3A : i32
      %convert_element_type3A_128 = arith.extui %ge3A_127 : i1 to i32
      %cond3A_129 = arith.constant 0 : i32
      %cond3A_130 = arith.cmpi ne, %convert_element_type3A_128, %cond3A_129 : i32
      scf.if %cond3A_130 {
        %sub3A_328 = arith.constant 3 : i32
        %sub3A_329 = arith.subi %add3A_103, %sub3A_328 : i32
        %dma_wait3A_330 = arith.constant 3 : i32
        %dma_wait3A_331 = arith.constant 0 : i32
        %dma_wait3A_332 = arith.constant 0 : i32
        %dma_wait3A_333 = tpu.memref_slice %arg10[%dma_wait3A_330, %dma_wait3A_331, %dma_wait3A_332] : memref<6x128x16xf32, #tpu.memory_space<vmem>> -> memref<1x128x16xf32, #tpu.memory_space<vmem>>
        %dma_wait3A_334 = tpu.memref_squeeze %dma_wait3A_333 : memref<1x128x16xf32, #tpu.memory_space<vmem>> -> memref<128x16xf32, #tpu.memory_space<vmem>>
        %dma_wait3A_335 = arith.constant 0 : i32
        %dma_wait3A_336 = tpu.memref_slice %arg6[%sub3A_329, %dma_wait3A_335] : memref<78x128xi32, #tpu.memory_space<vmem>> -> memref<1x128xi32, #tpu.memory_space<vmem>>
        %dma_wait3A_337 = tpu.memref_squeeze %dma_wait3A_336 : memref<1x128xi32, #tpu.memory_space<vmem>> -> memref<128xi32, #tpu.memory_space<vmem>>
        %dma_wait3A_338 = arith.constant 0 : i32
        %dma_wait3A_339 = arith.constant 0 : i32
        %dma_wait3A_340 = tpu.memref_slice %arg11[%dma_wait3A_338, %dma_wait3A_339] : memref<10240x16xf32, #tpu.memory_space<vmem_shared>> -> memref<10240x16xf32, #tpu.memory_space<vmem_shared>>
        tpu.wait_indirect_dma semaphore(%arg22 : memref<!tpu.dma_semaphore, #tpu.memory_space<semaphore_mem>>) src(%dma_wait3A_334 : memref<128x16xf32, #tpu.memory_space<vmem>>) dst(%dma_wait3A_340 : memref<10240x16xf32, #tpu.memory_space<vmem_shared>>)
      } else {
      }
      %add3A_131 = arith.constant 3 : i32
      %add3A_132 = arith.addi %add3A_103, %add3A_131 : i32
      %lt3A_133 = arith.constant 78 : i32
      %lt3A_134 = arith.cmpi slt, %add3A_132, %lt3A_133 : i32
      %convert_element_type3A_135 = arith.extui %lt3A_134 : i1 to i32
      %cond3A_136 = arith.constant 0 : i32
      %cond3A_137 = arith.cmpi ne, %convert_element_type3A_135, %cond3A_136 : i32
      scf.if %cond3A_137 {
        %add3A_328 = arith.constant 3 : i32
        %add3A_329 = arith.addi %add3A_103, %add3A_328 : i32
        %dma_start3A_330 = arith.constant 3 : i32
        %dma_start3A_331 = arith.constant 0 : i32
        %dma_start3A_332 = arith.constant 0 : i32
        %dma_start3A_333 = tpu.memref_slice %arg10[%dma_start3A_330, %dma_start3A_331, %dma_start3A_332] : memref<6x128x16xf32, #tpu.memory_space<vmem>> -> memref<1x128x16xf32, #tpu.memory_space<vmem>>
        %dma_start3A_334 = tpu.memref_squeeze %dma_start3A_333 : memref<1x128x16xf32, #tpu.memory_space<vmem>> -> memref<128x16xf32, #tpu.memory_space<vmem>>
        %dma_start3A_335 = arith.constant 0 : i32
        %dma_start3A_336 = tpu.memref_slice %arg7[%add3A_329, %dma_start3A_335] : memref<78x128xi32, #tpu.memory_space<vmem>> -> memref<1x128xi32, #tpu.memory_space<vmem>>
        %dma_start3A_337 = tpu.memref_squeeze %dma_start3A_336 : memref<1x128xi32, #tpu.memory_space<vmem>> -> memref<128xi32, #tpu.memory_space<vmem>>
        %dma_start3A_338 = arith.constant 0 : i32
        %dma_start3A_339 = arith.constant 0 : i32
        %dma_start3A_340 = tpu.memref_slice %arg12[%dma_start3A_338, %dma_start3A_339] : memref<10000x16xf32, #tpu.memory_space<vmem_shared>> -> memref<10000x16xf32, #tpu.memory_space<vmem_shared>>
        tpu.enqueue_indirect_dma source(%dma_start3A_340 : memref<10000x16xf32, #tpu.memory_space<vmem_shared>>) target(%dma_start3A_334 : memref<128x16xf32, #tpu.memory_space<vmem>>) offsets(%dma_start3A_337 : memref<128xi32, #tpu.memory_space<vmem>>) semaphore(%arg16 : memref<!tpu.dma_semaphore, #tpu.memory_space<semaphore_mem>>)
      } else {
      }
      %add3A_138 = arith.constant 1 : i32
      %add3A_139 = arith.addi %mul3A_101, %add3A_138 : i32
      %dma_wait3A_140 = arith.constant 1 : i32
      %dma_wait3A_141 = arith.constant 0 : i32
      %dma_wait3A_142 = arith.constant 0 : i32
      %dma_wait3A_143 = tpu.memref_slice %arg10[%dma_wait3A_140, %dma_wait3A_141, %dma_wait3A_142] : memref<6x128x16xf32, #tpu.memory_space<vmem>> -> memref<1x128x16xf32, #tpu.memory_space<vmem>>
      %dma_wait3A_144 = tpu.memref_squeeze %dma_wait3A_143 : memref<1x128x16xf32, #tpu.memory_space<vmem>> -> memref<128x16xf32, #tpu.memory_space<vmem>>
      %dma_wait3A_145 = arith.constant 0 : i32
      %dma_wait3A_146 = tpu.memref_slice %arg7[%add3A_139, %dma_wait3A_145] : memref<78x128xi32, #tpu.memory_space<vmem>> -> memref<1x128xi32, #tpu.memory_space<vmem>>
      %dma_wait3A_147 = tpu.memref_squeeze %dma_wait3A_146 : memref<1x128xi32, #tpu.memory_space<vmem>> -> memref<128xi32, #tpu.memory_space<vmem>>
      %dma_wait3A_148 = arith.constant 0 : i32
      %dma_wait3A_149 = arith.constant 0 : i32
      %dma_wait3A_150 = tpu.memref_slice %arg12[%dma_wait3A_148, %dma_wait3A_149] : memref<10000x16xf32, #tpu.memory_space<vmem_shared>> -> memref<10000x16xf32, #tpu.memory_space<vmem_shared>>
      tpu.wait_indirect_dma semaphore(%arg14 : memref<!tpu.dma_semaphore, #tpu.memory_space<semaphore_mem>>) src(%dma_wait3A_150 : memref<10000x16xf32, #tpu.memory_space<vmem_shared>>) dst(%dma_wait3A_144 : memref<128x16xf32, #tpu.memory_space<vmem>>)
      %dma_start3A_151 = arith.constant 1 : i32
      %dma_start3A_152 = arith.constant 0 : i32
      %dma_start3A_153 = arith.constant 0 : i32
      %dma_start3A_154 = tpu.memref_slice %arg10[%dma_start3A_151, %dma_start3A_152, %dma_start3A_153] : memref<6x128x16xf32, #tpu.memory_space<vmem>> -> memref<1x128x16xf32, #tpu.memory_space<vmem>>
      %dma_start3A_155 = tpu.memref_squeeze %dma_start3A_154 : memref<1x128x16xf32, #tpu.memory_space<vmem>> -> memref<128x16xf32, #tpu.memory_space<vmem>>
      %dma_start3A_156 = arith.constant 0 : i32
      %dma_start3A_157 = tpu.memref_slice %arg6[%add3A_139, %dma_start3A_156] : memref<78x128xi32, #tpu.memory_space<vmem>> -> memref<1x128xi32, #tpu.memory_space<vmem>>
      %dma_start3A_158 = tpu.memref_squeeze %dma_start3A_157 : memref<1x128xi32, #tpu.memory_space<vmem>> -> memref<128xi32, #tpu.memory_space<vmem>>
      %dma_start3A_159 = arith.constant 0 : i32
      %dma_start3A_160 = arith.constant 0 : i32
      %dma_start3A_161 = tpu.memref_slice %arg11[%dma_start3A_159, %dma_start3A_160] : memref<10240x16xf32, #tpu.memory_space<vmem_shared>> -> memref<10240x16xf32, #tpu.memory_space<vmem_shared>>
      tpu.enqueue_indirect_dma source(%dma_start3A_155 : memref<128x16xf32, #tpu.memory_space<vmem>>) target(%dma_start3A_161 : memref<10240x16xf32, #tpu.memory_space<vmem_shared>>) offsets(%dma_start3A_158 : memref<128xi32, #tpu.memory_space<vmem>>) semaphore(%arg20 : memref<!tpu.dma_semaphore, #tpu.memory_space<semaphore_mem>>) {add = true}
      %sub3A_162 = arith.constant 3 : i32
      %sub3A_163 = arith.subi %add3A_139, %sub3A_162 : i32
      %ge3A_164 = arith.constant 0 : i32
      %ge3A_165 = arith.cmpi sge, %sub3A_163, %ge3A_164 : i32
      %convert_element_type3A_166 = arith.extui %ge3A_165 : i1 to i32
      %cond3A_167 = arith.constant 0 : i32
      %cond3A_168 = arith.cmpi ne, %convert_element_type3A_166, %cond3A_167 : i32
      scf.if %cond3A_168 {
        %sub3A_328 = arith.constant 3 : i32
        %sub3A_329 = arith.subi %add3A_139, %sub3A_328 : i32
        %dma_wait3A_330 = arith.constant 4 : i32
        %dma_wait3A_331 = arith.constant 0 : i32
        %dma_wait3A_332 = arith.constant 0 : i32
        %dma_wait3A_333 = tpu.memref_slice %arg10[%dma_wait3A_330, %dma_wait3A_331, %dma_wait3A_332] : memref<6x128x16xf32, #tpu.memory_space<vmem>> -> memref<1x128x16xf32, #tpu.memory_space<vmem>>
        %dma_wait3A_334 = tpu.memref_squeeze %dma_wait3A_333 : memref<1x128x16xf32, #tpu.memory_space<vmem>> -> memref<128x16xf32, #tpu.memory_space<vmem>>
        %dma_wait3A_335 = arith.constant 0 : i32
        %dma_wait3A_336 = tpu.memref_slice %arg6[%sub3A_329, %dma_wait3A_335] : memref<78x128xi32, #tpu.memory_space<vmem>> -> memref<1x128xi32, #tpu.memory_space<vmem>>
        %dma_wait3A_337 = tpu.memref_squeeze %dma_wait3A_336 : memref<1x128xi32, #tpu.memory_space<vmem>> -> memref<128xi32, #tpu.memory_space<vmem>>
        %dma_wait3A_338 = arith.constant 0 : i32
        %dma_wait3A_339 = arith.constant 0 : i32
        %dma_wait3A_340 = tpu.memref_slice %arg11[%dma_wait3A_338, %dma_wait3A_339] : memref<10240x16xf32, #tpu.memory_space<vmem_shared>> -> memref<10240x16xf32, #tpu.memory_space<vmem_shared>>
        tpu.wait_indirect_dma semaphore(%arg23 : memref<!tpu.dma_semaphore, #tpu.memory_space<semaphore_mem>>) src(%dma_wait3A_334 : memref<128x16xf32, #tpu.memory_space<vmem>>) dst(%dma_wait3A_340 : memref<10240x16xf32, #tpu.memory_space<vmem_shared>>)
      } else {
      }
      %add3A_169 = arith.constant 3 : i32
      %add3A_170 = arith.addi %add3A_139, %add3A_169 : i32
      %lt3A_171 = arith.constant 78 : i32
      %lt3A_172 = arith.cmpi slt, %add3A_170, %lt3A_171 : i32
      %convert_element_type3A_173 = arith.extui %lt3A_172 : i1 to i32
      %cond3A_174 = arith.constant 0 : i32
      %cond3A_175 = arith.cmpi ne, %convert_element_type3A_173, %cond3A_174 : i32
      scf.if %cond3A_175 {
        %add3A_328 = arith.constant 3 : i32
        %add3A_329 = arith.addi %add3A_139, %add3A_328 : i32
        %dma_start3A_330 = arith.constant 4 : i32
        %dma_start3A_331 = arith.constant 0 : i32
        %dma_start3A_332 = arith.constant 0 : i32
        %dma_start3A_333 = tpu.memref_slice %arg10[%dma_start3A_330, %dma_start3A_331, %dma_start3A_332] : memref<6x128x16xf32, #tpu.memory_space<vmem>> -> memref<1x128x16xf32, #tpu.memory_space<vmem>>
        %dma_start3A_334 = tpu.memref_squeeze %dma_start3A_333 : memref<1x128x16xf32, #tpu.memory_space<vmem>> -> memref<128x16xf32, #tpu.memory_space<vmem>>
        %dma_start3A_335 = arith.constant 0 : i32
        %dma_start3A_336 = tpu.memref_slice %arg7[%add3A_329, %dma_start3A_335] : memref<78x128xi32, #tpu.memory_space<vmem>> -> memref<1x128xi32, #tpu.memory_space<vmem>>
        %dma_start3A_337 = tpu.memref_squeeze %dma_start3A_336 : memref<1x128xi32, #tpu.memory_space<vmem>> -> memref<128xi32, #tpu.memory_space<vmem>>
        %dma_start3A_338 = arith.constant 0 : i32
        %dma_start3A_339 = arith.constant 0 : i32
        %dma_start3A_340 = tpu.memref_slice %arg12[%dma_start3A_338, %dma_start3A_339] : memref<10000x16xf32, #tpu.memory_space<vmem_shared>> -> memref<10000x16xf32, #tpu.memory_space<vmem_shared>>
        tpu.enqueue_indirect_dma source(%dma_start3A_340 : memref<10000x16xf32, #tpu.memory_space<vmem_shared>>) target(%dma_start3A_334 : memref<128x16xf32, #tpu.memory_space<vmem>>) offsets(%dma_start3A_337 : memref<128xi32, #tpu.memory_space<vmem>>) semaphore(%arg17 : memref<!tpu.dma_semaphore, #tpu.memory_space<semaphore_mem>>)
      } else {
      }
      %add3A_176 = arith.constant 2 : i32
      %add3A_177 = arith.addi %mul3A_101, %add3A_176 : i32
      %dma_wait3A_178 = arith.constant 2 : i32
      %dma_wait3A_179 = arith.constant 0 : i32
      %dma_wait3A_180 = arith.constant 0 : i32
      %dma_wait3A_181 = tpu.memref_slice %arg10[%dma_wait3A_178, %dma_wait3A_179, %dma_wait3A_180] : memref<6x128x16xf32, #tpu.memory_space<vmem>> -> memref<1x128x16xf32, #tpu.memory_space<vmem>>
      %dma_wait3A_182 = tpu.memref_squeeze %dma_wait3A_181 : memref<1x128x16xf32, #tpu.memory_space<vmem>> -> memref<128x16xf32, #tpu.memory_space<vmem>>
      %dma_wait3A_183 = arith.constant 0 : i32
      %dma_wait3A_184 = tpu.memref_slice %arg7[%add3A_177, %dma_wait3A_183] : memref<78x128xi32, #tpu.memory_space<vmem>> -> memref<1x128xi32, #tpu.memory_space<vmem>>
      %dma_wait3A_185 = tpu.memref_squeeze %dma_wait3A_184 : memref<1x128xi32, #tpu.memory_space<vmem>> -> memref<128xi32, #tpu.memory_space<vmem>>
      %dma_wait3A_186 = arith.constant 0 : i32
      %dma_wait3A_187 = arith.constant 0 : i32
      %dma_wait3A_188 = tpu.memref_slice %arg12[%dma_wait3A_186, %dma_wait3A_187] : memref<10000x16xf32, #tpu.memory_space<vmem_shared>> -> memref<10000x16xf32, #tpu.memory_space<vmem_shared>>
      tpu.wait_indirect_dma semaphore(%arg15 : memref<!tpu.dma_semaphore, #tpu.memory_space<semaphore_mem>>) src(%dma_wait3A_188 : memref<10000x16xf32, #tpu.memory_space<vmem_shared>>) dst(%dma_wait3A_182 : memref<128x16xf32, #tpu.memory_space<vmem>>)
      %dma_start3A_189 = arith.constant 2 : i32
      %dma_start3A_190 = arith.constant 0 : i32
      %dma_start3A_191 = arith.constant 0 : i32
      %dma_start3A_192 = tpu.memref_slice %arg10[%dma_start3A_189, %dma_start3A_190, %dma_start3A_191] : memref<6x128x16xf32, #tpu.memory_space<vmem>> -> memref<1x128x16xf32, #tpu.memory_space<vmem>>
      %dma_start3A_193 = tpu.memref_squeeze %dma_start3A_192 : memref<1x128x16xf32, #tpu.memory_space<vmem>> -> memref<128x16xf32, #tpu.memory_space<vmem>>
      %dma_start3A_194 = arith.constant 0 : i32
      %dma_start3A_195 = tpu.memref_slice %arg6[%add3A_177, %dma_start3A_194] : memref<78x128xi32, #tpu.memory_space<vmem>> -> memref<1x128xi32, #tpu.memory_space<vmem>>
      %dma_start3A_196 = tpu.memref_squeeze %dma_start3A_195 : memref<1x128xi32, #tpu.memory_space<vmem>> -> memref<128xi32, #tpu.memory_space<vmem>>
      %dma_start3A_197 = arith.constant 0 : i32
      %dma_start3A_198 = arith.constant 0 : i32
      %dma_start3A_199 = tpu.memref_slice %arg11[%dma_start3A_197, %dma_start3A_198] : memref<10240x16xf32, #tpu.memory_space<vmem_shared>> -> memref<10240x16xf32, #tpu.memory_space<vmem_shared>>
      tpu.enqueue_indirect_dma source(%dma_start3A_193 : memref<128x16xf32, #tpu.memory_space<vmem>>) target(%dma_start3A_199 : memref<10240x16xf32, #tpu.memory_space<vmem_shared>>) offsets(%dma_start3A_196 : memref<128xi32, #tpu.memory_space<vmem>>) semaphore(%arg21 : memref<!tpu.dma_semaphore, #tpu.memory_space<semaphore_mem>>) {add = true}
      %sub3A_200 = arith.constant 3 : i32
      %sub3A_201 = arith.subi %add3A_177, %sub3A_200 : i32
      %ge3A_202 = arith.constant 0 : i32
      %ge3A_203 = arith.cmpi sge, %sub3A_201, %ge3A_202 : i32
      %convert_element_type3A_204 = arith.extui %ge3A_203 : i1 to i32
      %cond3A_205 = arith.constant 0 : i32
      %cond3A_206 = arith.cmpi ne, %convert_element_type3A_204, %cond3A_205 : i32
      scf.if %cond3A_206 {
        %sub3A_328 = arith.constant 3 : i32
        %sub3A_329 = arith.subi %add3A_177, %sub3A_328 : i32
        %dma_wait3A_330 = arith.constant 5 : i32
        %dma_wait3A_331 = arith.constant 0 : i32
        %dma_wait3A_332 = arith.constant 0 : i32
        %dma_wait3A_333 = tpu.memref_slice %arg10[%dma_wait3A_330, %dma_wait3A_331, %dma_wait3A_332] : memref<6x128x16xf32, #tpu.memory_space<vmem>> -> memref<1x128x16xf32, #tpu.memory_space<vmem>>
        %dma_wait3A_334 = tpu.memref_squeeze %dma_wait3A_333 : memref<1x128x16xf32, #tpu.memory_space<vmem>> -> memref<128x16xf32, #tpu.memory_space<vmem>>
        %dma_wait3A_335 = arith.constant 0 : i32
        %dma_wait3A_336 = tpu.memref_slice %arg6[%sub3A_329, %dma_wait3A_335] : memref<78x128xi32, #tpu.memory_space<vmem>> -> memref<1x128xi32, #tpu.memory_space<vmem>>
        %dma_wait3A_337 = tpu.memref_squeeze %dma_wait3A_336 : memref<1x128xi32, #tpu.memory_space<vmem>> -> memref<128xi32, #tpu.memory_space<vmem>>
        %dma_wait3A_338 = arith.constant 0 : i32
        %dma_wait3A_339 = arith.constant 0 : i32
        %dma_wait3A_340 = tpu.memref_slice %arg11[%dma_wait3A_338, %dma_wait3A_339] : memref<10240x16xf32, #tpu.memory_space<vmem_shared>> -> memref<10240x16xf32, #tpu.memory_space<vmem_shared>>
        tpu.wait_indirect_dma semaphore(%arg24 : memref<!tpu.dma_semaphore, #tpu.memory_space<semaphore_mem>>) src(%dma_wait3A_334 : memref<128x16xf32, #tpu.memory_space<vmem>>) dst(%dma_wait3A_340 : memref<10240x16xf32, #tpu.memory_space<vmem_shared>>)
      } else {
      }
      %add3A_207 = arith.constant 3 : i32
      %add3A_208 = arith.addi %add3A_177, %add3A_207 : i32
      %lt3A_209 = arith.constant 78 : i32
      %lt3A_210 = arith.cmpi slt, %add3A_208, %lt3A_209 : i32
      %convert_element_type3A_211 = arith.extui %lt3A_210 : i1 to i32
      %cond3A_212 = arith.constant 0 : i32
      %cond3A_213 = arith.cmpi ne, %convert_element_type3A_211, %cond3A_212 : i32
      scf.if %cond3A_213 {
        %add3A_328 = arith.constant 3 : i32
        %add3A_329 = arith.addi %add3A_177, %add3A_328 : i32
        %dma_start3A_330 = arith.constant 5 : i32
        %dma_start3A_331 = arith.constant 0 : i32
        %dma_start3A_332 = arith.constant 0 : i32
        %dma_start3A_333 = tpu.memref_slice %arg10[%dma_start3A_330, %dma_start3A_331, %dma_start3A_332] : memref<6x128x16xf32, #tpu.memory_space<vmem>> -> memref<1x128x16xf32, #tpu.memory_space<vmem>>
        %dma_start3A_334 = tpu.memref_squeeze %dma_start3A_333 : memref<1x128x16xf32, #tpu.memory_space<vmem>> -> memref<128x16xf32, #tpu.memory_space<vmem>>
        %dma_start3A_335 = arith.constant 0 : i32
        %dma_start3A_336 = tpu.memref_slice %arg7[%add3A_329, %dma_start3A_335] : memref<78x128xi32, #tpu.memory_space<vmem>> -> memref<1x128xi32, #tpu.memory_space<vmem>>
        %dma_start3A_337 = tpu.memref_squeeze %dma_start3A_336 : memref<1x128xi32, #tpu.memory_space<vmem>> -> memref<128xi32, #tpu.memory_space<vmem>>
        %dma_start3A_338 = arith.constant 0 : i32
        %dma_start3A_339 = arith.constant 0 : i32
        %dma_start3A_340 = tpu.memref_slice %arg12[%dma_start3A_338, %dma_start3A_339] : memref<10000x16xf32, #tpu.memory_space<vmem_shared>> -> memref<10000x16xf32, #tpu.memory_space<vmem_shared>>
        tpu.enqueue_indirect_dma source(%dma_start3A_340 : memref<10000x16xf32, #tpu.memory_space<vmem_shared>>) target(%dma_start3A_334 : memref<128x16xf32, #tpu.memory_space<vmem>>) offsets(%dma_start3A_337 : memref<128xi32, #tpu.memory_space<vmem>>) semaphore(%arg18 : memref<!tpu.dma_semaphore, #tpu.memory_space<semaphore_mem>>)
      } else {
      }
      %add3A_214 = arith.constant 3 : i32
      %add3A_215 = arith.addi %mul3A_101, %add3A_214 : i32
      %dma_wait3A_216 = arith.constant 3 : i32
      %dma_wait3A_217 = arith.constant 0 : i32
      %dma_wait3A_218 = arith.constant 0 : i32
      %dma_wait3A_219 = tpu.memref_slice %arg10[%dma_wait3A_216, %dma_wait3A_217, %dma_wait3A_218] : memref<6x128x16xf32, #tpu.memory_space<vmem>> -> memref<1x128x16xf32, #tpu.memory_space<vmem>>
      %dma_wait3A_220 = tpu.memref_squeeze %dma_wait3A_219 : memref<1x128x16xf32, #tpu.memory_space<vmem>> -> memref<128x16xf32, #tpu.memory_space<vmem>>
      %dma_wait3A_221 = arith.constant 0 : i32
      %dma_wait3A_222 = tpu.memref_slice %arg7[%add3A_215, %dma_wait3A_221] : memref<78x128xi32, #tpu.memory_space<vmem>> -> memref<1x128xi32, #tpu.memory_space<vmem>>
      %dma_wait3A_223 = tpu.memref_squeeze %dma_wait3A_222 : memref<1x128xi32, #tpu.memory_space<vmem>> -> memref<128xi32, #tpu.memory_space<vmem>>
      %dma_wait3A_224 = arith.constant 0 : i32
      %dma_wait3A_225 = arith.constant 0 : i32
      %dma_wait3A_226 = tpu.memref_slice %arg12[%dma_wait3A_224, %dma_wait3A_225] : memref<10000x16xf32, #tpu.memory_space<vmem_shared>> -> memref<10000x16xf32, #tpu.memory_space<vmem_shared>>
      tpu.wait_indirect_dma semaphore(%arg16 : memref<!tpu.dma_semaphore, #tpu.memory_space<semaphore_mem>>) src(%dma_wait3A_226 : memref<10000x16xf32, #tpu.memory_space<vmem_shared>>) dst(%dma_wait3A_220 : memref<128x16xf32, #tpu.memory_space<vmem>>)
      %dma_start3A_227 = arith.constant 3 : i32
      %dma_start3A_228 = arith.constant 0 : i32
      %dma_start3A_229 = arith.constant 0 : i32
      %dma_start3A_230 = tpu.memref_slice %arg10[%dma_start3A_227, %dma_start3A_228, %dma_start3A_229] : memref<6x128x16xf32, #tpu.memory_space<vmem>> -> memref<1x128x16xf32, #tpu.memory_space<vmem>>
      %dma_start3A_231 = tpu.memref_squeeze %dma_start3A_230 : memref<1x128x16xf32, #tpu.memory_space<vmem>> -> memref<128x16xf32, #tpu.memory_space<vmem>>
      %dma_start3A_232 = arith.constant 0 : i32
      %dma_start3A_233 = tpu.memref_slice %arg6[%add3A_215, %dma_start3A_232] : memref<78x128xi32, #tpu.memory_space<vmem>> -> memref<1x128xi32, #tpu.memory_space<vmem>>
      %dma_start3A_234 = tpu.memref_squeeze %dma_start3A_233 : memref<1x128xi32, #tpu.memory_space<vmem>> -> memref<128xi32, #tpu.memory_space<vmem>>
      %dma_start3A_235 = arith.constant 0 : i32
      %dma_start3A_236 = arith.constant 0 : i32
      %dma_start3A_237 = tpu.memref_slice %arg11[%dma_start3A_235, %dma_start3A_236] : memref<10240x16xf32, #tpu.memory_space<vmem_shared>> -> memref<10240x16xf32, #tpu.memory_space<vmem_shared>>
      tpu.enqueue_indirect_dma source(%dma_start3A_231 : memref<128x16xf32, #tpu.memory_space<vmem>>) target(%dma_start3A_237 : memref<10240x16xf32, #tpu.memory_space<vmem_shared>>) offsets(%dma_start3A_234 : memref<128xi32, #tpu.memory_space<vmem>>) semaphore(%arg22 : memref<!tpu.dma_semaphore, #tpu.memory_space<semaphore_mem>>) {add = true}
      %sub3A_238 = arith.constant 3 : i32
      %sub3A_239 = arith.subi %add3A_215, %sub3A_238 : i32
      %ge3A_240 = arith.constant 0 : i32
      %ge3A_241 = arith.cmpi sge, %sub3A_239, %ge3A_240 : i32
      %convert_element_type3A_242 = arith.extui %ge3A_241 : i1 to i32
      %cond3A_243 = arith.constant 0 : i32
      %cond3A_244 = arith.cmpi ne, %convert_element_type3A_242, %cond3A_243 : i32
      scf.if %cond3A_244 {
        %sub3A_328 = arith.constant 3 : i32
        %sub3A_329 = arith.subi %add3A_215, %sub3A_328 : i32
        %dma_wait3A_330 = arith.constant 0 : i32
        %dma_wait3A_331 = arith.constant 0 : i32
        %dma_wait3A_332 = arith.constant 0 : i32
        %dma_wait3A_333 = tpu.memref_slice %arg10[%dma_wait3A_330, %dma_wait3A_331, %dma_wait3A_332] : memref<6x128x16xf32, #tpu.memory_space<vmem>> -> memref<1x128x16xf32, #tpu.memory_space<vmem>>
        %dma_wait3A_334 = tpu.memref_squeeze %dma_wait3A_333 : memref<1x128x16xf32, #tpu.memory_space<vmem>> -> memref<128x16xf32, #tpu.memory_space<vmem>>
        %dma_wait3A_335 = arith.constant 0 : i32
        %dma_wait3A_336 = tpu.memref_slice %arg6[%sub3A_329, %dma_wait3A_335] : memref<78x128xi32, #tpu.memory_space<vmem>> -> memref<1x128xi32, #tpu.memory_space<vmem>>
        %dma_wait3A_337 = tpu.memref_squeeze %dma_wait3A_336 : memref<1x128xi32, #tpu.memory_space<vmem>> -> memref<128xi32, #tpu.memory_space<vmem>>
        %dma_wait3A_338 = arith.constant 0 : i32
        %dma_wait3A_339 = arith.constant 0 : i32
        %dma_wait3A_340 = tpu.memref_slice %arg11[%dma_wait3A_338, %dma_wait3A_339] : memref<10240x16xf32, #tpu.memory_space<vmem_shared>> -> memref<10240x16xf32, #tpu.memory_space<vmem_shared>>
        tpu.wait_indirect_dma semaphore(%arg19 : memref<!tpu.dma_semaphore, #tpu.memory_space<semaphore_mem>>) src(%dma_wait3A_334 : memref<128x16xf32, #tpu.memory_space<vmem>>) dst(%dma_wait3A_340 : memref<10240x16xf32, #tpu.memory_space<vmem_shared>>)
      } else {
      }
      %add3A_245 = arith.constant 3 : i32
      %add3A_246 = arith.addi %add3A_215, %add3A_245 : i32
      %lt3A_247 = arith.constant 78 : i32
      %lt3A_248 = arith.cmpi slt, %add3A_246, %lt3A_247 : i32
      %convert_element_type3A_249 = arith.extui %lt3A_248 : i1 to i32
      %cond3A_250 = arith.constant 0 : i32
      %cond3A_251 = arith.cmpi ne, %convert_element_type3A_249, %cond3A_250 : i32
      scf.if %cond3A_251 {
        %add3A_328 = arith.constant 3 : i32
        %add3A_329 = arith.addi %add3A_215, %add3A_328 : i32
        %dma_start3A_330 = arith.constant 0 : i32
        %dma_start3A_331 = arith.constant 0 : i32
        %dma_start3A_332 = arith.constant 0 : i32
        %dma_start3A_333 = tpu.memref_slice %arg10[%dma_start3A_330, %dma_start3A_331, %dma_start3A_332] : memref<6x128x16xf32, #tpu.memory_space<vmem>> -> memref<1x128x16xf32, #tpu.memory_space<vmem>>
        %dma_start3A_334 = tpu.memref_squeeze %dma_start3A_333 : memref<1x128x16xf32, #tpu.memory_space<vmem>> -> memref<128x16xf32, #tpu.memory_space<vmem>>
        %dma_start3A_335 = arith.constant 0 : i32
        %dma_start3A_336 = tpu.memref_slice %arg7[%add3A_329, %dma_start3A_335] : memref<78x128xi32, #tpu.memory_space<vmem>> -> memref<1x128xi32, #tpu.memory_space<vmem>>
        %dma_start3A_337 = tpu.memref_squeeze %dma_start3A_336 : memref<1x128xi32, #tpu.memory_space<vmem>> -> memref<128xi32, #tpu.memory_space<vmem>>
        %dma_start3A_338 = arith.constant 0 : i32
        %dma_start3A_339 = arith.constant 0 : i32
        %dma_start3A_340 = tpu.memref_slice %arg12[%dma_start3A_338, %dma_start3A_339] : memref<10000x16xf32, #tpu.memory_space<vmem_shared>> -> memref<10000x16xf32, #tpu.memory_space<vmem_shared>>
        tpu.enqueue_indirect_dma source(%dma_start3A_340 : memref<10000x16xf32, #tpu.memory_space<vmem_shared>>) target(%dma_start3A_334 : memref<128x16xf32, #tpu.memory_space<vmem>>) offsets(%dma_start3A_337 : memref<128xi32, #tpu.memory_space<vmem>>) semaphore(%arg13 : memref<!tpu.dma_semaphore, #tpu.memory_space<semaphore_mem>>)
      } else {
      }
      %add3A_252 = arith.constant 4 : i32
      %add3A_253 = arith.addi %mul3A_101, %add3A_252 : i32
      %dma_wait3A_254 = arith.constant 4 : i32
      %dma_wait3A_255 = arith.constant 0 : i32
      %dma_wait3A_256 = arith.constant 0 : i32
      %dma_wait3A_257 = tpu.memref_slice %arg10[%dma_wait3A_254, %dma_wait3A_255, %dma_wait3A_256] : memref<6x128x16xf32, #tpu.memory_space<vmem>> -> memref<1x128x16xf32, #tpu.memory_space<vmem>>
      %dma_wait3A_258 = tpu.memref_squeeze %dma_wait3A_257 : memref<1x128x16xf32, #tpu.memory_space<vmem>> -> memref<128x16xf32, #tpu.memory_space<vmem>>
      %dma_wait3A_259 = arith.constant 0 : i32
      %dma_wait3A_260 = tpu.memref_slice %arg7[%add3A_253, %dma_wait3A_259] : memref<78x128xi32, #tpu.memory_space<vmem>> -> memref<1x128xi32, #tpu.memory_space<vmem>>
      %dma_wait3A_261 = tpu.memref_squeeze %dma_wait3A_260 : memref<1x128xi32, #tpu.memory_space<vmem>> -> memref<128xi32, #tpu.memory_space<vmem>>
      %dma_wait3A_262 = arith.constant 0 : i32
      %dma_wait3A_263 = arith.constant 0 : i32
      %dma_wait3A_264 = tpu.memref_slice %arg12[%dma_wait3A_262, %dma_wait3A_263] : memref<10000x16xf32, #tpu.memory_space<vmem_shared>> -> memref<10000x16xf32, #tpu.memory_space<vmem_shared>>
      tpu.wait_indirect_dma semaphore(%arg17 : memref<!tpu.dma_semaphore, #tpu.memory_space<semaphore_mem>>) src(%dma_wait3A_264 : memref<10000x16xf32, #tpu.memory_space<vmem_shared>>) dst(%dma_wait3A_258 : memref<128x16xf32, #tpu.memory_space<vmem>>)
      %dma_start3A_265 = arith.constant 4 : i32
      %dma_start3A_266 = arith.constant 0 : i32
      %dma_start3A_267 = arith.constant 0 : i32
      %dma_start3A_268 = tpu.memref_slice %arg10[%dma_start3A_265, %dma_start3A_266, %dma_start3A_267] : memref<6x128x16xf32, #tpu.memory_space<vmem>> -> memref<1x128x16xf32, #tpu.memory_space<vmem>>
      %dma_start3A_269 = tpu.memref_squeeze %dma_start3A_268 : memref<1x128x16xf32, #tpu.memory_space<vmem>> -> memref<128x16xf32, #tpu.memory_space<vmem>>
      %dma_start3A_270 = arith.constant 0 : i32
      %dma_start3A_271 = tpu.memref_slice %arg6[%add3A_253, %dma_start3A_270] : memref<78x128xi32, #tpu.memory_space<vmem>> -> memref<1x128xi32, #tpu.memory_space<vmem>>
      %dma_start3A_272 = tpu.memref_squeeze %dma_start3A_271 : memref<1x128xi32, #tpu.memory_space<vmem>> -> memref<128xi32, #tpu.memory_space<vmem>>
      %dma_start3A_273 = arith.constant 0 : i32
      %dma_start3A_274 = arith.constant 0 : i32
      %dma_start3A_275 = tpu.memref_slice %arg11[%dma_start3A_273, %dma_start3A_274] : memref<10240x16xf32, #tpu.memory_space<vmem_shared>> -> memref<10240x16xf32, #tpu.memory_space<vmem_shared>>
      tpu.enqueue_indirect_dma source(%dma_start3A_269 : memref<128x16xf32, #tpu.memory_space<vmem>>) target(%dma_start3A_275 : memref<10240x16xf32, #tpu.memory_space<vmem_shared>>) offsets(%dma_start3A_272 : memref<128xi32, #tpu.memory_space<vmem>>) semaphore(%arg23 : memref<!tpu.dma_semaphore, #tpu.memory_space<semaphore_mem>>) {add = true}
      %sub3A_276 = arith.constant 3 : i32
      %sub3A_277 = arith.subi %add3A_253, %sub3A_276 : i32
      %ge3A_278 = arith.constant 0 : i32
      %ge3A_279 = arith.cmpi sge, %sub3A_277, %ge3A_278 : i32
      %convert_element_type3A_280 = arith.extui %ge3A_279 : i1 to i32
      %cond3A_281 = arith.constant 0 : i32
      %cond3A_282 = arith.cmpi ne, %convert_element_type3A_280, %cond3A_281 : i32
      scf.if %cond3A_282 {
        %sub3A_328 = arith.constant 3 : i32
        %sub3A_329 = arith.subi %add3A_253, %sub3A_328 : i32
        %dma_wait3A_330 = arith.constant 1 : i32
        %dma_wait3A_331 = arith.constant 0 : i32
        %dma_wait3A_332 = arith.constant 0 : i32
        %dma_wait3A_333 = tpu.memref_slice %arg10[%dma_wait3A_330, %dma_wait3A_331, %dma_wait3A_332] : memref<6x128x16xf32, #tpu.memory_space<vmem>> -> memref<1x128x16xf32, #tpu.memory_space<vmem>>
        %dma_wait3A_334 = tpu.memref_squeeze %dma_wait3A_333 : memref<1x128x16xf32, #tpu.memory_space<vmem>> -> memref<128x16xf32, #tpu.memory_space<vmem>>
        %dma_wait3A_335 = arith.constant 0 : i32
        %dma_wait3A_336 = tpu.memref_slice %arg6[%sub3A_329, %dma_wait3A_335] : memref<78x128xi32, #tpu.memory_space<vmem>> -> memref<1x128xi32, #tpu.memory_space<vmem>>
        %dma_wait3A_337 = tpu.memref_squeeze %dma_wait3A_336 : memref<1x128xi32, #tpu.memory_space<vmem>> -> memref<128xi32, #tpu.memory_space<vmem>>
        %dma_wait3A_338 = arith.constant 0 : i32
        %dma_wait3A_339 = arith.constant 0 : i32
        %dma_wait3A_340 = tpu.memref_slice %arg11[%dma_wait3A_338, %dma_wait3A_339] : memref<10240x16xf32, #tpu.memory_space<vmem_shared>> -> memref<10240x16xf32, #tpu.memory_space<vmem_shared>>
        tpu.wait_indirect_dma semaphore(%arg20 : memref<!tpu.dma_semaphore, #tpu.memory_space<semaphore_mem>>) src(%dma_wait3A_334 : memref<128x16xf32, #tpu.memory_space<vmem>>) dst(%dma_wait3A_340 : memref<10240x16xf32, #tpu.memory_space<vmem_shared>>)
      } else {
      }
      %add3A_283 = arith.constant 3 : i32
      %add3A_284 = arith.addi %add3A_253, %add3A_283 : i32
      %lt3A_285 = arith.constant 78 : i32
      %lt3A_286 = arith.cmpi slt, %add3A_284, %lt3A_285 : i32
      %convert_element_type3A_287 = arith.extui %lt3A_286 : i1 to i32
      %cond3A_288 = arith.constant 0 : i32
      %cond3A_289 = arith.cmpi ne, %convert_element_type3A_287, %cond3A_288 : i32
      scf.if %cond3A_289 {
        %add3A_328 = arith.constant 3 : i32
        %add3A_329 = arith.addi %add3A_253, %add3A_328 : i32
        %dma_start3A_330 = arith.constant 1 : i32
        %dma_start3A_331 = arith.constant 0 : i32
        %dma_start3A_332 = arith.constant 0 : i32
        %dma_start3A_333 = tpu.memref_slice %arg10[%dma_start3A_330, %dma_start3A_331, %dma_start3A_332] : memref<6x128x16xf32, #tpu.memory_space<vmem>> -> memref<1x128x16xf32, #tpu.memory_space<vmem>>
        %dma_start3A_334 = tpu.memref_squeeze %dma_start3A_333 : memref<1x128x16xf32, #tpu.memory_space<vmem>> -> memref<128x16xf32, #tpu.memory_space<vmem>>
        %dma_start3A_335 = arith.constant 0 : i32
        %dma_start3A_336 = tpu.memref_slice %arg7[%add3A_329, %dma_start3A_335] : memref<78x128xi32, #tpu.memory_space<vmem>> -> memref<1x128xi32, #tpu.memory_space<vmem>>
        %dma_start3A_337 = tpu.memref_squeeze %dma_start3A_336 : memref<1x128xi32, #tpu.memory_space<vmem>> -> memref<128xi32, #tpu.memory_space<vmem>>
        %dma_start3A_338 = arith.constant 0 : i32
        %dma_start3A_339 = arith.constant 0 : i32
        %dma_start3A_340 = tpu.memref_slice %arg12[%dma_start3A_338, %dma_start3A_339] : memref<10000x16xf32, #tpu.memory_space<vmem_shared>> -> memref<10000x16xf32, #tpu.memory_space<vmem_shared>>
        tpu.enqueue_indirect_dma source(%dma_start3A_340 : memref<10000x16xf32, #tpu.memory_space<vmem_shared>>) target(%dma_start3A_334 : memref<128x16xf32, #tpu.memory_space<vmem>>) offsets(%dma_start3A_337 : memref<128xi32, #tpu.memory_space<vmem>>) semaphore(%arg14 : memref<!tpu.dma_semaphore, #tpu.memory_space<semaphore_mem>>)
      } else {
      }
      %add3A_290 = arith.constant 5 : i32
      %add3A_291 = arith.addi %mul3A_101, %add3A_290 : i32
      %dma_wait3A_292 = arith.constant 5 : i32
      %dma_wait3A_293 = arith.constant 0 : i32
      %dma_wait3A_294 = arith.constant 0 : i32
      %dma_wait3A_295 = tpu.memref_slice %arg10[%dma_wait3A_292, %dma_wait3A_293, %dma_wait3A_294] : memref<6x128x16xf32, #tpu.memory_space<vmem>> -> memref<1x128x16xf32, #tpu.memory_space<vmem>>
      %dma_wait3A_296 = tpu.memref_squeeze %dma_wait3A_295 : memref<1x128x16xf32, #tpu.memory_space<vmem>> -> memref<128x16xf32, #tpu.memory_space<vmem>>
      %dma_wait3A_297 = arith.constant 0 : i32
      %dma_wait3A_298 = tpu.memref_slice %arg7[%add3A_291, %dma_wait3A_297] : memref<78x128xi32, #tpu.memory_space<vmem>> -> memref<1x128xi32, #tpu.memory_space<vmem>>
      %dma_wait3A_299 = tpu.memref_squeeze %dma_wait3A_298 : memref<1x128xi32, #tpu.memory_space<vmem>> -> memref<128xi32, #tpu.memory_space<vmem>>
      %dma_wait3A_300 = arith.constant 0 : i32
      %dma_wait3A_301 = arith.constant 0 : i32
      %dma_wait3A_302 = tpu.memref_slice %arg12[%dma_wait3A_300, %dma_wait3A_301] : memref<10000x16xf32, #tpu.memory_space<vmem_shared>> -> memref<10000x16xf32, #tpu.memory_space<vmem_shared>>
      tpu.wait_indirect_dma semaphore(%arg18 : memref<!tpu.dma_semaphore, #tpu.memory_space<semaphore_mem>>) src(%dma_wait3A_302 : memref<10000x16xf32, #tpu.memory_space<vmem_shared>>) dst(%dma_wait3A_296 : memref<128x16xf32, #tpu.memory_space<vmem>>)
      %dma_start3A_303 = arith.constant 5 : i32
      %dma_start3A_304 = arith.constant 0 : i32
      %dma_start3A_305 = arith.constant 0 : i32
      %dma_start3A_306 = tpu.memref_slice %arg10[%dma_start3A_303, %dma_start3A_304, %dma_start3A_305] : memref<6x128x16xf32, #tpu.memory_space<vmem>> -> memref<1x128x16xf32, #tpu.memory_space<vmem>>
      %dma_start3A_307 = tpu.memref_squeeze %dma_start3A_306 : memref<1x128x16xf32, #tpu.memory_space<vmem>> -> memref<128x16xf32, #tpu.memory_space<vmem>>
      %dma_start3A_308 = arith.constant 0 : i32
      %dma_start3A_309 = tpu.memref_slice %arg6[%add3A_291, %dma_start3A_308] : memref<78x128xi32, #tpu.memory_space<vmem>> -> memref<1x128xi32, #tpu.memory_space<vmem>>
      %dma_start3A_310 = tpu.memref_squeeze %dma_start3A_309 : memref<1x128xi32, #tpu.memory_space<vmem>> -> memref<128xi32, #tpu.memory_space<vmem>>
      %dma_start3A_311 = arith.constant 0 : i32
      %dma_start3A_312 = arith.constant 0 : i32
      %dma_start3A_313 = tpu.memref_slice %arg11[%dma_start3A_311, %dma_start3A_312] : memref<10240x16xf32, #tpu.memory_space<vmem_shared>> -> memref<10240x16xf32, #tpu.memory_space<vmem_shared>>
      tpu.enqueue_indirect_dma source(%dma_start3A_307 : memref<128x16xf32, #tpu.memory_space<vmem>>) target(%dma_start3A_313 : memref<10240x16xf32, #tpu.memory_space<vmem_shared>>) offsets(%dma_start3A_310 : memref<128xi32, #tpu.memory_space<vmem>>) semaphore(%arg24 : memref<!tpu.dma_semaphore, #tpu.memory_space<semaphore_mem>>) {add = true}
      %sub3A_314 = arith.constant 3 : i32
      %sub3A_315 = arith.subi %add3A_291, %sub3A_314 : i32
      %ge3A_316 = arith.constant 0 : i32
      %ge3A_317 = arith.cmpi sge, %sub3A_315, %ge3A_316 : i32
      %convert_element_type3A_318 = arith.extui %ge3A_317 : i1 to i32
      %cond3A_319 = arith.constant 0 : i32
      %cond3A_320 = arith.cmpi ne, %convert_element_type3A_318, %cond3A_319 : i32
      scf.if %cond3A_320 {
        %sub3A_328 = arith.constant 3 : i32
        %sub3A_329 = arith.subi %add3A_291, %sub3A_328 : i32
        %dma_wait3A_330 = arith.constant 2 : i32
        %dma_wait3A_331 = arith.constant 0 : i32
        %dma_wait3A_332 = arith.constant 0 : i32
        %dma_wait3A_333 = tpu.memref_slice %arg10[%dma_wait3A_330, %dma_wait3A_331, %dma_wait3A_332] : memref<6x128x16xf32, #tpu.memory_space<vmem>> -> memref<1x128x16xf32, #tpu.memory_space<vmem>>
        %dma_wait3A_334 = tpu.memref_squeeze %dma_wait3A_333 : memref<1x128x16xf32, #tpu.memory_space<vmem>> -> memref<128x16xf32, #tpu.memory_space<vmem>>
        %dma_wait3A_335 = arith.constant 0 : i32
        %dma_wait3A_336 = tpu.memref_slice %arg6[%sub3A_329, %dma_wait3A_335] : memref<78x128xi32, #tpu.memory_space<vmem>> -> memref<1x128xi32, #tpu.memory_space<vmem>>
        %dma_wait3A_337 = tpu.memref_squeeze %dma_wait3A_336 : memref<1x128xi32, #tpu.memory_space<vmem>> -> memref<128xi32, #tpu.memory_space<vmem>>
        %dma_wait3A_338 = arith.constant 0 : i32
        %dma_wait3A_339 = arith.constant 0 : i32
        %dma_wait3A_340 = tpu.memref_slice %arg11[%dma_wait3A_338, %dma_wait3A_339] : memref<10240x16xf32, #tpu.memory_space<vmem_shared>> -> memref<10240x16xf32, #tpu.memory_space<vmem_shared>>
        tpu.wait_indirect_dma semaphore(%arg21 : memref<!tpu.dma_semaphore, #tpu.memory_space<semaphore_mem>>) src(%dma_wait3A_334 : memref<128x16xf32, #tpu.memory_space<vmem>>) dst(%dma_wait3A_340 : memref<10240x16xf32, #tpu.memory_space<vmem_shared>>)
      } else {
      }
      %add3A_321 = arith.constant 3 : i32
      %add3A_322 = arith.addi %add3A_291, %add3A_321 : i32
      %lt3A_323 = arith.constant 78 : i32
      %lt3A_324 = arith.cmpi slt, %add3A_322, %lt3A_323 : i32
      %convert_element_type3A_325 = arith.extui %lt3A_324 : i1 to i32
      %cond3A_326 = arith.constant 0 : i32
      %cond3A_327 = arith.cmpi ne, %convert_element_type3A_325, %cond3A_326 : i32
      scf.if %cond3A_327 {
        %add3A_328 = arith.constant 3 : i32
        %add3A_329 = arith.addi %add3A_291, %add3A_328 : i32
        %dma_start3A_330 = arith.constant 2 : i32
        %dma_start3A_331 = arith.constant 0 : i32
        %dma_start3A_332 = arith.constant 0 : i32
        %dma_start3A_333 = tpu.memref_slice %arg10[%dma_start3A_330, %dma_start3A_331, %dma_start3A_332] : memref<6x128x16xf32, #tpu.memory_space<vmem>> -> memref<1x128x16xf32, #tpu.memory_space<vmem>>
        %dma_start3A_334 = tpu.memref_squeeze %dma_start3A_333 : memref<1x128x16xf32, #tpu.memory_space<vmem>> -> memref<128x16xf32, #tpu.memory_space<vmem>>
        %dma_start3A_335 = arith.constant 0 : i32
        %dma_start3A_336 = tpu.memref_slice %arg7[%add3A_329, %dma_start3A_335] : memref<78x128xi32, #tpu.memory_space<vmem>> -> memref<1x128xi32, #tpu.memory_space<vmem>>
        %dma_start3A_337 = tpu.memref_squeeze %dma_start3A_336 : memref<1x128xi32, #tpu.memory_space<vmem>> -> memref<128xi32, #tpu.memory_space<vmem>>
        %dma_start3A_338 = arith.constant 0 : i32
        %dma_start3A_339 = arith.constant 0 : i32
        %dma_start3A_340 = tpu.memref_slice %arg12[%dma_start3A_338, %dma_start3A_339] : memref<10000x16xf32, #tpu.memory_space<vmem_shared>> -> memref<10000x16xf32, #tpu.memory_space<vmem_shared>>
        tpu.enqueue_indirect_dma source(%dma_start3A_340 : memref<10000x16xf32, #tpu.memory_space<vmem_shared>>) target(%dma_start3A_334 : memref<128x16xf32, #tpu.memory_space<vmem>>) offsets(%dma_start3A_337 : memref<128xi32, #tpu.memory_space<vmem>>) semaphore(%arg15 : memref<!tpu.dma_semaphore, #tpu.memory_space<semaphore_mem>>)
      } else {
      }
    }
    %scan3A_53 = arith.constant 13 : i32
    %dma_wait3A = arith.constant 3 : i32
    %dma_wait3A_54 = arith.constant 75 : i32
    %dma_wait3A_55 = arith.constant 0 : i32
    %dma_wait3A_56 = arith.constant 0 : i32
    %dma_wait3A_57 = tpu.memref_slice %arg10[%dma_wait3A, %dma_wait3A_55, %dma_wait3A_56] : memref<6x128x16xf32, #tpu.memory_space<vmem>> -> memref<1x128x16xf32, #tpu.memory_space<vmem>>
    %dma_wait3A_58 = tpu.memref_squeeze %dma_wait3A_57 : memref<1x128x16xf32, #tpu.memory_space<vmem>> -> memref<128x16xf32, #tpu.memory_space<vmem>>
    %dma_wait3A_59 = arith.constant 0 : i32
    %dma_wait3A_60 = tpu.memref_slice %arg6[%dma_wait3A_54, %dma_wait3A_59] : memref<78x128xi32, #tpu.memory_space<vmem>> -> memref<1x128xi32, #tpu.memory_space<vmem>>
    %dma_wait3A_61 = tpu.memref_squeeze %dma_wait3A_60 : memref<1x128xi32, #tpu.memory_space<vmem>> -> memref<128xi32, #tpu.memory_space<vmem>>
    %dma_wait3A_62 = arith.constant 0 : i32
    %dma_wait3A_63 = arith.constant 0 : i32
    %dma_wait3A_64 = tpu.memref_slice %arg11[%dma_wait3A_62, %dma_wait3A_63] : memref<10240x16xf32, #tpu.memory_space<vmem_shared>> -> memref<10240x16xf32, #tpu.memory_space<vmem_shared>>
    tpu.wait_indirect_dma semaphore(%arg22 : memref<!tpu.dma_semaphore, #tpu.memory_space<semaphore_mem>>) src(%dma_wait3A_58 : memref<128x16xf32, #tpu.memory_space<vmem>>) dst(%dma_wait3A_64 : memref<10240x16xf32, #tpu.memory_space<vmem_shared>>)
    %dma_wait3A_65 = arith.constant 4 : i32
    %dma_wait3A_66 = arith.constant 76 : i32
    %dma_wait3A_67 = arith.constant 0 : i32
    %dma_wait3A_68 = arith.constant 0 : i32
    %dma_wait3A_69 = tpu.memref_slice %arg10[%dma_wait3A_65, %dma_wait3A_67, %dma_wait3A_68] : memref<6x128x16xf32, #tpu.memory_space<vmem>> -> memref<1x128x16xf32, #tpu.memory_space<vmem>>
    %dma_wait3A_70 = tpu.memref_squeeze %dma_wait3A_69 : memref<1x128x16xf32, #tpu.memory_space<vmem>> -> memref<128x16xf32, #tpu.memory_space<vmem>>
    %dma_wait3A_71 = arith.constant 0 : i32
    %dma_wait3A_72 = tpu.memref_slice %arg6[%dma_wait3A_66, %dma_wait3A_71] : memref<78x128xi32, #tpu.memory_space<vmem>> -> memref<1x128xi32, #tpu.memory_space<vmem>>
    %dma_wait3A_73 = tpu.memref_squeeze %dma_wait3A_72 : memref<1x128xi32, #tpu.memory_space<vmem>> -> memref<128xi32, #tpu.memory_space<vmem>>
    %dma_wait3A_74 = arith.constant 0 : i32
    %dma_wait3A_75 = arith.constant 0 : i32
    %dma_wait3A_76 = tpu.memref_slice %arg11[%dma_wait3A_74, %dma_wait3A_75] : memref<10240x16xf32, #tpu.memory_space<vmem_shared>> -> memref<10240x16xf32, #tpu.memory_space<vmem_shared>>
    tpu.wait_indirect_dma semaphore(%arg23 : memref<!tpu.dma_semaphore, #tpu.memory_space<semaphore_mem>>) src(%dma_wait3A_70 : memref<128x16xf32, #tpu.memory_space<vmem>>) dst(%dma_wait3A_76 : memref<10240x16xf32, #tpu.memory_space<vmem_shared>>)
    %dma_wait3A_77 = arith.constant 5 : i32
    %dma_wait3A_78 = arith.constant 77 : i32
    %dma_wait3A_79 = arith.constant 0 : i32
    %dma_wait3A_80 = arith.constant 0 : i32
    %dma_wait3A_81 = tpu.memref_slice %arg10[%dma_wait3A_77, %dma_wait3A_79, %dma_wait3A_80] : memref<6x128x16xf32, #tpu.memory_space<vmem>> -> memref<1x128x16xf32, #tpu.memory_space<vmem>>
    %dma_wait3A_82 = tpu.memref_squeeze %dma_wait3A_81 : memref<1x128x16xf32, #tpu.memory_space<vmem>> -> memref<128x16xf32, #tpu.memory_space<vmem>>
    %dma_wait3A_83 = arith.constant 0 : i32
    %dma_wait3A_84 = tpu.memref_slice %arg6[%dma_wait3A_78, %dma_wait3A_83] : memref<78x128xi32, #tpu.memory_space<vmem>> -> memref<1x128xi32, #tpu.memory_space<vmem>>
    %dma_wait3A_85 = tpu.memref_squeeze %dma_wait3A_84 : memref<1x128xi32, #tpu.memory_space<vmem>> -> memref<128xi32, #tpu.memory_space<vmem>>
    %dma_wait3A_86 = arith.constant 0 : i32
    %dma_wait3A_87 = arith.constant 0 : i32
    %dma_wait3A_88 = tpu.memref_slice %arg11[%dma_wait3A_86, %dma_wait3A_87] : memref<10240x16xf32, #tpu.memory_space<vmem_shared>> -> memref<10240x16xf32, #tpu.memory_space<vmem_shared>>
    tpu.wait_indirect_dma semaphore(%arg24 : memref<!tpu.dma_semaphore, #tpu.memory_space<semaphore_mem>>) src(%dma_wait3A_82 : memref<128x16xf32, #tpu.memory_space<vmem>>) dst(%dma_wait3A_88 : memref<10240x16xf32, #tpu.memory_space<vmem_shared>>)
    %lt3A_89 = arith.constant 4 : i32
    %lt3A_90 = arith.cmpi slt, %add3A, %lt3A_89 : i32
    %convert_element_type3A_91 = arith.extui %lt3A_90 : i1 to i32
    %cond3A_92 = arith.constant 0 : i32
    %cond3A_93 = arith.cmpi ne, %convert_element_type3A_91, %cond3A_92 : i32
    scf.if %cond3A_93 {
      %dma_start3A_99 = arith.constant 0 : i32
      %dma_start3A_100 = arith.constant 0 : i32
      %dma_start3A_101 = arith.constant 0 : i32
      %dma_start3A_102 = arith.constant 0 : i32
      %dma_start3A_103 = tpu.memref_slice %arg10[%dma_start3A_100, %dma_start3A_101, %dma_start3A_102] : memref<6x128x16xf32, #tpu.memory_space<vmem>> -> memref<1x128x16xf32, #tpu.memory_space<vmem>>
      %dma_start3A_104 = tpu.memref_squeeze %dma_start3A_103 : memref<1x128x16xf32, #tpu.memory_space<vmem>> -> memref<128x16xf32, #tpu.memory_space<vmem>>
      %dma_start3A_105 = arith.constant 0 : i32
      %dma_start3A_106 = tpu.memref_slice %arg9[%dma_start3A_99, %dma_start3A_105] : memref<1x128xi32, #tpu.memory_space<vmem>> -> memref<1x128xi32, #tpu.memory_space<vmem>>
      %dma_start3A_107 = tpu.memref_squeeze %dma_start3A_106 : memref<1x128xi32, #tpu.memory_space<vmem>> -> memref<128xi32, #tpu.memory_space<vmem>>
      %dma_start3A_108 = arith.constant 0 : i32
      %dma_start3A_109 = arith.constant 0 : i32
      %dma_start3A_110 = tpu.memref_slice %arg12[%dma_start3A_108, %dma_start3A_109] : memref<10000x16xf32, #tpu.memory_space<vmem_shared>> -> memref<10000x16xf32, #tpu.memory_space<vmem_shared>>
      tpu.enqueue_indirect_dma source(%dma_start3A_110 : memref<10000x16xf32, #tpu.memory_space<vmem_shared>>) target(%dma_start3A_104 : memref<128x16xf32, #tpu.memory_space<vmem>>) offsets(%dma_start3A_107 : memref<128xi32, #tpu.memory_space<vmem>>) semaphore(%arg13 : memref<!tpu.dma_semaphore, #tpu.memory_space<semaphore_mem>>)
      %dma_wait3A_111 = arith.constant 0 : i32
      %dma_wait3A_112 = arith.constant 0 : i32
      %dma_wait3A_113 = arith.constant 0 : i32
      %dma_wait3A_114 = arith.constant 0 : i32
      %dma_wait3A_115 = tpu.memref_slice %arg10[%dma_wait3A_112, %dma_wait3A_113, %dma_wait3A_114] : memref<6x128x16xf32, #tpu.memory_space<vmem>> -> memref<1x128x16xf32, #tpu.memory_space<vmem>>
      %dma_wait3A_116 = tpu.memref_squeeze %dma_wait3A_115 : memref<1x128x16xf32, #tpu.memory_space<vmem>> -> memref<128x16xf32, #tpu.memory_space<vmem>>
      %dma_wait3A_117 = arith.constant 0 : i32
      %dma_wait3A_118 = tpu.memref_slice %arg9[%dma_wait3A_111, %dma_wait3A_117] : memref<1x128xi32, #tpu.memory_space<vmem>> -> memref<1x128xi32, #tpu.memory_space<vmem>>
      %dma_wait3A_119 = tpu.memref_squeeze %dma_wait3A_118 : memref<1x128xi32, #tpu.memory_space<vmem>> -> memref<128xi32, #tpu.memory_space<vmem>>
      %dma_wait3A_120 = arith.constant 0 : i32
      %dma_wait3A_121 = arith.constant 0 : i32
      %dma_wait3A_122 = tpu.memref_slice %arg12[%dma_wait3A_120, %dma_wait3A_121] : memref<10000x16xf32, #tpu.memory_space<vmem_shared>> -> memref<10000x16xf32, #tpu.memory_space<vmem_shared>>
      tpu.wait_indirect_dma semaphore(%arg13 : memref<!tpu.dma_semaphore, #tpu.memory_space<semaphore_mem>>) src(%dma_wait3A_122 : memref<10000x16xf32, #tpu.memory_space<vmem_shared>>) dst(%dma_wait3A_116 : memref<128x16xf32, #tpu.memory_space<vmem>>)
      %run_scoped3A_123 = arith.constant 0 : i32
      %run_scoped3A_124 = arith.constant 0 : i32
      "tpu.region"() ({
        %run_scoped3A_125 = tpu.sem_alloc : memref<!tpu.dma_semaphore, #tpu.memory_space<semaphore_mem>>
        %dma_start3A_126 = arith.constant 0 : i32
        %dma_start3A_127 = arith.constant 0 : i32
        %dma_start3A_128 = tpu.memref_slice %arg10[%run_scoped3A_123, %dma_start3A_126, %dma_start3A_127] : memref<6x128x16xf32, #tpu.memory_space<vmem>> -> memref<1x128x16xf32, #tpu.memory_space<vmem>>
        %dma_start3A_129 = tpu.memref_squeeze %dma_start3A_128 : memref<1x128x16xf32, #tpu.memory_space<vmem>> -> memref<128x16xf32, #tpu.memory_space<vmem>>
        %dma_start3A_130 = arith.constant 0 : i32
        %dma_start3A_131 = tpu.memref_slice %arg8[%run_scoped3A_124, %dma_start3A_130] : memref<1x128xi32, #tpu.memory_space<vmem>> -> memref<1x128xi32, #tpu.memory_space<vmem>>
        %dma_start3A_132 = tpu.memref_squeeze %dma_start3A_131 : memref<1x128xi32, #tpu.memory_space<vmem>> -> memref<128xi32, #tpu.memory_space<vmem>>
        %dma_start3A_133 = arith.constant 0 : i32
        %dma_start3A_134 = arith.constant 0 : i32
        %dma_start3A_135 = tpu.memref_slice %arg11[%dma_start3A_133, %dma_start3A_134] : memref<10240x16xf32, #tpu.memory_space<vmem_shared>> -> memref<10240x16xf32, #tpu.memory_space<vmem_shared>>
        tpu.enqueue_indirect_dma source(%dma_start3A_129 : memref<128x16xf32, #tpu.memory_space<vmem>>) target(%dma_start3A_135 : memref<10240x16xf32, #tpu.memory_space<vmem_shared>>) offsets(%dma_start3A_132 : memref<128xi32, #tpu.memory_space<vmem>>) semaphore(%run_scoped3A_125 : memref<!tpu.dma_semaphore, #tpu.memory_space<semaphore_mem>>) {add = true}
        %dma_wait3A_136 = arith.constant 0 : i32
        %dma_wait3A_137 = arith.constant 0 : i32
        %dma_wait3A_138 = tpu.memref_slice %arg10[%run_scoped3A_123, %dma_wait3A_136, %dma_wait3A_137] : memref<6x128x16xf32, #tpu.memory_space<vmem>> -> memref<1x128x16xf32, #tpu.memory_space<vmem>>
        %dma_wait3A_139 = tpu.memref_squeeze %dma_wait3A_138 : memref<1x128x16xf32, #tpu.memory_space<vmem>> -> memref<128x16xf32, #tpu.memory_space<vmem>>
        %dma_wait3A_140 = arith.constant 0 : i32
        %dma_wait3A_141 = tpu.memref_slice %arg8[%run_scoped3A_124, %dma_wait3A_140] : memref<1x128xi32, #tpu.memory_space<vmem>> -> memref<1x128xi32, #tpu.memory_space<vmem>>
        %dma_wait3A_142 = tpu.memref_squeeze %dma_wait3A_141 : memref<1x128xi32, #tpu.memory_space<vmem>> -> memref<128xi32, #tpu.memory_space<vmem>>
        %dma_wait3A_143 = arith.constant 0 : i32
        %dma_wait3A_144 = arith.constant 0 : i32
        %dma_wait3A_145 = tpu.memref_slice %arg11[%dma_wait3A_143, %dma_wait3A_144] : memref<10240x16xf32, #tpu.memory_space<vmem_shared>> -> memref<10240x16xf32, #tpu.memory_space<vmem_shared>>
        tpu.wait_indirect_dma semaphore(%run_scoped3A_125 : memref<!tpu.dma_semaphore, #tpu.memory_space<semaphore_mem>>) src(%dma_wait3A_139 : memref<128x16xf32, #tpu.memory_space<vmem>>) dst(%dma_wait3A_145 : memref<10240x16xf32, #tpu.memory_space<vmem_shared>>)
        tpu.yield
      }) : () -> ()
    } else {
    }
    %barrier3A_94 = arith.constant 0 : index
    tpu.barrier barrier_id(%barrier3A_94)
    %mul3A_95 = arith.constant 640 : i32
    %mul3A_96 = arith.muli %arg1, %mul3A_95 : i32
    %mul3A_97 = arith.constant 640 : i32
    %mul3A_98 = arith.muli %arg1, %mul3A_97 : i32
    "tpu.region"() ({
      %run_scoped3A_99 = tpu.sem_alloc : memref<!tpu.dma_semaphore, #tpu.memory_space<semaphore_mem>>
      %dma_start3A_100 = arith.constant 0 : i32
      %dma_start3A_101 = tpu.memref_slice %arg5[%arg0, %mul3A_98, %dma_start3A_100] : memref<2x10240x16xf32, #tpu.memory_space<hbm>> -> memref<1x640x16xf32, #tpu.memory_space<hbm>>
      %dma_start3A_102 = tpu.memref_squeeze %dma_start3A_101 : memref<1x640x16xf32, #tpu.memory_space<hbm>> -> memref<640x16xf32, #tpu.memory_space<hbm>>
      %dma_start3A_103 = arith.constant 0 : i32
      %dma_start3A_104 = tpu.memref_slice %arg11[%mul3A_96, %dma_start3A_103] : memref<10240x16xf32, #tpu.memory_space<vmem_shared>> -> memref<640x16xf32, #tpu.memory_space<vmem_shared>>
      tpu.enqueue_dma source(%dma_start3A_104 : memref<640x16xf32, #tpu.memory_space<vmem_shared>>) target(%dma_start3A_102 : memref<640x16xf32, #tpu.memory_space<hbm>>) target_semaphore(%run_scoped3A_99 : memref<!tpu.dma_semaphore, #tpu.memory_space<semaphore_mem>>)
      %dma_wait3A_105 = arith.constant 0 : i32
      %dma_wait3A_106 = tpu.memref_slice %arg5[%arg0, %mul3A_98, %dma_wait3A_105] : memref<2x10240x16xf32, #tpu.memory_space<hbm>> -> memref<1x640x16xf32, #tpu.memory_space<hbm>>
      %dma_wait3A_107 = tpu.memref_squeeze %dma_wait3A_106 : memref<1x640x16xf32, #tpu.memory_space<hbm>> -> memref<640x16xf32, #tpu.memory_space<hbm>>
      %dma_wait3A_108 = arith.constant 0 : i32
      %dma_wait3A_109 = tpu.memref_slice %arg11[%mul3A_96, %dma_wait3A_108] : memref<10240x16xf32, #tpu.memory_space<vmem_shared>> -> memref<640x16xf32, #tpu.memory_space<vmem_shared>>
      tpu.wait_dma2 semaphore(%run_scoped3A_99 : memref<!tpu.dma_semaphore, #tpu.memory_space<semaphore_mem>>) src(%dma_wait3A_109 : memref<640x16xf32, #tpu.memory_space<vmem_shared>>) dst(%dma_wait3A_107 : memref<640x16xf32, #tpu.memory_space<hbm>>)
      tpu.yield
    }) : () -> ()
    return
  }
}

#map = affine_map<(d0, d1) -> (0, 0)>
#map1 = affine_map<(d0, d1) -> (0, 0, 0)>
module attributes {stable_mosaic.version = 14 : i64} {
  func.func @agg(%arg0: i32, %arg1: i32, %arg2: memref<10000x32xf32, #tpu.memory_space<hbm>>, %arg3: memref<2x2500x128xi32, #tpu.memory_space<hbm>>, %arg4: memref<10240x32xf32, #tpu.memory_space<hbm>>, %arg5: memref<2x10240x32xf32, #tpu.memory_space<hbm>>, %arg6: memref<78x128xi32, #tpu.memory_space<vmem>>, %arg7: memref<78x128xi32, #tpu.memory_space<vmem>>, %arg8: memref<1x128xi32, #tpu.memory_space<vmem>>, %arg9: memref<1x128xi32, #tpu.memory_space<vmem>>, %arg10: memref<6x128x32xf32, #tpu.memory_space<vmem>>, %arg11: memref<10240x32xf32, #tpu.memory_space<vmem_shared>>, %arg12: memref<10000x32xf32, #tpu.memory_space<vmem_shared>>, %arg13: memref<!tpu.dma_semaphore, #tpu.memory_space<semaphore_mem>>, %arg14: memref<!tpu.dma_semaphore, #tpu.memory_space<semaphore_mem>>, %arg15: memref<!tpu.dma_semaphore, #tpu.memory_space<semaphore_mem>>, %arg16: memref<!tpu.dma_semaphore, #tpu.memory_space<semaphore_mem>>, %arg17: memref<!tpu.dma_semaphore, #tpu.memory_space<semaphore_mem>>, %arg18: memref<!tpu.dma_semaphore, #tpu.memory_space<semaphore_mem>>, %arg19: memref<!tpu.dma_semaphore, #tpu.memory_space<semaphore_mem>>, %arg20: memref<!tpu.dma_semaphore, #tpu.memory_space<semaphore_mem>>, %arg21: memref<!tpu.dma_semaphore, #tpu.memory_space<semaphore_mem>>, %arg22: memref<!tpu.dma_semaphore, #tpu.memory_space<semaphore_mem>>, %arg23: memref<!tpu.dma_semaphore, #tpu.memory_space<semaphore_mem>>, %arg24: memref<!tpu.dma_semaphore, #tpu.memory_space<semaphore_mem>>) attributes {dimension_semantics = [#tpu.dimension_semantics<core_parallel>, #tpu.dimension_semantics<subcore_parallel>], iteration_bounds = array<i64: 2, 16>, scalar_prefetch = 0 : i64, scratch_operands = 19 : i64, tpu.core_type = #tpu.core_type<sc_vector_subcore>, window_params = [{transform_indices = #map}, {transform_indices = #map1}, {transform_indices = #map}, {transform_indices = #map1}]} {
    %mul3A = arith.constant 16 : i32
    %mul3A_0 = arith.muli %arg0, %mul3A : i32
    %add3A = arith.addi %mul3A_0, %arg1 : i32
    %eq3A = arith.constant 0 : i32
    %eq3A_1 = arith.cmpi eq, %arg1, %eq3A : i32
    %convert_element_type3A = arith.extui %eq3A_1 : i1 to i32
    %cond3A = arith.constant 0 : i32
    %cond3A_2 = arith.cmpi ne, %convert_element_type3A, %cond3A : i32
    scf.if %cond3A_2 {
      "tpu.region"() ({
        %run_scoped3A_99 = tpu.sem_alloc : memref<!tpu.dma_semaphore, #tpu.memory_space<semaphore_mem>>
        tpu.enqueue_dma source(%arg4 : memref<10240x32xf32, #tpu.memory_space<hbm>>) target(%arg11 : memref<10240x32xf32, #tpu.memory_space<vmem_shared>>) target_semaphore(%run_scoped3A_99 : memref<!tpu.dma_semaphore, #tpu.memory_space<semaphore_mem>>)
        tpu.wait_dma2 semaphore(%run_scoped3A_99 : memref<!tpu.dma_semaphore, #tpu.memory_space<semaphore_mem>>) src(%arg4 : memref<10240x32xf32, #tpu.memory_space<hbm>>) dst(%arg11 : memref<10240x32xf32, #tpu.memory_space<vmem_shared>>)
        tpu.yield
      }) : () -> ()
    } else {
    }
    %mul3A_3 = arith.constant 625 : i32
    %mul3A_4 = arith.muli %arg1, %mul3A_3 : i32
    %mul3A_5 = arith.constant 625 : i32
    %mul3A_6 = arith.muli %arg1, %mul3A_5 : i32
    "tpu.region"() ({
      %run_scoped3A_99 = tpu.sem_alloc : memref<!tpu.dma_semaphore, #tpu.memory_space<semaphore_mem>>
      %dma_start3A_100 = arith.constant 0 : i32
      %dma_start3A_101 = tpu.memref_slice %arg12[%mul3A_6, %dma_start3A_100] : memref<10000x32xf32, #tpu.memory_space<vmem_shared>> -> memref<625x32xf32, #tpu.memory_space<vmem_shared>>
      %dma_start3A_102 = arith.constant 0 : i32
      %dma_start3A_103 = tpu.memref_slice %arg2[%mul3A_4, %dma_start3A_102] : memref<10000x32xf32, #tpu.memory_space<hbm>> -> memref<625x32xf32, #tpu.memory_space<hbm>>
      tpu.enqueue_dma source(%dma_start3A_103 : memref<625x32xf32, #tpu.memory_space<hbm>>) target(%dma_start3A_101 : memref<625x32xf32, #tpu.memory_space<vmem_shared>>) target_semaphore(%run_scoped3A_99 : memref<!tpu.dma_semaphore, #tpu.memory_space<semaphore_mem>>)
      %dma_wait3A_104 = arith.constant 0 : i32
      %dma_wait3A_105 = tpu.memref_slice %arg12[%mul3A_6, %dma_wait3A_104] : memref<10000x32xf32, #tpu.memory_space<vmem_shared>> -> memref<625x32xf32, #tpu.memory_space<vmem_shared>>
      %dma_wait3A_106 = arith.constant 0 : i32
      %dma_wait3A_107 = tpu.memref_slice %arg2[%mul3A_4, %dma_wait3A_106] : memref<10000x32xf32, #tpu.memory_space<hbm>> -> memref<625x32xf32, #tpu.memory_space<hbm>>
      tpu.wait_dma2 semaphore(%run_scoped3A_99 : memref<!tpu.dma_semaphore, #tpu.memory_space<semaphore_mem>>) src(%dma_wait3A_107 : memref<625x32xf32, #tpu.memory_space<hbm>>) dst(%dma_wait3A_105 : memref<625x32xf32, #tpu.memory_space<vmem_shared>>)
      tpu.yield
    }) : () -> ()
    %mul3A_7 = arith.constant 78 : i32
    %mul3A_8 = arith.muli %add3A, %mul3A_7 : i32
    %run_scoped3A = arith.constant 0 : i32
    "tpu.region"() ({
      %run_scoped3A_99 = tpu.sem_alloc : memref<!tpu.dma_semaphore, #tpu.memory_space<semaphore_mem>>
      %dma_start3A_100 = arith.constant 0 : i32
      %dma_start3A_101 = tpu.memref_slice %arg3[%run_scoped3A, %mul3A_8, %dma_start3A_100] : memref<2x2500x128xi32, #tpu.memory_space<hbm>> -> memref<1x78x128xi32, #tpu.memory_space<hbm>>
      %dma_start3A_102 = tpu.memref_squeeze %dma_start3A_101 : memref<1x78x128xi32, #tpu.memory_space<hbm>> -> memref<78x128xi32, #tpu.memory_space<hbm>>
      %dma_start3A_103 = arith.constant 0 : i32
      %dma_start3A_104 = tpu.memref_slice %arg3[%run_scoped3A, %mul3A_8, %dma_start3A_103] : memref<2x2500x128xi32, #tpu.memory_space<hbm>> -> memref<1x78x128xi32, #tpu.memory_space<hbm>>
      %dma_start3A_105 = tpu.memref_squeeze %dma_start3A_104 : memref<1x78x128xi32, #tpu.memory_space<hbm>> -> memref<78x128xi32, #tpu.memory_space<hbm>>
      tpu.enqueue_dma source(%dma_start3A_105 : memref<78x128xi32, #tpu.memory_space<hbm>>) target(%arg6 : memref<78x128xi32, #tpu.memory_space<vmem>>) target_semaphore(%run_scoped3A_99 : memref<!tpu.dma_semaphore, #tpu.memory_space<semaphore_mem>>)
      %dma_wait3A_106 = arith.constant 0 : i32
      %dma_wait3A_107 = tpu.memref_slice %arg3[%run_scoped3A, %mul3A_8, %dma_wait3A_106] : memref<2x2500x128xi32, #tpu.memory_space<hbm>> -> memref<1x78x128xi32, #tpu.memory_space<hbm>>
      %dma_wait3A_108 = tpu.memref_squeeze %dma_wait3A_107 : memref<1x78x128xi32, #tpu.memory_space<hbm>> -> memref<78x128xi32, #tpu.memory_space<hbm>>
      %dma_wait3A_109 = arith.constant 0 : i32
      %dma_wait3A_110 = tpu.memref_slice %arg3[%run_scoped3A, %mul3A_8, %dma_wait3A_109] : memref<2x2500x128xi32, #tpu.memory_space<hbm>> -> memref<1x78x128xi32, #tpu.memory_space<hbm>>
      %dma_wait3A_111 = tpu.memref_squeeze %dma_wait3A_110 : memref<1x78x128xi32, #tpu.memory_space<hbm>> -> memref<78x128xi32, #tpu.memory_space<hbm>>
      tpu.wait_dma2 semaphore(%run_scoped3A_99 : memref<!tpu.dma_semaphore, #tpu.memory_space<semaphore_mem>>) src(%dma_wait3A_111 : memref<78x128xi32, #tpu.memory_space<hbm>>) dst(%arg6 : memref<78x128xi32, #tpu.memory_space<vmem>>)
      tpu.yield
    }) : () -> ()
    %run_scoped3A_9 = arith.constant 1 : i32
    "tpu.region"() ({
      %run_scoped3A_99 = tpu.sem_alloc : memref<!tpu.dma_semaphore, #tpu.memory_space<semaphore_mem>>
      %dma_start3A_100 = arith.constant 0 : i32
      %dma_start3A_101 = tpu.memref_slice %arg3[%run_scoped3A_9, %mul3A_8, %dma_start3A_100] : memref<2x2500x128xi32, #tpu.memory_space<hbm>> -> memref<1x78x128xi32, #tpu.memory_space<hbm>>
      %dma_start3A_102 = tpu.memref_squeeze %dma_start3A_101 : memref<1x78x128xi32, #tpu.memory_space<hbm>> -> memref<78x128xi32, #tpu.memory_space<hbm>>
      %dma_start3A_103 = arith.constant 0 : i32
      %dma_start3A_104 = tpu.memref_slice %arg3[%run_scoped3A_9, %mul3A_8, %dma_start3A_103] : memref<2x2500x128xi32, #tpu.memory_space<hbm>> -> memref<1x78x128xi32, #tpu.memory_space<hbm>>
      %dma_start3A_105 = tpu.memref_squeeze %dma_start3A_104 : memref<1x78x128xi32, #tpu.memory_space<hbm>> -> memref<78x128xi32, #tpu.memory_space<hbm>>
      tpu.enqueue_dma source(%dma_start3A_105 : memref<78x128xi32, #tpu.memory_space<hbm>>) target(%arg7 : memref<78x128xi32, #tpu.memory_space<vmem>>) target_semaphore(%run_scoped3A_99 : memref<!tpu.dma_semaphore, #tpu.memory_space<semaphore_mem>>)
      %dma_wait3A_106 = arith.constant 0 : i32
      %dma_wait3A_107 = tpu.memref_slice %arg3[%run_scoped3A_9, %mul3A_8, %dma_wait3A_106] : memref<2x2500x128xi32, #tpu.memory_space<hbm>> -> memref<1x78x128xi32, #tpu.memory_space<hbm>>
      %dma_wait3A_108 = tpu.memref_squeeze %dma_wait3A_107 : memref<1x78x128xi32, #tpu.memory_space<hbm>> -> memref<78x128xi32, #tpu.memory_space<hbm>>
      %dma_wait3A_109 = arith.constant 0 : i32
      %dma_wait3A_110 = tpu.memref_slice %arg3[%run_scoped3A_9, %mul3A_8, %dma_wait3A_109] : memref<2x2500x128xi32, #tpu.memory_space<hbm>> -> memref<1x78x128xi32, #tpu.memory_space<hbm>>
      %dma_wait3A_111 = tpu.memref_squeeze %dma_wait3A_110 : memref<1x78x128xi32, #tpu.memory_space<hbm>> -> memref<78x128xi32, #tpu.memory_space<hbm>>
      tpu.wait_dma2 semaphore(%run_scoped3A_99 : memref<!tpu.dma_semaphore, #tpu.memory_space<semaphore_mem>>) src(%dma_wait3A_111 : memref<78x128xi32, #tpu.memory_space<hbm>>) dst(%arg7 : memref<78x128xi32, #tpu.memory_space<vmem>>)
      tpu.yield
    }) : () -> ()
    %lt3A = arith.constant 4 : i32
    %lt3A_10 = arith.cmpi slt, %add3A, %lt3A : i32
    %convert_element_type3A_11 = arith.extui %lt3A_10 : i1 to i32
    %cond3A_12 = arith.constant 0 : i32
    %cond3A_13 = arith.cmpi ne, %convert_element_type3A_11, %cond3A_12 : i32
    scf.if %cond3A_13 {
      %add3A_99 = arith.constant 2496 : i32
      %add3A_100 = arith.addi %add3A_99, %add3A : i32
      %run_scoped3A_101 = arith.constant 0 : i32
      "tpu.region"() ({
        %run_scoped3A_105 = tpu.sem_alloc : memref<!tpu.dma_semaphore, #tpu.memory_space<semaphore_mem>>
        %dma_start3A_106 = arith.constant 0 : i32
        %dma_start3A_107 = tpu.memref_slice %arg3[%run_scoped3A_101, %add3A_100, %dma_start3A_106] : memref<2x2500x128xi32, #tpu.memory_space<hbm>> -> memref<1x1x128xi32, #tpu.memory_space<hbm>>
        %dma_start3A_108 = tpu.memref_squeeze %dma_start3A_107 : memref<1x1x128xi32, #tpu.memory_space<hbm>> -> memref<1x128xi32, #tpu.memory_space<hbm>>
        %dma_start3A_109 = arith.constant 0 : i32
        %dma_start3A_110 = tpu.memref_slice %arg3[%run_scoped3A_101, %add3A_100, %dma_start3A_109] : memref<2x2500x128xi32, #tpu.memory_space<hbm>> -> memref<1x1x128xi32, #tpu.memory_space<hbm>>
        %dma_start3A_111 = tpu.memref_squeeze %dma_start3A_110 : memref<1x1x128xi32, #tpu.memory_space<hbm>> -> memref<1x128xi32, #tpu.memory_space<hbm>>
        tpu.enqueue_dma source(%dma_start3A_111 : memref<1x128xi32, #tpu.memory_space<hbm>>) target(%arg8 : memref<1x128xi32, #tpu.memory_space<vmem>>) target_semaphore(%run_scoped3A_105 : memref<!tpu.dma_semaphore, #tpu.memory_space<semaphore_mem>>)
        %dma_wait3A_112 = arith.constant 0 : i32
        %dma_wait3A_113 = tpu.memref_slice %arg3[%run_scoped3A_101, %add3A_100, %dma_wait3A_112] : memref<2x2500x128xi32, #tpu.memory_space<hbm>> -> memref<1x1x128xi32, #tpu.memory_space<hbm>>
        %dma_wait3A_114 = tpu.memref_squeeze %dma_wait3A_113 : memref<1x1x128xi32, #tpu.memory_space<hbm>> -> memref<1x128xi32, #tpu.memory_space<hbm>>
        %dma_wait3A_115 = arith.constant 0 : i32
        %dma_wait3A_116 = tpu.memref_slice %arg3[%run_scoped3A_101, %add3A_100, %dma_wait3A_115] : memref<2x2500x128xi32, #tpu.memory_space<hbm>> -> memref<1x1x128xi32, #tpu.memory_space<hbm>>
        %dma_wait3A_117 = tpu.memref_squeeze %dma_wait3A_116 : memref<1x1x128xi32, #tpu.memory_space<hbm>> -> memref<1x128xi32, #tpu.memory_space<hbm>>
        tpu.wait_dma2 semaphore(%run_scoped3A_105 : memref<!tpu.dma_semaphore, #tpu.memory_space<semaphore_mem>>) src(%dma_wait3A_117 : memref<1x128xi32, #tpu.memory_space<hbm>>) dst(%arg8 : memref<1x128xi32, #tpu.memory_space<vmem>>)
        tpu.yield
      }) : () -> ()
      %add3A_102 = arith.constant 2496 : i32
      %add3A_103 = arith.addi %add3A_102, %add3A : i32
      %run_scoped3A_104 = arith.constant 1 : i32
      "tpu.region"() ({
        %run_scoped3A_105 = tpu.sem_alloc : memref<!tpu.dma_semaphore, #tpu.memory_space<semaphore_mem>>
        %dma_start3A_106 = arith.constant 0 : i32
        %dma_start3A_107 = tpu.memref_slice %arg3[%run_scoped3A_104, %add3A_103, %dma_start3A_106] : memref<2x2500x128xi32, #tpu.memory_space<hbm>> -> memref<1x1x128xi32, #tpu.memory_space<hbm>>
        %dma_start3A_108 = tpu.memref_squeeze %dma_start3A_107 : memref<1x1x128xi32, #tpu.memory_space<hbm>> -> memref<1x128xi32, #tpu.memory_space<hbm>>
        %dma_start3A_109 = arith.constant 0 : i32
        %dma_start3A_110 = tpu.memref_slice %arg3[%run_scoped3A_104, %add3A_103, %dma_start3A_109] : memref<2x2500x128xi32, #tpu.memory_space<hbm>> -> memref<1x1x128xi32, #tpu.memory_space<hbm>>
        %dma_start3A_111 = tpu.memref_squeeze %dma_start3A_110 : memref<1x1x128xi32, #tpu.memory_space<hbm>> -> memref<1x128xi32, #tpu.memory_space<hbm>>
        tpu.enqueue_dma source(%dma_start3A_111 : memref<1x128xi32, #tpu.memory_space<hbm>>) target(%arg9 : memref<1x128xi32, #tpu.memory_space<vmem>>) target_semaphore(%run_scoped3A_105 : memref<!tpu.dma_semaphore, #tpu.memory_space<semaphore_mem>>)
        %dma_wait3A_112 = arith.constant 0 : i32
        %dma_wait3A_113 = tpu.memref_slice %arg3[%run_scoped3A_104, %add3A_103, %dma_wait3A_112] : memref<2x2500x128xi32, #tpu.memory_space<hbm>> -> memref<1x1x128xi32, #tpu.memory_space<hbm>>
        %dma_wait3A_114 = tpu.memref_squeeze %dma_wait3A_113 : memref<1x1x128xi32, #tpu.memory_space<hbm>> -> memref<1x128xi32, #tpu.memory_space<hbm>>
        %dma_wait3A_115 = arith.constant 0 : i32
        %dma_wait3A_116 = tpu.memref_slice %arg3[%run_scoped3A_104, %add3A_103, %dma_wait3A_115] : memref<2x2500x128xi32, #tpu.memory_space<hbm>> -> memref<1x1x128xi32, #tpu.memory_space<hbm>>
        %dma_wait3A_117 = tpu.memref_squeeze %dma_wait3A_116 : memref<1x1x128xi32, #tpu.memory_space<hbm>> -> memref<1x128xi32, #tpu.memory_space<hbm>>
        tpu.wait_dma2 semaphore(%run_scoped3A_105 : memref<!tpu.dma_semaphore, #tpu.memory_space<semaphore_mem>>) src(%dma_wait3A_117 : memref<1x128xi32, #tpu.memory_space<hbm>>) dst(%arg9 : memref<1x128xi32, #tpu.memory_space<vmem>>)
        tpu.yield
      }) : () -> ()
    } else {
    }
    %barrier3A = arith.constant 0 : index
    tpu.barrier barrier_id(%barrier3A)
    %dma_start3A = arith.constant 0 : i32
    %dma_start3A_14 = arith.constant 0 : i32
    %dma_start3A_15 = arith.constant 0 : i32
    %dma_start3A_16 = arith.constant 0 : i32
    %dma_start3A_17 = tpu.memref_slice %arg10[%dma_start3A_14, %dma_start3A_15, %dma_start3A_16] : memref<6x128x32xf32, #tpu.memory_space<vmem>> -> memref<1x128x32xf32, #tpu.memory_space<vmem>>
    %dma_start3A_18 = tpu.memref_squeeze %dma_start3A_17 : memref<1x128x32xf32, #tpu.memory_space<vmem>> -> memref<128x32xf32, #tpu.memory_space<vmem>>
    %dma_start3A_19 = arith.constant 0 : i32
    %dma_start3A_20 = tpu.memref_slice %arg7[%dma_start3A, %dma_start3A_19] : memref<78x128xi32, #tpu.memory_space<vmem>> -> memref<1x128xi32, #tpu.memory_space<vmem>>
    %dma_start3A_21 = tpu.memref_squeeze %dma_start3A_20 : memref<1x128xi32, #tpu.memory_space<vmem>> -> memref<128xi32, #tpu.memory_space<vmem>>
    %dma_start3A_22 = arith.constant 0 : i32
    %dma_start3A_23 = arith.constant 0 : i32
    %dma_start3A_24 = tpu.memref_slice %arg12[%dma_start3A_22, %dma_start3A_23] : memref<10000x32xf32, #tpu.memory_space<vmem_shared>> -> memref<10000x32xf32, #tpu.memory_space<vmem_shared>>
    tpu.enqueue_indirect_dma source(%dma_start3A_24 : memref<10000x32xf32, #tpu.memory_space<vmem_shared>>) target(%dma_start3A_18 : memref<128x32xf32, #tpu.memory_space<vmem>>) offsets(%dma_start3A_21 : memref<128xi32, #tpu.memory_space<vmem>>) semaphore(%arg13 : memref<!tpu.dma_semaphore, #tpu.memory_space<semaphore_mem>>)
    %dma_start3A_25 = arith.constant 1 : i32
    %dma_start3A_26 = arith.constant 1 : i32
    %dma_start3A_27 = arith.constant 0 : i32
    %dma_start3A_28 = arith.constant 0 : i32
    %dma_start3A_29 = tpu.memref_slice %arg10[%dma_start3A_26, %dma_start3A_27, %dma_start3A_28] : memref<6x128x32xf32, #tpu.memory_space<vmem>> -> memref<1x128x32xf32, #tpu.memory_space<vmem>>
    %dma_start3A_30 = tpu.memref_squeeze %dma_start3A_29 : memref<1x128x32xf32, #tpu.memory_space<vmem>> -> memref<128x32xf32, #tpu.memory_space<vmem>>
    %dma_start3A_31 = arith.constant 0 : i32
    %dma_start3A_32 = tpu.memref_slice %arg7[%dma_start3A_25, %dma_start3A_31] : memref<78x128xi32, #tpu.memory_space<vmem>> -> memref<1x128xi32, #tpu.memory_space<vmem>>
    %dma_start3A_33 = tpu.memref_squeeze %dma_start3A_32 : memref<1x128xi32, #tpu.memory_space<vmem>> -> memref<128xi32, #tpu.memory_space<vmem>>
    %dma_start3A_34 = arith.constant 0 : i32
    %dma_start3A_35 = arith.constant 0 : i32
    %dma_start3A_36 = tpu.memref_slice %arg12[%dma_start3A_34, %dma_start3A_35] : memref<10000x32xf32, #tpu.memory_space<vmem_shared>> -> memref<10000x32xf32, #tpu.memory_space<vmem_shared>>
    tpu.enqueue_indirect_dma source(%dma_start3A_36 : memref<10000x32xf32, #tpu.memory_space<vmem_shared>>) target(%dma_start3A_30 : memref<128x32xf32, #tpu.memory_space<vmem>>) offsets(%dma_start3A_33 : memref<128xi32, #tpu.memory_space<vmem>>) semaphore(%arg14 : memref<!tpu.dma_semaphore, #tpu.memory_space<semaphore_mem>>)
    %dma_start3A_37 = arith.constant 2 : i32
    %dma_start3A_38 = arith.constant 2 : i32
    %dma_start3A_39 = arith.constant 0 : i32
    %dma_start3A_40 = arith.constant 0 : i32
    %dma_start3A_41 = tpu.memref_slice %arg10[%dma_start3A_38, %dma_start3A_39, %dma_start3A_40] : memref<6x128x32xf32, #tpu.memory_space<vmem>> -> memref<1x128x32xf32, #tpu.memory_space<vmem>>
    %dma_start3A_42 = tpu.memref_squeeze %dma_start3A_41 : memref<1x128x32xf32, #tpu.memory_space<vmem>> -> memref<128x32xf32, #tpu.memory_space<vmem>>
    %dma_start3A_43 = arith.constant 0 : i32
    %dma_start3A_44 = tpu.memref_slice %arg7[%dma_start3A_37, %dma_start3A_43] : memref<78x128xi32, #tpu.memory_space<vmem>> -> memref<1x128xi32, #tpu.memory_space<vmem>>
    %dma_start3A_45 = tpu.memref_squeeze %dma_start3A_44 : memref<1x128xi32, #tpu.memory_space<vmem>> -> memref<128xi32, #tpu.memory_space<vmem>>
    %dma_start3A_46 = arith.constant 0 : i32
    %dma_start3A_47 = arith.constant 0 : i32
    %dma_start3A_48 = tpu.memref_slice %arg12[%dma_start3A_46, %dma_start3A_47] : memref<10000x32xf32, #tpu.memory_space<vmem_shared>> -> memref<10000x32xf32, #tpu.memory_space<vmem_shared>>
    tpu.enqueue_indirect_dma source(%dma_start3A_48 : memref<10000x32xf32, #tpu.memory_space<vmem_shared>>) target(%dma_start3A_42 : memref<128x32xf32, #tpu.memory_space<vmem>>) offsets(%dma_start3A_45 : memref<128xi32, #tpu.memory_space<vmem>>) semaphore(%arg15 : memref<!tpu.dma_semaphore, #tpu.memory_space<semaphore_mem>>)
    %scan3A = arith.constant 0 : i32
    %scan3A_49 = arith.constant 0 : i32
    %scan3A_50 = arith.constant 13 : i32
    %scan3A_51 = arith.addi %scan3A_49, %scan3A_50 : i32
    %scan3A_52 = arith.constant 1 : i32
    scf.for %scan3A_99 = %scan3A_49 to %scan3A_51 step %scan3A_52  : i32 {
      %mul3A_100 = arith.constant 6 : i32
      %mul3A_101 = arith.muli %scan3A_99, %mul3A_100 : i32
      %add3A_102 = arith.constant 0 : i32
      %add3A_103 = arith.addi %mul3A_101, %add3A_102 : i32
      %dma_wait3A_104 = arith.constant 0 : i32
      %dma_wait3A_105 = arith.constant 0 : i32
      %dma_wait3A_106 = arith.constant 0 : i32
      %dma_wait3A_107 = tpu.memref_slice %arg10[%dma_wait3A_104, %dma_wait3A_105, %dma_wait3A_106] : memref<6x128x32xf32, #tpu.memory_space<vmem>> -> memref<1x128x32xf32, #tpu.memory_space<vmem>>
      %dma_wait3A_108 = tpu.memref_squeeze %dma_wait3A_107 : memref<1x128x32xf32, #tpu.memory_space<vmem>> -> memref<128x32xf32, #tpu.memory_space<vmem>>
      %dma_wait3A_109 = arith.constant 0 : i32
      %dma_wait3A_110 = tpu.memref_slice %arg7[%add3A_103, %dma_wait3A_109] : memref<78x128xi32, #tpu.memory_space<vmem>> -> memref<1x128xi32, #tpu.memory_space<vmem>>
      %dma_wait3A_111 = tpu.memref_squeeze %dma_wait3A_110 : memref<1x128xi32, #tpu.memory_space<vmem>> -> memref<128xi32, #tpu.memory_space<vmem>>
      %dma_wait3A_112 = arith.constant 0 : i32
      %dma_wait3A_113 = arith.constant 0 : i32
      %dma_wait3A_114 = tpu.memref_slice %arg12[%dma_wait3A_112, %dma_wait3A_113] : memref<10000x32xf32, #tpu.memory_space<vmem_shared>> -> memref<10000x32xf32, #tpu.memory_space<vmem_shared>>
      tpu.wait_indirect_dma semaphore(%arg13 : memref<!tpu.dma_semaphore, #tpu.memory_space<semaphore_mem>>) src(%dma_wait3A_114 : memref<10000x32xf32, #tpu.memory_space<vmem_shared>>) dst(%dma_wait3A_108 : memref<128x32xf32, #tpu.memory_space<vmem>>)
      %dma_start3A_115 = arith.constant 0 : i32
      %dma_start3A_116 = arith.constant 0 : i32
      %dma_start3A_117 = arith.constant 0 : i32
      %dma_start3A_118 = tpu.memref_slice %arg10[%dma_start3A_115, %dma_start3A_116, %dma_start3A_117] : memref<6x128x32xf32, #tpu.memory_space<vmem>> -> memref<1x128x32xf32, #tpu.memory_space<vmem>>
      %dma_start3A_119 = tpu.memref_squeeze %dma_start3A_118 : memref<1x128x32xf32, #tpu.memory_space<vmem>> -> memref<128x32xf32, #tpu.memory_space<vmem>>
      %dma_start3A_120 = arith.constant 0 : i32
      %dma_start3A_121 = tpu.memref_slice %arg6[%add3A_103, %dma_start3A_120] : memref<78x128xi32, #tpu.memory_space<vmem>> -> memref<1x128xi32, #tpu.memory_space<vmem>>
      %dma_start3A_122 = tpu.memref_squeeze %dma_start3A_121 : memref<1x128xi32, #tpu.memory_space<vmem>> -> memref<128xi32, #tpu.memory_space<vmem>>
      %dma_start3A_123 = arith.constant 0 : i32
      %dma_start3A_124 = arith.constant 0 : i32
      %dma_start3A_125 = tpu.memref_slice %arg11[%dma_start3A_123, %dma_start3A_124] : memref<10240x32xf32, #tpu.memory_space<vmem_shared>> -> memref<10240x32xf32, #tpu.memory_space<vmem_shared>>
      tpu.enqueue_indirect_dma source(%dma_start3A_119 : memref<128x32xf32, #tpu.memory_space<vmem>>) target(%dma_start3A_125 : memref<10240x32xf32, #tpu.memory_space<vmem_shared>>) offsets(%dma_start3A_122 : memref<128xi32, #tpu.memory_space<vmem>>) semaphore(%arg19 : memref<!tpu.dma_semaphore, #tpu.memory_space<semaphore_mem>>) {add = true}
      %sub3A = arith.constant 3 : i32
      %sub3A_126 = arith.subi %add3A_103, %sub3A : i32
      %ge3A = arith.constant 0 : i32
      %ge3A_127 = arith.cmpi sge, %sub3A_126, %ge3A : i32
      %convert_element_type3A_128 = arith.extui %ge3A_127 : i1 to i32
      %cond3A_129 = arith.constant 0 : i32
      %cond3A_130 = arith.cmpi ne, %convert_element_type3A_128, %cond3A_129 : i32
      scf.if %cond3A_130 {
        %sub3A_328 = arith.constant 3 : i32
        %sub3A_329 = arith.subi %add3A_103, %sub3A_328 : i32
        %dma_wait3A_330 = arith.constant 3 : i32
        %dma_wait3A_331 = arith.constant 0 : i32
        %dma_wait3A_332 = arith.constant 0 : i32
        %dma_wait3A_333 = tpu.memref_slice %arg10[%dma_wait3A_330, %dma_wait3A_331, %dma_wait3A_332] : memref<6x128x32xf32, #tpu.memory_space<vmem>> -> memref<1x128x32xf32, #tpu.memory_space<vmem>>
        %dma_wait3A_334 = tpu.memref_squeeze %dma_wait3A_333 : memref<1x128x32xf32, #tpu.memory_space<vmem>> -> memref<128x32xf32, #tpu.memory_space<vmem>>
        %dma_wait3A_335 = arith.constant 0 : i32
        %dma_wait3A_336 = tpu.memref_slice %arg6[%sub3A_329, %dma_wait3A_335] : memref<78x128xi32, #tpu.memory_space<vmem>> -> memref<1x128xi32, #tpu.memory_space<vmem>>
        %dma_wait3A_337 = tpu.memref_squeeze %dma_wait3A_336 : memref<1x128xi32, #tpu.memory_space<vmem>> -> memref<128xi32, #tpu.memory_space<vmem>>
        %dma_wait3A_338 = arith.constant 0 : i32
        %dma_wait3A_339 = arith.constant 0 : i32
        %dma_wait3A_340 = tpu.memref_slice %arg11[%dma_wait3A_338, %dma_wait3A_339] : memref<10240x32xf32, #tpu.memory_space<vmem_shared>> -> memref<10240x32xf32, #tpu.memory_space<vmem_shared>>
        tpu.wait_indirect_dma semaphore(%arg22 : memref<!tpu.dma_semaphore, #tpu.memory_space<semaphore_mem>>) src(%dma_wait3A_334 : memref<128x32xf32, #tpu.memory_space<vmem>>) dst(%dma_wait3A_340 : memref<10240x32xf32, #tpu.memory_space<vmem_shared>>)
      } else {
      }
      %add3A_131 = arith.constant 3 : i32
      %add3A_132 = arith.addi %add3A_103, %add3A_131 : i32
      %lt3A_133 = arith.constant 78 : i32
      %lt3A_134 = arith.cmpi slt, %add3A_132, %lt3A_133 : i32
      %convert_element_type3A_135 = arith.extui %lt3A_134 : i1 to i32
      %cond3A_136 = arith.constant 0 : i32
      %cond3A_137 = arith.cmpi ne, %convert_element_type3A_135, %cond3A_136 : i32
      scf.if %cond3A_137 {
        %add3A_328 = arith.constant 3 : i32
        %add3A_329 = arith.addi %add3A_103, %add3A_328 : i32
        %dma_start3A_330 = arith.constant 3 : i32
        %dma_start3A_331 = arith.constant 0 : i32
        %dma_start3A_332 = arith.constant 0 : i32
        %dma_start3A_333 = tpu.memref_slice %arg10[%dma_start3A_330, %dma_start3A_331, %dma_start3A_332] : memref<6x128x32xf32, #tpu.memory_space<vmem>> -> memref<1x128x32xf32, #tpu.memory_space<vmem>>
        %dma_start3A_334 = tpu.memref_squeeze %dma_start3A_333 : memref<1x128x32xf32, #tpu.memory_space<vmem>> -> memref<128x32xf32, #tpu.memory_space<vmem>>
        %dma_start3A_335 = arith.constant 0 : i32
        %dma_start3A_336 = tpu.memref_slice %arg7[%add3A_329, %dma_start3A_335] : memref<78x128xi32, #tpu.memory_space<vmem>> -> memref<1x128xi32, #tpu.memory_space<vmem>>
        %dma_start3A_337 = tpu.memref_squeeze %dma_start3A_336 : memref<1x128xi32, #tpu.memory_space<vmem>> -> memref<128xi32, #tpu.memory_space<vmem>>
        %dma_start3A_338 = arith.constant 0 : i32
        %dma_start3A_339 = arith.constant 0 : i32
        %dma_start3A_340 = tpu.memref_slice %arg12[%dma_start3A_338, %dma_start3A_339] : memref<10000x32xf32, #tpu.memory_space<vmem_shared>> -> memref<10000x32xf32, #tpu.memory_space<vmem_shared>>
        tpu.enqueue_indirect_dma source(%dma_start3A_340 : memref<10000x32xf32, #tpu.memory_space<vmem_shared>>) target(%dma_start3A_334 : memref<128x32xf32, #tpu.memory_space<vmem>>) offsets(%dma_start3A_337 : memref<128xi32, #tpu.memory_space<vmem>>) semaphore(%arg16 : memref<!tpu.dma_semaphore, #tpu.memory_space<semaphore_mem>>)
      } else {
      }
      %add3A_138 = arith.constant 1 : i32
      %add3A_139 = arith.addi %mul3A_101, %add3A_138 : i32
      %dma_wait3A_140 = arith.constant 1 : i32
      %dma_wait3A_141 = arith.constant 0 : i32
      %dma_wait3A_142 = arith.constant 0 : i32
      %dma_wait3A_143 = tpu.memref_slice %arg10[%dma_wait3A_140, %dma_wait3A_141, %dma_wait3A_142] : memref<6x128x32xf32, #tpu.memory_space<vmem>> -> memref<1x128x32xf32, #tpu.memory_space<vmem>>
      %dma_wait3A_144 = tpu.memref_squeeze %dma_wait3A_143 : memref<1x128x32xf32, #tpu.memory_space<vmem>> -> memref<128x32xf32, #tpu.memory_space<vmem>>
      %dma_wait3A_145 = arith.constant 0 : i32
      %dma_wait3A_146 = tpu.memref_slice %arg7[%add3A_139, %dma_wait3A_145] : memref<78x128xi32, #tpu.memory_space<vmem>> -> memref<1x128xi32, #tpu.memory_space<vmem>>
      %dma_wait3A_147 = tpu.memref_squeeze %dma_wait3A_146 : memref<1x128xi32, #tpu.memory_space<vmem>> -> memref<128xi32, #tpu.memory_space<vmem>>
      %dma_wait3A_148 = arith.constant 0 : i32
      %dma_wait3A_149 = arith.constant 0 : i32
      %dma_wait3A_150 = tpu.memref_slice %arg12[%dma_wait3A_148, %dma_wait3A_149] : memref<10000x32xf32, #tpu.memory_space<vmem_shared>> -> memref<10000x32xf32, #tpu.memory_space<vmem_shared>>
      tpu.wait_indirect_dma semaphore(%arg14 : memref<!tpu.dma_semaphore, #tpu.memory_space<semaphore_mem>>) src(%dma_wait3A_150 : memref<10000x32xf32, #tpu.memory_space<vmem_shared>>) dst(%dma_wait3A_144 : memref<128x32xf32, #tpu.memory_space<vmem>>)
      %dma_start3A_151 = arith.constant 1 : i32
      %dma_start3A_152 = arith.constant 0 : i32
      %dma_start3A_153 = arith.constant 0 : i32
      %dma_start3A_154 = tpu.memref_slice %arg10[%dma_start3A_151, %dma_start3A_152, %dma_start3A_153] : memref<6x128x32xf32, #tpu.memory_space<vmem>> -> memref<1x128x32xf32, #tpu.memory_space<vmem>>
      %dma_start3A_155 = tpu.memref_squeeze %dma_start3A_154 : memref<1x128x32xf32, #tpu.memory_space<vmem>> -> memref<128x32xf32, #tpu.memory_space<vmem>>
      %dma_start3A_156 = arith.constant 0 : i32
      %dma_start3A_157 = tpu.memref_slice %arg6[%add3A_139, %dma_start3A_156] : memref<78x128xi32, #tpu.memory_space<vmem>> -> memref<1x128xi32, #tpu.memory_space<vmem>>
      %dma_start3A_158 = tpu.memref_squeeze %dma_start3A_157 : memref<1x128xi32, #tpu.memory_space<vmem>> -> memref<128xi32, #tpu.memory_space<vmem>>
      %dma_start3A_159 = arith.constant 0 : i32
      %dma_start3A_160 = arith.constant 0 : i32
      %dma_start3A_161 = tpu.memref_slice %arg11[%dma_start3A_159, %dma_start3A_160] : memref<10240x32xf32, #tpu.memory_space<vmem_shared>> -> memref<10240x32xf32, #tpu.memory_space<vmem_shared>>
      tpu.enqueue_indirect_dma source(%dma_start3A_155 : memref<128x32xf32, #tpu.memory_space<vmem>>) target(%dma_start3A_161 : memref<10240x32xf32, #tpu.memory_space<vmem_shared>>) offsets(%dma_start3A_158 : memref<128xi32, #tpu.memory_space<vmem>>) semaphore(%arg20 : memref<!tpu.dma_semaphore, #tpu.memory_space<semaphore_mem>>) {add = true}
      %sub3A_162 = arith.constant 3 : i32
      %sub3A_163 = arith.subi %add3A_139, %sub3A_162 : i32
      %ge3A_164 = arith.constant 0 : i32
      %ge3A_165 = arith.cmpi sge, %sub3A_163, %ge3A_164 : i32
      %convert_element_type3A_166 = arith.extui %ge3A_165 : i1 to i32
      %cond3A_167 = arith.constant 0 : i32
      %cond3A_168 = arith.cmpi ne, %convert_element_type3A_166, %cond3A_167 : i32
      scf.if %cond3A_168 {
        %sub3A_328 = arith.constant 3 : i32
        %sub3A_329 = arith.subi %add3A_139, %sub3A_328 : i32
        %dma_wait3A_330 = arith.constant 4 : i32
        %dma_wait3A_331 = arith.constant 0 : i32
        %dma_wait3A_332 = arith.constant 0 : i32
        %dma_wait3A_333 = tpu.memref_slice %arg10[%dma_wait3A_330, %dma_wait3A_331, %dma_wait3A_332] : memref<6x128x32xf32, #tpu.memory_space<vmem>> -> memref<1x128x32xf32, #tpu.memory_space<vmem>>
        %dma_wait3A_334 = tpu.memref_squeeze %dma_wait3A_333 : memref<1x128x32xf32, #tpu.memory_space<vmem>> -> memref<128x32xf32, #tpu.memory_space<vmem>>
        %dma_wait3A_335 = arith.constant 0 : i32
        %dma_wait3A_336 = tpu.memref_slice %arg6[%sub3A_329, %dma_wait3A_335] : memref<78x128xi32, #tpu.memory_space<vmem>> -> memref<1x128xi32, #tpu.memory_space<vmem>>
        %dma_wait3A_337 = tpu.memref_squeeze %dma_wait3A_336 : memref<1x128xi32, #tpu.memory_space<vmem>> -> memref<128xi32, #tpu.memory_space<vmem>>
        %dma_wait3A_338 = arith.constant 0 : i32
        %dma_wait3A_339 = arith.constant 0 : i32
        %dma_wait3A_340 = tpu.memref_slice %arg11[%dma_wait3A_338, %dma_wait3A_339] : memref<10240x32xf32, #tpu.memory_space<vmem_shared>> -> memref<10240x32xf32, #tpu.memory_space<vmem_shared>>
        tpu.wait_indirect_dma semaphore(%arg23 : memref<!tpu.dma_semaphore, #tpu.memory_space<semaphore_mem>>) src(%dma_wait3A_334 : memref<128x32xf32, #tpu.memory_space<vmem>>) dst(%dma_wait3A_340 : memref<10240x32xf32, #tpu.memory_space<vmem_shared>>)
      } else {
      }
      %add3A_169 = arith.constant 3 : i32
      %add3A_170 = arith.addi %add3A_139, %add3A_169 : i32
      %lt3A_171 = arith.constant 78 : i32
      %lt3A_172 = arith.cmpi slt, %add3A_170, %lt3A_171 : i32
      %convert_element_type3A_173 = arith.extui %lt3A_172 : i1 to i32
      %cond3A_174 = arith.constant 0 : i32
      %cond3A_175 = arith.cmpi ne, %convert_element_type3A_173, %cond3A_174 : i32
      scf.if %cond3A_175 {
        %add3A_328 = arith.constant 3 : i32
        %add3A_329 = arith.addi %add3A_139, %add3A_328 : i32
        %dma_start3A_330 = arith.constant 4 : i32
        %dma_start3A_331 = arith.constant 0 : i32
        %dma_start3A_332 = arith.constant 0 : i32
        %dma_start3A_333 = tpu.memref_slice %arg10[%dma_start3A_330, %dma_start3A_331, %dma_start3A_332] : memref<6x128x32xf32, #tpu.memory_space<vmem>> -> memref<1x128x32xf32, #tpu.memory_space<vmem>>
        %dma_start3A_334 = tpu.memref_squeeze %dma_start3A_333 : memref<1x128x32xf32, #tpu.memory_space<vmem>> -> memref<128x32xf32, #tpu.memory_space<vmem>>
        %dma_start3A_335 = arith.constant 0 : i32
        %dma_start3A_336 = tpu.memref_slice %arg7[%add3A_329, %dma_start3A_335] : memref<78x128xi32, #tpu.memory_space<vmem>> -> memref<1x128xi32, #tpu.memory_space<vmem>>
        %dma_start3A_337 = tpu.memref_squeeze %dma_start3A_336 : memref<1x128xi32, #tpu.memory_space<vmem>> -> memref<128xi32, #tpu.memory_space<vmem>>
        %dma_start3A_338 = arith.constant 0 : i32
        %dma_start3A_339 = arith.constant 0 : i32
        %dma_start3A_340 = tpu.memref_slice %arg12[%dma_start3A_338, %dma_start3A_339] : memref<10000x32xf32, #tpu.memory_space<vmem_shared>> -> memref<10000x32xf32, #tpu.memory_space<vmem_shared>>
        tpu.enqueue_indirect_dma source(%dma_start3A_340 : memref<10000x32xf32, #tpu.memory_space<vmem_shared>>) target(%dma_start3A_334 : memref<128x32xf32, #tpu.memory_space<vmem>>) offsets(%dma_start3A_337 : memref<128xi32, #tpu.memory_space<vmem>>) semaphore(%arg17 : memref<!tpu.dma_semaphore, #tpu.memory_space<semaphore_mem>>)
      } else {
      }
      %add3A_176 = arith.constant 2 : i32
      %add3A_177 = arith.addi %mul3A_101, %add3A_176 : i32
      %dma_wait3A_178 = arith.constant 2 : i32
      %dma_wait3A_179 = arith.constant 0 : i32
      %dma_wait3A_180 = arith.constant 0 : i32
      %dma_wait3A_181 = tpu.memref_slice %arg10[%dma_wait3A_178, %dma_wait3A_179, %dma_wait3A_180] : memref<6x128x32xf32, #tpu.memory_space<vmem>> -> memref<1x128x32xf32, #tpu.memory_space<vmem>>
      %dma_wait3A_182 = tpu.memref_squeeze %dma_wait3A_181 : memref<1x128x32xf32, #tpu.memory_space<vmem>> -> memref<128x32xf32, #tpu.memory_space<vmem>>
      %dma_wait3A_183 = arith.constant 0 : i32
      %dma_wait3A_184 = tpu.memref_slice %arg7[%add3A_177, %dma_wait3A_183] : memref<78x128xi32, #tpu.memory_space<vmem>> -> memref<1x128xi32, #tpu.memory_space<vmem>>
      %dma_wait3A_185 = tpu.memref_squeeze %dma_wait3A_184 : memref<1x128xi32, #tpu.memory_space<vmem>> -> memref<128xi32, #tpu.memory_space<vmem>>
      %dma_wait3A_186 = arith.constant 0 : i32
      %dma_wait3A_187 = arith.constant 0 : i32
      %dma_wait3A_188 = tpu.memref_slice %arg12[%dma_wait3A_186, %dma_wait3A_187] : memref<10000x32xf32, #tpu.memory_space<vmem_shared>> -> memref<10000x32xf32, #tpu.memory_space<vmem_shared>>
      tpu.wait_indirect_dma semaphore(%arg15 : memref<!tpu.dma_semaphore, #tpu.memory_space<semaphore_mem>>) src(%dma_wait3A_188 : memref<10000x32xf32, #tpu.memory_space<vmem_shared>>) dst(%dma_wait3A_182 : memref<128x32xf32, #tpu.memory_space<vmem>>)
      %dma_start3A_189 = arith.constant 2 : i32
      %dma_start3A_190 = arith.constant 0 : i32
      %dma_start3A_191 = arith.constant 0 : i32
      %dma_start3A_192 = tpu.memref_slice %arg10[%dma_start3A_189, %dma_start3A_190, %dma_start3A_191] : memref<6x128x32xf32, #tpu.memory_space<vmem>> -> memref<1x128x32xf32, #tpu.memory_space<vmem>>
      %dma_start3A_193 = tpu.memref_squeeze %dma_start3A_192 : memref<1x128x32xf32, #tpu.memory_space<vmem>> -> memref<128x32xf32, #tpu.memory_space<vmem>>
      %dma_start3A_194 = arith.constant 0 : i32
      %dma_start3A_195 = tpu.memref_slice %arg6[%add3A_177, %dma_start3A_194] : memref<78x128xi32, #tpu.memory_space<vmem>> -> memref<1x128xi32, #tpu.memory_space<vmem>>
      %dma_start3A_196 = tpu.memref_squeeze %dma_start3A_195 : memref<1x128xi32, #tpu.memory_space<vmem>> -> memref<128xi32, #tpu.memory_space<vmem>>
      %dma_start3A_197 = arith.constant 0 : i32
      %dma_start3A_198 = arith.constant 0 : i32
      %dma_start3A_199 = tpu.memref_slice %arg11[%dma_start3A_197, %dma_start3A_198] : memref<10240x32xf32, #tpu.memory_space<vmem_shared>> -> memref<10240x32xf32, #tpu.memory_space<vmem_shared>>
      tpu.enqueue_indirect_dma source(%dma_start3A_193 : memref<128x32xf32, #tpu.memory_space<vmem>>) target(%dma_start3A_199 : memref<10240x32xf32, #tpu.memory_space<vmem_shared>>) offsets(%dma_start3A_196 : memref<128xi32, #tpu.memory_space<vmem>>) semaphore(%arg21 : memref<!tpu.dma_semaphore, #tpu.memory_space<semaphore_mem>>) {add = true}
      %sub3A_200 = arith.constant 3 : i32
      %sub3A_201 = arith.subi %add3A_177, %sub3A_200 : i32
      %ge3A_202 = arith.constant 0 : i32
      %ge3A_203 = arith.cmpi sge, %sub3A_201, %ge3A_202 : i32
      %convert_element_type3A_204 = arith.extui %ge3A_203 : i1 to i32
      %cond3A_205 = arith.constant 0 : i32
      %cond3A_206 = arith.cmpi ne, %convert_element_type3A_204, %cond3A_205 : i32
      scf.if %cond3A_206 {
        %sub3A_328 = arith.constant 3 : i32
        %sub3A_329 = arith.subi %add3A_177, %sub3A_328 : i32
        %dma_wait3A_330 = arith.constant 5 : i32
        %dma_wait3A_331 = arith.constant 0 : i32
        %dma_wait3A_332 = arith.constant 0 : i32
        %dma_wait3A_333 = tpu.memref_slice %arg10[%dma_wait3A_330, %dma_wait3A_331, %dma_wait3A_332] : memref<6x128x32xf32, #tpu.memory_space<vmem>> -> memref<1x128x32xf32, #tpu.memory_space<vmem>>
        %dma_wait3A_334 = tpu.memref_squeeze %dma_wait3A_333 : memref<1x128x32xf32, #tpu.memory_space<vmem>> -> memref<128x32xf32, #tpu.memory_space<vmem>>
        %dma_wait3A_335 = arith.constant 0 : i32
        %dma_wait3A_336 = tpu.memref_slice %arg6[%sub3A_329, %dma_wait3A_335] : memref<78x128xi32, #tpu.memory_space<vmem>> -> memref<1x128xi32, #tpu.memory_space<vmem>>
        %dma_wait3A_337 = tpu.memref_squeeze %dma_wait3A_336 : memref<1x128xi32, #tpu.memory_space<vmem>> -> memref<128xi32, #tpu.memory_space<vmem>>
        %dma_wait3A_338 = arith.constant 0 : i32
        %dma_wait3A_339 = arith.constant 0 : i32
        %dma_wait3A_340 = tpu.memref_slice %arg11[%dma_wait3A_338, %dma_wait3A_339] : memref<10240x32xf32, #tpu.memory_space<vmem_shared>> -> memref<10240x32xf32, #tpu.memory_space<vmem_shared>>
        tpu.wait_indirect_dma semaphore(%arg24 : memref<!tpu.dma_semaphore, #tpu.memory_space<semaphore_mem>>) src(%dma_wait3A_334 : memref<128x32xf32, #tpu.memory_space<vmem>>) dst(%dma_wait3A_340 : memref<10240x32xf32, #tpu.memory_space<vmem_shared>>)
      } else {
      }
      %add3A_207 = arith.constant 3 : i32
      %add3A_208 = arith.addi %add3A_177, %add3A_207 : i32
      %lt3A_209 = arith.constant 78 : i32
      %lt3A_210 = arith.cmpi slt, %add3A_208, %lt3A_209 : i32
      %convert_element_type3A_211 = arith.extui %lt3A_210 : i1 to i32
      %cond3A_212 = arith.constant 0 : i32
      %cond3A_213 = arith.cmpi ne, %convert_element_type3A_211, %cond3A_212 : i32
      scf.if %cond3A_213 {
        %add3A_328 = arith.constant 3 : i32
        %add3A_329 = arith.addi %add3A_177, %add3A_328 : i32
        %dma_start3A_330 = arith.constant 5 : i32
        %dma_start3A_331 = arith.constant 0 : i32
        %dma_start3A_332 = arith.constant 0 : i32
        %dma_start3A_333 = tpu.memref_slice %arg10[%dma_start3A_330, %dma_start3A_331, %dma_start3A_332] : memref<6x128x32xf32, #tpu.memory_space<vmem>> -> memref<1x128x32xf32, #tpu.memory_space<vmem>>
        %dma_start3A_334 = tpu.memref_squeeze %dma_start3A_333 : memref<1x128x32xf32, #tpu.memory_space<vmem>> -> memref<128x32xf32, #tpu.memory_space<vmem>>
        %dma_start3A_335 = arith.constant 0 : i32
        %dma_start3A_336 = tpu.memref_slice %arg7[%add3A_329, %dma_start3A_335] : memref<78x128xi32, #tpu.memory_space<vmem>> -> memref<1x128xi32, #tpu.memory_space<vmem>>
        %dma_start3A_337 = tpu.memref_squeeze %dma_start3A_336 : memref<1x128xi32, #tpu.memory_space<vmem>> -> memref<128xi32, #tpu.memory_space<vmem>>
        %dma_start3A_338 = arith.constant 0 : i32
        %dma_start3A_339 = arith.constant 0 : i32
        %dma_start3A_340 = tpu.memref_slice %arg12[%dma_start3A_338, %dma_start3A_339] : memref<10000x32xf32, #tpu.memory_space<vmem_shared>> -> memref<10000x32xf32, #tpu.memory_space<vmem_shared>>
        tpu.enqueue_indirect_dma source(%dma_start3A_340 : memref<10000x32xf32, #tpu.memory_space<vmem_shared>>) target(%dma_start3A_334 : memref<128x32xf32, #tpu.memory_space<vmem>>) offsets(%dma_start3A_337 : memref<128xi32, #tpu.memory_space<vmem>>) semaphore(%arg18 : memref<!tpu.dma_semaphore, #tpu.memory_space<semaphore_mem>>)
      } else {
      }
      %add3A_214 = arith.constant 3 : i32
      %add3A_215 = arith.addi %mul3A_101, %add3A_214 : i32
      %dma_wait3A_216 = arith.constant 3 : i32
      %dma_wait3A_217 = arith.constant 0 : i32
      %dma_wait3A_218 = arith.constant 0 : i32
      %dma_wait3A_219 = tpu.memref_slice %arg10[%dma_wait3A_216, %dma_wait3A_217, %dma_wait3A_218] : memref<6x128x32xf32, #tpu.memory_space<vmem>> -> memref<1x128x32xf32, #tpu.memory_space<vmem>>
      %dma_wait3A_220 = tpu.memref_squeeze %dma_wait3A_219 : memref<1x128x32xf32, #tpu.memory_space<vmem>> -> memref<128x32xf32, #tpu.memory_space<vmem>>
      %dma_wait3A_221 = arith.constant 0 : i32
      %dma_wait3A_222 = tpu.memref_slice %arg7[%add3A_215, %dma_wait3A_221] : memref<78x128xi32, #tpu.memory_space<vmem>> -> memref<1x128xi32, #tpu.memory_space<vmem>>
      %dma_wait3A_223 = tpu.memref_squeeze %dma_wait3A_222 : memref<1x128xi32, #tpu.memory_space<vmem>> -> memref<128xi32, #tpu.memory_space<vmem>>
      %dma_wait3A_224 = arith.constant 0 : i32
      %dma_wait3A_225 = arith.constant 0 : i32
      %dma_wait3A_226 = tpu.memref_slice %arg12[%dma_wait3A_224, %dma_wait3A_225] : memref<10000x32xf32, #tpu.memory_space<vmem_shared>> -> memref<10000x32xf32, #tpu.memory_space<vmem_shared>>
      tpu.wait_indirect_dma semaphore(%arg16 : memref<!tpu.dma_semaphore, #tpu.memory_space<semaphore_mem>>) src(%dma_wait3A_226 : memref<10000x32xf32, #tpu.memory_space<vmem_shared>>) dst(%dma_wait3A_220 : memref<128x32xf32, #tpu.memory_space<vmem>>)
      %dma_start3A_227 = arith.constant 3 : i32
      %dma_start3A_228 = arith.constant 0 : i32
      %dma_start3A_229 = arith.constant 0 : i32
      %dma_start3A_230 = tpu.memref_slice %arg10[%dma_start3A_227, %dma_start3A_228, %dma_start3A_229] : memref<6x128x32xf32, #tpu.memory_space<vmem>> -> memref<1x128x32xf32, #tpu.memory_space<vmem>>
      %dma_start3A_231 = tpu.memref_squeeze %dma_start3A_230 : memref<1x128x32xf32, #tpu.memory_space<vmem>> -> memref<128x32xf32, #tpu.memory_space<vmem>>
      %dma_start3A_232 = arith.constant 0 : i32
      %dma_start3A_233 = tpu.memref_slice %arg6[%add3A_215, %dma_start3A_232] : memref<78x128xi32, #tpu.memory_space<vmem>> -> memref<1x128xi32, #tpu.memory_space<vmem>>
      %dma_start3A_234 = tpu.memref_squeeze %dma_start3A_233 : memref<1x128xi32, #tpu.memory_space<vmem>> -> memref<128xi32, #tpu.memory_space<vmem>>
      %dma_start3A_235 = arith.constant 0 : i32
      %dma_start3A_236 = arith.constant 0 : i32
      %dma_start3A_237 = tpu.memref_slice %arg11[%dma_start3A_235, %dma_start3A_236] : memref<10240x32xf32, #tpu.memory_space<vmem_shared>> -> memref<10240x32xf32, #tpu.memory_space<vmem_shared>>
      tpu.enqueue_indirect_dma source(%dma_start3A_231 : memref<128x32xf32, #tpu.memory_space<vmem>>) target(%dma_start3A_237 : memref<10240x32xf32, #tpu.memory_space<vmem_shared>>) offsets(%dma_start3A_234 : memref<128xi32, #tpu.memory_space<vmem>>) semaphore(%arg22 : memref<!tpu.dma_semaphore, #tpu.memory_space<semaphore_mem>>) {add = true}
      %sub3A_238 = arith.constant 3 : i32
      %sub3A_239 = arith.subi %add3A_215, %sub3A_238 : i32
      %ge3A_240 = arith.constant 0 : i32
      %ge3A_241 = arith.cmpi sge, %sub3A_239, %ge3A_240 : i32
      %convert_element_type3A_242 = arith.extui %ge3A_241 : i1 to i32
      %cond3A_243 = arith.constant 0 : i32
      %cond3A_244 = arith.cmpi ne, %convert_element_type3A_242, %cond3A_243 : i32
      scf.if %cond3A_244 {
        %sub3A_328 = arith.constant 3 : i32
        %sub3A_329 = arith.subi %add3A_215, %sub3A_328 : i32
        %dma_wait3A_330 = arith.constant 0 : i32
        %dma_wait3A_331 = arith.constant 0 : i32
        %dma_wait3A_332 = arith.constant 0 : i32
        %dma_wait3A_333 = tpu.memref_slice %arg10[%dma_wait3A_330, %dma_wait3A_331, %dma_wait3A_332] : memref<6x128x32xf32, #tpu.memory_space<vmem>> -> memref<1x128x32xf32, #tpu.memory_space<vmem>>
        %dma_wait3A_334 = tpu.memref_squeeze %dma_wait3A_333 : memref<1x128x32xf32, #tpu.memory_space<vmem>> -> memref<128x32xf32, #tpu.memory_space<vmem>>
        %dma_wait3A_335 = arith.constant 0 : i32
        %dma_wait3A_336 = tpu.memref_slice %arg6[%sub3A_329, %dma_wait3A_335] : memref<78x128xi32, #tpu.memory_space<vmem>> -> memref<1x128xi32, #tpu.memory_space<vmem>>
        %dma_wait3A_337 = tpu.memref_squeeze %dma_wait3A_336 : memref<1x128xi32, #tpu.memory_space<vmem>> -> memref<128xi32, #tpu.memory_space<vmem>>
        %dma_wait3A_338 = arith.constant 0 : i32
        %dma_wait3A_339 = arith.constant 0 : i32
        %dma_wait3A_340 = tpu.memref_slice %arg11[%dma_wait3A_338, %dma_wait3A_339] : memref<10240x32xf32, #tpu.memory_space<vmem_shared>> -> memref<10240x32xf32, #tpu.memory_space<vmem_shared>>
        tpu.wait_indirect_dma semaphore(%arg19 : memref<!tpu.dma_semaphore, #tpu.memory_space<semaphore_mem>>) src(%dma_wait3A_334 : memref<128x32xf32, #tpu.memory_space<vmem>>) dst(%dma_wait3A_340 : memref<10240x32xf32, #tpu.memory_space<vmem_shared>>)
      } else {
      }
      %add3A_245 = arith.constant 3 : i32
      %add3A_246 = arith.addi %add3A_215, %add3A_245 : i32
      %lt3A_247 = arith.constant 78 : i32
      %lt3A_248 = arith.cmpi slt, %add3A_246, %lt3A_247 : i32
      %convert_element_type3A_249 = arith.extui %lt3A_248 : i1 to i32
      %cond3A_250 = arith.constant 0 : i32
      %cond3A_251 = arith.cmpi ne, %convert_element_type3A_249, %cond3A_250 : i32
      scf.if %cond3A_251 {
        %add3A_328 = arith.constant 3 : i32
        %add3A_329 = arith.addi %add3A_215, %add3A_328 : i32
        %dma_start3A_330 = arith.constant 0 : i32
        %dma_start3A_331 = arith.constant 0 : i32
        %dma_start3A_332 = arith.constant 0 : i32
        %dma_start3A_333 = tpu.memref_slice %arg10[%dma_start3A_330, %dma_start3A_331, %dma_start3A_332] : memref<6x128x32xf32, #tpu.memory_space<vmem>> -> memref<1x128x32xf32, #tpu.memory_space<vmem>>
        %dma_start3A_334 = tpu.memref_squeeze %dma_start3A_333 : memref<1x128x32xf32, #tpu.memory_space<vmem>> -> memref<128x32xf32, #tpu.memory_space<vmem>>
        %dma_start3A_335 = arith.constant 0 : i32
        %dma_start3A_336 = tpu.memref_slice %arg7[%add3A_329, %dma_start3A_335] : memref<78x128xi32, #tpu.memory_space<vmem>> -> memref<1x128xi32, #tpu.memory_space<vmem>>
        %dma_start3A_337 = tpu.memref_squeeze %dma_start3A_336 : memref<1x128xi32, #tpu.memory_space<vmem>> -> memref<128xi32, #tpu.memory_space<vmem>>
        %dma_start3A_338 = arith.constant 0 : i32
        %dma_start3A_339 = arith.constant 0 : i32
        %dma_start3A_340 = tpu.memref_slice %arg12[%dma_start3A_338, %dma_start3A_339] : memref<10000x32xf32, #tpu.memory_space<vmem_shared>> -> memref<10000x32xf32, #tpu.memory_space<vmem_shared>>
        tpu.enqueue_indirect_dma source(%dma_start3A_340 : memref<10000x32xf32, #tpu.memory_space<vmem_shared>>) target(%dma_start3A_334 : memref<128x32xf32, #tpu.memory_space<vmem>>) offsets(%dma_start3A_337 : memref<128xi32, #tpu.memory_space<vmem>>) semaphore(%arg13 : memref<!tpu.dma_semaphore, #tpu.memory_space<semaphore_mem>>)
      } else {
      }
      %add3A_252 = arith.constant 4 : i32
      %add3A_253 = arith.addi %mul3A_101, %add3A_252 : i32
      %dma_wait3A_254 = arith.constant 4 : i32
      %dma_wait3A_255 = arith.constant 0 : i32
      %dma_wait3A_256 = arith.constant 0 : i32
      %dma_wait3A_257 = tpu.memref_slice %arg10[%dma_wait3A_254, %dma_wait3A_255, %dma_wait3A_256] : memref<6x128x32xf32, #tpu.memory_space<vmem>> -> memref<1x128x32xf32, #tpu.memory_space<vmem>>
      %dma_wait3A_258 = tpu.memref_squeeze %dma_wait3A_257 : memref<1x128x32xf32, #tpu.memory_space<vmem>> -> memref<128x32xf32, #tpu.memory_space<vmem>>
      %dma_wait3A_259 = arith.constant 0 : i32
      %dma_wait3A_260 = tpu.memref_slice %arg7[%add3A_253, %dma_wait3A_259] : memref<78x128xi32, #tpu.memory_space<vmem>> -> memref<1x128xi32, #tpu.memory_space<vmem>>
      %dma_wait3A_261 = tpu.memref_squeeze %dma_wait3A_260 : memref<1x128xi32, #tpu.memory_space<vmem>> -> memref<128xi32, #tpu.memory_space<vmem>>
      %dma_wait3A_262 = arith.constant 0 : i32
      %dma_wait3A_263 = arith.constant 0 : i32
      %dma_wait3A_264 = tpu.memref_slice %arg12[%dma_wait3A_262, %dma_wait3A_263] : memref<10000x32xf32, #tpu.memory_space<vmem_shared>> -> memref<10000x32xf32, #tpu.memory_space<vmem_shared>>
      tpu.wait_indirect_dma semaphore(%arg17 : memref<!tpu.dma_semaphore, #tpu.memory_space<semaphore_mem>>) src(%dma_wait3A_264 : memref<10000x32xf32, #tpu.memory_space<vmem_shared>>) dst(%dma_wait3A_258 : memref<128x32xf32, #tpu.memory_space<vmem>>)
      %dma_start3A_265 = arith.constant 4 : i32
      %dma_start3A_266 = arith.constant 0 : i32
      %dma_start3A_267 = arith.constant 0 : i32
      %dma_start3A_268 = tpu.memref_slice %arg10[%dma_start3A_265, %dma_start3A_266, %dma_start3A_267] : memref<6x128x32xf32, #tpu.memory_space<vmem>> -> memref<1x128x32xf32, #tpu.memory_space<vmem>>
      %dma_start3A_269 = tpu.memref_squeeze %dma_start3A_268 : memref<1x128x32xf32, #tpu.memory_space<vmem>> -> memref<128x32xf32, #tpu.memory_space<vmem>>
      %dma_start3A_270 = arith.constant 0 : i32
      %dma_start3A_271 = tpu.memref_slice %arg6[%add3A_253, %dma_start3A_270] : memref<78x128xi32, #tpu.memory_space<vmem>> -> memref<1x128xi32, #tpu.memory_space<vmem>>
      %dma_start3A_272 = tpu.memref_squeeze %dma_start3A_271 : memref<1x128xi32, #tpu.memory_space<vmem>> -> memref<128xi32, #tpu.memory_space<vmem>>
      %dma_start3A_273 = arith.constant 0 : i32
      %dma_start3A_274 = arith.constant 0 : i32
      %dma_start3A_275 = tpu.memref_slice %arg11[%dma_start3A_273, %dma_start3A_274] : memref<10240x32xf32, #tpu.memory_space<vmem_shared>> -> memref<10240x32xf32, #tpu.memory_space<vmem_shared>>
      tpu.enqueue_indirect_dma source(%dma_start3A_269 : memref<128x32xf32, #tpu.memory_space<vmem>>) target(%dma_start3A_275 : memref<10240x32xf32, #tpu.memory_space<vmem_shared>>) offsets(%dma_start3A_272 : memref<128xi32, #tpu.memory_space<vmem>>) semaphore(%arg23 : memref<!tpu.dma_semaphore, #tpu.memory_space<semaphore_mem>>) {add = true}
      %sub3A_276 = arith.constant 3 : i32
      %sub3A_277 = arith.subi %add3A_253, %sub3A_276 : i32
      %ge3A_278 = arith.constant 0 : i32
      %ge3A_279 = arith.cmpi sge, %sub3A_277, %ge3A_278 : i32
      %convert_element_type3A_280 = arith.extui %ge3A_279 : i1 to i32
      %cond3A_281 = arith.constant 0 : i32
      %cond3A_282 = arith.cmpi ne, %convert_element_type3A_280, %cond3A_281 : i32
      scf.if %cond3A_282 {
        %sub3A_328 = arith.constant 3 : i32
        %sub3A_329 = arith.subi %add3A_253, %sub3A_328 : i32
        %dma_wait3A_330 = arith.constant 1 : i32
        %dma_wait3A_331 = arith.constant 0 : i32
        %dma_wait3A_332 = arith.constant 0 : i32
        %dma_wait3A_333 = tpu.memref_slice %arg10[%dma_wait3A_330, %dma_wait3A_331, %dma_wait3A_332] : memref<6x128x32xf32, #tpu.memory_space<vmem>> -> memref<1x128x32xf32, #tpu.memory_space<vmem>>
        %dma_wait3A_334 = tpu.memref_squeeze %dma_wait3A_333 : memref<1x128x32xf32, #tpu.memory_space<vmem>> -> memref<128x32xf32, #tpu.memory_space<vmem>>
        %dma_wait3A_335 = arith.constant 0 : i32
        %dma_wait3A_336 = tpu.memref_slice %arg6[%sub3A_329, %dma_wait3A_335] : memref<78x128xi32, #tpu.memory_space<vmem>> -> memref<1x128xi32, #tpu.memory_space<vmem>>
        %dma_wait3A_337 = tpu.memref_squeeze %dma_wait3A_336 : memref<1x128xi32, #tpu.memory_space<vmem>> -> memref<128xi32, #tpu.memory_space<vmem>>
        %dma_wait3A_338 = arith.constant 0 : i32
        %dma_wait3A_339 = arith.constant 0 : i32
        %dma_wait3A_340 = tpu.memref_slice %arg11[%dma_wait3A_338, %dma_wait3A_339] : memref<10240x32xf32, #tpu.memory_space<vmem_shared>> -> memref<10240x32xf32, #tpu.memory_space<vmem_shared>>
        tpu.wait_indirect_dma semaphore(%arg20 : memref<!tpu.dma_semaphore, #tpu.memory_space<semaphore_mem>>) src(%dma_wait3A_334 : memref<128x32xf32, #tpu.memory_space<vmem>>) dst(%dma_wait3A_340 : memref<10240x32xf32, #tpu.memory_space<vmem_shared>>)
      } else {
      }
      %add3A_283 = arith.constant 3 : i32
      %add3A_284 = arith.addi %add3A_253, %add3A_283 : i32
      %lt3A_285 = arith.constant 78 : i32
      %lt3A_286 = arith.cmpi slt, %add3A_284, %lt3A_285 : i32
      %convert_element_type3A_287 = arith.extui %lt3A_286 : i1 to i32
      %cond3A_288 = arith.constant 0 : i32
      %cond3A_289 = arith.cmpi ne, %convert_element_type3A_287, %cond3A_288 : i32
      scf.if %cond3A_289 {
        %add3A_328 = arith.constant 3 : i32
        %add3A_329 = arith.addi %add3A_253, %add3A_328 : i32
        %dma_start3A_330 = arith.constant 1 : i32
        %dma_start3A_331 = arith.constant 0 : i32
        %dma_start3A_332 = arith.constant 0 : i32
        %dma_start3A_333 = tpu.memref_slice %arg10[%dma_start3A_330, %dma_start3A_331, %dma_start3A_332] : memref<6x128x32xf32, #tpu.memory_space<vmem>> -> memref<1x128x32xf32, #tpu.memory_space<vmem>>
        %dma_start3A_334 = tpu.memref_squeeze %dma_start3A_333 : memref<1x128x32xf32, #tpu.memory_space<vmem>> -> memref<128x32xf32, #tpu.memory_space<vmem>>
        %dma_start3A_335 = arith.constant 0 : i32
        %dma_start3A_336 = tpu.memref_slice %arg7[%add3A_329, %dma_start3A_335] : memref<78x128xi32, #tpu.memory_space<vmem>> -> memref<1x128xi32, #tpu.memory_space<vmem>>
        %dma_start3A_337 = tpu.memref_squeeze %dma_start3A_336 : memref<1x128xi32, #tpu.memory_space<vmem>> -> memref<128xi32, #tpu.memory_space<vmem>>
        %dma_start3A_338 = arith.constant 0 : i32
        %dma_start3A_339 = arith.constant 0 : i32
        %dma_start3A_340 = tpu.memref_slice %arg12[%dma_start3A_338, %dma_start3A_339] : memref<10000x32xf32, #tpu.memory_space<vmem_shared>> -> memref<10000x32xf32, #tpu.memory_space<vmem_shared>>
        tpu.enqueue_indirect_dma source(%dma_start3A_340 : memref<10000x32xf32, #tpu.memory_space<vmem_shared>>) target(%dma_start3A_334 : memref<128x32xf32, #tpu.memory_space<vmem>>) offsets(%dma_start3A_337 : memref<128xi32, #tpu.memory_space<vmem>>) semaphore(%arg14 : memref<!tpu.dma_semaphore, #tpu.memory_space<semaphore_mem>>)
      } else {
      }
      %add3A_290 = arith.constant 5 : i32
      %add3A_291 = arith.addi %mul3A_101, %add3A_290 : i32
      %dma_wait3A_292 = arith.constant 5 : i32
      %dma_wait3A_293 = arith.constant 0 : i32
      %dma_wait3A_294 = arith.constant 0 : i32
      %dma_wait3A_295 = tpu.memref_slice %arg10[%dma_wait3A_292, %dma_wait3A_293, %dma_wait3A_294] : memref<6x128x32xf32, #tpu.memory_space<vmem>> -> memref<1x128x32xf32, #tpu.memory_space<vmem>>
      %dma_wait3A_296 = tpu.memref_squeeze %dma_wait3A_295 : memref<1x128x32xf32, #tpu.memory_space<vmem>> -> memref<128x32xf32, #tpu.memory_space<vmem>>
      %dma_wait3A_297 = arith.constant 0 : i32
      %dma_wait3A_298 = tpu.memref_slice %arg7[%add3A_291, %dma_wait3A_297] : memref<78x128xi32, #tpu.memory_space<vmem>> -> memref<1x128xi32, #tpu.memory_space<vmem>>
      %dma_wait3A_299 = tpu.memref_squeeze %dma_wait3A_298 : memref<1x128xi32, #tpu.memory_space<vmem>> -> memref<128xi32, #tpu.memory_space<vmem>>
      %dma_wait3A_300 = arith.constant 0 : i32
      %dma_wait3A_301 = arith.constant 0 : i32
      %dma_wait3A_302 = tpu.memref_slice %arg12[%dma_wait3A_300, %dma_wait3A_301] : memref<10000x32xf32, #tpu.memory_space<vmem_shared>> -> memref<10000x32xf32, #tpu.memory_space<vmem_shared>>
      tpu.wait_indirect_dma semaphore(%arg18 : memref<!tpu.dma_semaphore, #tpu.memory_space<semaphore_mem>>) src(%dma_wait3A_302 : memref<10000x32xf32, #tpu.memory_space<vmem_shared>>) dst(%dma_wait3A_296 : memref<128x32xf32, #tpu.memory_space<vmem>>)
      %dma_start3A_303 = arith.constant 5 : i32
      %dma_start3A_304 = arith.constant 0 : i32
      %dma_start3A_305 = arith.constant 0 : i32
      %dma_start3A_306 = tpu.memref_slice %arg10[%dma_start3A_303, %dma_start3A_304, %dma_start3A_305] : memref<6x128x32xf32, #tpu.memory_space<vmem>> -> memref<1x128x32xf32, #tpu.memory_space<vmem>>
      %dma_start3A_307 = tpu.memref_squeeze %dma_start3A_306 : memref<1x128x32xf32, #tpu.memory_space<vmem>> -> memref<128x32xf32, #tpu.memory_space<vmem>>
      %dma_start3A_308 = arith.constant 0 : i32
      %dma_start3A_309 = tpu.memref_slice %arg6[%add3A_291, %dma_start3A_308] : memref<78x128xi32, #tpu.memory_space<vmem>> -> memref<1x128xi32, #tpu.memory_space<vmem>>
      %dma_start3A_310 = tpu.memref_squeeze %dma_start3A_309 : memref<1x128xi32, #tpu.memory_space<vmem>> -> memref<128xi32, #tpu.memory_space<vmem>>
      %dma_start3A_311 = arith.constant 0 : i32
      %dma_start3A_312 = arith.constant 0 : i32
      %dma_start3A_313 = tpu.memref_slice %arg11[%dma_start3A_311, %dma_start3A_312] : memref<10240x32xf32, #tpu.memory_space<vmem_shared>> -> memref<10240x32xf32, #tpu.memory_space<vmem_shared>>
      tpu.enqueue_indirect_dma source(%dma_start3A_307 : memref<128x32xf32, #tpu.memory_space<vmem>>) target(%dma_start3A_313 : memref<10240x32xf32, #tpu.memory_space<vmem_shared>>) offsets(%dma_start3A_310 : memref<128xi32, #tpu.memory_space<vmem>>) semaphore(%arg24 : memref<!tpu.dma_semaphore, #tpu.memory_space<semaphore_mem>>) {add = true}
      %sub3A_314 = arith.constant 3 : i32
      %sub3A_315 = arith.subi %add3A_291, %sub3A_314 : i32
      %ge3A_316 = arith.constant 0 : i32
      %ge3A_317 = arith.cmpi sge, %sub3A_315, %ge3A_316 : i32
      %convert_element_type3A_318 = arith.extui %ge3A_317 : i1 to i32
      %cond3A_319 = arith.constant 0 : i32
      %cond3A_320 = arith.cmpi ne, %convert_element_type3A_318, %cond3A_319 : i32
      scf.if %cond3A_320 {
        %sub3A_328 = arith.constant 3 : i32
        %sub3A_329 = arith.subi %add3A_291, %sub3A_328 : i32
        %dma_wait3A_330 = arith.constant 2 : i32
        %dma_wait3A_331 = arith.constant 0 : i32
        %dma_wait3A_332 = arith.constant 0 : i32
        %dma_wait3A_333 = tpu.memref_slice %arg10[%dma_wait3A_330, %dma_wait3A_331, %dma_wait3A_332] : memref<6x128x32xf32, #tpu.memory_space<vmem>> -> memref<1x128x32xf32, #tpu.memory_space<vmem>>
        %dma_wait3A_334 = tpu.memref_squeeze %dma_wait3A_333 : memref<1x128x32xf32, #tpu.memory_space<vmem>> -> memref<128x32xf32, #tpu.memory_space<vmem>>
        %dma_wait3A_335 = arith.constant 0 : i32
        %dma_wait3A_336 = tpu.memref_slice %arg6[%sub3A_329, %dma_wait3A_335] : memref<78x128xi32, #tpu.memory_space<vmem>> -> memref<1x128xi32, #tpu.memory_space<vmem>>
        %dma_wait3A_337 = tpu.memref_squeeze %dma_wait3A_336 : memref<1x128xi32, #tpu.memory_space<vmem>> -> memref<128xi32, #tpu.memory_space<vmem>>
        %dma_wait3A_338 = arith.constant 0 : i32
        %dma_wait3A_339 = arith.constant 0 : i32
        %dma_wait3A_340 = tpu.memref_slice %arg11[%dma_wait3A_338, %dma_wait3A_339] : memref<10240x32xf32, #tpu.memory_space<vmem_shared>> -> memref<10240x32xf32, #tpu.memory_space<vmem_shared>>
        tpu.wait_indirect_dma semaphore(%arg21 : memref<!tpu.dma_semaphore, #tpu.memory_space<semaphore_mem>>) src(%dma_wait3A_334 : memref<128x32xf32, #tpu.memory_space<vmem>>) dst(%dma_wait3A_340 : memref<10240x32xf32, #tpu.memory_space<vmem_shared>>)
      } else {
      }
      %add3A_321 = arith.constant 3 : i32
      %add3A_322 = arith.addi %add3A_291, %add3A_321 : i32
      %lt3A_323 = arith.constant 78 : i32
      %lt3A_324 = arith.cmpi slt, %add3A_322, %lt3A_323 : i32
      %convert_element_type3A_325 = arith.extui %lt3A_324 : i1 to i32
      %cond3A_326 = arith.constant 0 : i32
      %cond3A_327 = arith.cmpi ne, %convert_element_type3A_325, %cond3A_326 : i32
      scf.if %cond3A_327 {
        %add3A_328 = arith.constant 3 : i32
        %add3A_329 = arith.addi %add3A_291, %add3A_328 : i32
        %dma_start3A_330 = arith.constant 2 : i32
        %dma_start3A_331 = arith.constant 0 : i32
        %dma_start3A_332 = arith.constant 0 : i32
        %dma_start3A_333 = tpu.memref_slice %arg10[%dma_start3A_330, %dma_start3A_331, %dma_start3A_332] : memref<6x128x32xf32, #tpu.memory_space<vmem>> -> memref<1x128x32xf32, #tpu.memory_space<vmem>>
        %dma_start3A_334 = tpu.memref_squeeze %dma_start3A_333 : memref<1x128x32xf32, #tpu.memory_space<vmem>> -> memref<128x32xf32, #tpu.memory_space<vmem>>
        %dma_start3A_335 = arith.constant 0 : i32
        %dma_start3A_336 = tpu.memref_slice %arg7[%add3A_329, %dma_start3A_335] : memref<78x128xi32, #tpu.memory_space<vmem>> -> memref<1x128xi32, #tpu.memory_space<vmem>>
        %dma_start3A_337 = tpu.memref_squeeze %dma_start3A_336 : memref<1x128xi32, #tpu.memory_space<vmem>> -> memref<128xi32, #tpu.memory_space<vmem>>
        %dma_start3A_338 = arith.constant 0 : i32
        %dma_start3A_339 = arith.constant 0 : i32
        %dma_start3A_340 = tpu.memref_slice %arg12[%dma_start3A_338, %dma_start3A_339] : memref<10000x32xf32, #tpu.memory_space<vmem_shared>> -> memref<10000x32xf32, #tpu.memory_space<vmem_shared>>
        tpu.enqueue_indirect_dma source(%dma_start3A_340 : memref<10000x32xf32, #tpu.memory_space<vmem_shared>>) target(%dma_start3A_334 : memref<128x32xf32, #tpu.memory_space<vmem>>) offsets(%dma_start3A_337 : memref<128xi32, #tpu.memory_space<vmem>>) semaphore(%arg15 : memref<!tpu.dma_semaphore, #tpu.memory_space<semaphore_mem>>)
      } else {
      }
    }
    %scan3A_53 = arith.constant 13 : i32
    %dma_wait3A = arith.constant 3 : i32
    %dma_wait3A_54 = arith.constant 75 : i32
    %dma_wait3A_55 = arith.constant 0 : i32
    %dma_wait3A_56 = arith.constant 0 : i32
    %dma_wait3A_57 = tpu.memref_slice %arg10[%dma_wait3A, %dma_wait3A_55, %dma_wait3A_56] : memref<6x128x32xf32, #tpu.memory_space<vmem>> -> memref<1x128x32xf32, #tpu.memory_space<vmem>>
    %dma_wait3A_58 = tpu.memref_squeeze %dma_wait3A_57 : memref<1x128x32xf32, #tpu.memory_space<vmem>> -> memref<128x32xf32, #tpu.memory_space<vmem>>
    %dma_wait3A_59 = arith.constant 0 : i32
    %dma_wait3A_60 = tpu.memref_slice %arg6[%dma_wait3A_54, %dma_wait3A_59] : memref<78x128xi32, #tpu.memory_space<vmem>> -> memref<1x128xi32, #tpu.memory_space<vmem>>
    %dma_wait3A_61 = tpu.memref_squeeze %dma_wait3A_60 : memref<1x128xi32, #tpu.memory_space<vmem>> -> memref<128xi32, #tpu.memory_space<vmem>>
    %dma_wait3A_62 = arith.constant 0 : i32
    %dma_wait3A_63 = arith.constant 0 : i32
    %dma_wait3A_64 = tpu.memref_slice %arg11[%dma_wait3A_62, %dma_wait3A_63] : memref<10240x32xf32, #tpu.memory_space<vmem_shared>> -> memref<10240x32xf32, #tpu.memory_space<vmem_shared>>
    tpu.wait_indirect_dma semaphore(%arg22 : memref<!tpu.dma_semaphore, #tpu.memory_space<semaphore_mem>>) src(%dma_wait3A_58 : memref<128x32xf32, #tpu.memory_space<vmem>>) dst(%dma_wait3A_64 : memref<10240x32xf32, #tpu.memory_space<vmem_shared>>)
    %dma_wait3A_65 = arith.constant 4 : i32
    %dma_wait3A_66 = arith.constant 76 : i32
    %dma_wait3A_67 = arith.constant 0 : i32
    %dma_wait3A_68 = arith.constant 0 : i32
    %dma_wait3A_69 = tpu.memref_slice %arg10[%dma_wait3A_65, %dma_wait3A_67, %dma_wait3A_68] : memref<6x128x32xf32, #tpu.memory_space<vmem>> -> memref<1x128x32xf32, #tpu.memory_space<vmem>>
    %dma_wait3A_70 = tpu.memref_squeeze %dma_wait3A_69 : memref<1x128x32xf32, #tpu.memory_space<vmem>> -> memref<128x32xf32, #tpu.memory_space<vmem>>
    %dma_wait3A_71 = arith.constant 0 : i32
    %dma_wait3A_72 = tpu.memref_slice %arg6[%dma_wait3A_66, %dma_wait3A_71] : memref<78x128xi32, #tpu.memory_space<vmem>> -> memref<1x128xi32, #tpu.memory_space<vmem>>
    %dma_wait3A_73 = tpu.memref_squeeze %dma_wait3A_72 : memref<1x128xi32, #tpu.memory_space<vmem>> -> memref<128xi32, #tpu.memory_space<vmem>>
    %dma_wait3A_74 = arith.constant 0 : i32
    %dma_wait3A_75 = arith.constant 0 : i32
    %dma_wait3A_76 = tpu.memref_slice %arg11[%dma_wait3A_74, %dma_wait3A_75] : memref<10240x32xf32, #tpu.memory_space<vmem_shared>> -> memref<10240x32xf32, #tpu.memory_space<vmem_shared>>
    tpu.wait_indirect_dma semaphore(%arg23 : memref<!tpu.dma_semaphore, #tpu.memory_space<semaphore_mem>>) src(%dma_wait3A_70 : memref<128x32xf32, #tpu.memory_space<vmem>>) dst(%dma_wait3A_76 : memref<10240x32xf32, #tpu.memory_space<vmem_shared>>)
    %dma_wait3A_77 = arith.constant 5 : i32
    %dma_wait3A_78 = arith.constant 77 : i32
    %dma_wait3A_79 = arith.constant 0 : i32
    %dma_wait3A_80 = arith.constant 0 : i32
    %dma_wait3A_81 = tpu.memref_slice %arg10[%dma_wait3A_77, %dma_wait3A_79, %dma_wait3A_80] : memref<6x128x32xf32, #tpu.memory_space<vmem>> -> memref<1x128x32xf32, #tpu.memory_space<vmem>>
    %dma_wait3A_82 = tpu.memref_squeeze %dma_wait3A_81 : memref<1x128x32xf32, #tpu.memory_space<vmem>> -> memref<128x32xf32, #tpu.memory_space<vmem>>
    %dma_wait3A_83 = arith.constant 0 : i32
    %dma_wait3A_84 = tpu.memref_slice %arg6[%dma_wait3A_78, %dma_wait3A_83] : memref<78x128xi32, #tpu.memory_space<vmem>> -> memref<1x128xi32, #tpu.memory_space<vmem>>
    %dma_wait3A_85 = tpu.memref_squeeze %dma_wait3A_84 : memref<1x128xi32, #tpu.memory_space<vmem>> -> memref<128xi32, #tpu.memory_space<vmem>>
    %dma_wait3A_86 = arith.constant 0 : i32
    %dma_wait3A_87 = arith.constant 0 : i32
    %dma_wait3A_88 = tpu.memref_slice %arg11[%dma_wait3A_86, %dma_wait3A_87] : memref<10240x32xf32, #tpu.memory_space<vmem_shared>> -> memref<10240x32xf32, #tpu.memory_space<vmem_shared>>
    tpu.wait_indirect_dma semaphore(%arg24 : memref<!tpu.dma_semaphore, #tpu.memory_space<semaphore_mem>>) src(%dma_wait3A_82 : memref<128x32xf32, #tpu.memory_space<vmem>>) dst(%dma_wait3A_88 : memref<10240x32xf32, #tpu.memory_space<vmem_shared>>)
    %lt3A_89 = arith.constant 4 : i32
    %lt3A_90 = arith.cmpi slt, %add3A, %lt3A_89 : i32
    %convert_element_type3A_91 = arith.extui %lt3A_90 : i1 to i32
    %cond3A_92 = arith.constant 0 : i32
    %cond3A_93 = arith.cmpi ne, %convert_element_type3A_91, %cond3A_92 : i32
    scf.if %cond3A_93 {
      %dma_start3A_99 = arith.constant 0 : i32
      %dma_start3A_100 = arith.constant 0 : i32
      %dma_start3A_101 = arith.constant 0 : i32
      %dma_start3A_102 = arith.constant 0 : i32
      %dma_start3A_103 = tpu.memref_slice %arg10[%dma_start3A_100, %dma_start3A_101, %dma_start3A_102] : memref<6x128x32xf32, #tpu.memory_space<vmem>> -> memref<1x128x32xf32, #tpu.memory_space<vmem>>
      %dma_start3A_104 = tpu.memref_squeeze %dma_start3A_103 : memref<1x128x32xf32, #tpu.memory_space<vmem>> -> memref<128x32xf32, #tpu.memory_space<vmem>>
      %dma_start3A_105 = arith.constant 0 : i32
      %dma_start3A_106 = tpu.memref_slice %arg9[%dma_start3A_99, %dma_start3A_105] : memref<1x128xi32, #tpu.memory_space<vmem>> -> memref<1x128xi32, #tpu.memory_space<vmem>>
      %dma_start3A_107 = tpu.memref_squeeze %dma_start3A_106 : memref<1x128xi32, #tpu.memory_space<vmem>> -> memref<128xi32, #tpu.memory_space<vmem>>
      %dma_start3A_108 = arith.constant 0 : i32
      %dma_start3A_109 = arith.constant 0 : i32
      %dma_start3A_110 = tpu.memref_slice %arg12[%dma_start3A_108, %dma_start3A_109] : memref<10000x32xf32, #tpu.memory_space<vmem_shared>> -> memref<10000x32xf32, #tpu.memory_space<vmem_shared>>
      tpu.enqueue_indirect_dma source(%dma_start3A_110 : memref<10000x32xf32, #tpu.memory_space<vmem_shared>>) target(%dma_start3A_104 : memref<128x32xf32, #tpu.memory_space<vmem>>) offsets(%dma_start3A_107 : memref<128xi32, #tpu.memory_space<vmem>>) semaphore(%arg13 : memref<!tpu.dma_semaphore, #tpu.memory_space<semaphore_mem>>)
      %dma_wait3A_111 = arith.constant 0 : i32
      %dma_wait3A_112 = arith.constant 0 : i32
      %dma_wait3A_113 = arith.constant 0 : i32
      %dma_wait3A_114 = arith.constant 0 : i32
      %dma_wait3A_115 = tpu.memref_slice %arg10[%dma_wait3A_112, %dma_wait3A_113, %dma_wait3A_114] : memref<6x128x32xf32, #tpu.memory_space<vmem>> -> memref<1x128x32xf32, #tpu.memory_space<vmem>>
      %dma_wait3A_116 = tpu.memref_squeeze %dma_wait3A_115 : memref<1x128x32xf32, #tpu.memory_space<vmem>> -> memref<128x32xf32, #tpu.memory_space<vmem>>
      %dma_wait3A_117 = arith.constant 0 : i32
      %dma_wait3A_118 = tpu.memref_slice %arg9[%dma_wait3A_111, %dma_wait3A_117] : memref<1x128xi32, #tpu.memory_space<vmem>> -> memref<1x128xi32, #tpu.memory_space<vmem>>
      %dma_wait3A_119 = tpu.memref_squeeze %dma_wait3A_118 : memref<1x128xi32, #tpu.memory_space<vmem>> -> memref<128xi32, #tpu.memory_space<vmem>>
      %dma_wait3A_120 = arith.constant 0 : i32
      %dma_wait3A_121 = arith.constant 0 : i32
      %dma_wait3A_122 = tpu.memref_slice %arg12[%dma_wait3A_120, %dma_wait3A_121] : memref<10000x32xf32, #tpu.memory_space<vmem_shared>> -> memref<10000x32xf32, #tpu.memory_space<vmem_shared>>
      tpu.wait_indirect_dma semaphore(%arg13 : memref<!tpu.dma_semaphore, #tpu.memory_space<semaphore_mem>>) src(%dma_wait3A_122 : memref<10000x32xf32, #tpu.memory_space<vmem_shared>>) dst(%dma_wait3A_116 : memref<128x32xf32, #tpu.memory_space<vmem>>)
      %run_scoped3A_123 = arith.constant 0 : i32
      %run_scoped3A_124 = arith.constant 0 : i32
      "tpu.region"() ({
        %run_scoped3A_125 = tpu.sem_alloc : memref<!tpu.dma_semaphore, #tpu.memory_space<semaphore_mem>>
        %dma_start3A_126 = arith.constant 0 : i32
        %dma_start3A_127 = arith.constant 0 : i32
        %dma_start3A_128 = tpu.memref_slice %arg10[%run_scoped3A_123, %dma_start3A_126, %dma_start3A_127] : memref<6x128x32xf32, #tpu.memory_space<vmem>> -> memref<1x128x32xf32, #tpu.memory_space<vmem>>
        %dma_start3A_129 = tpu.memref_squeeze %dma_start3A_128 : memref<1x128x32xf32, #tpu.memory_space<vmem>> -> memref<128x32xf32, #tpu.memory_space<vmem>>
        %dma_start3A_130 = arith.constant 0 : i32
        %dma_start3A_131 = tpu.memref_slice %arg8[%run_scoped3A_124, %dma_start3A_130] : memref<1x128xi32, #tpu.memory_space<vmem>> -> memref<1x128xi32, #tpu.memory_space<vmem>>
        %dma_start3A_132 = tpu.memref_squeeze %dma_start3A_131 : memref<1x128xi32, #tpu.memory_space<vmem>> -> memref<128xi32, #tpu.memory_space<vmem>>
        %dma_start3A_133 = arith.constant 0 : i32
        %dma_start3A_134 = arith.constant 0 : i32
        %dma_start3A_135 = tpu.memref_slice %arg11[%dma_start3A_133, %dma_start3A_134] : memref<10240x32xf32, #tpu.memory_space<vmem_shared>> -> memref<10240x32xf32, #tpu.memory_space<vmem_shared>>
        tpu.enqueue_indirect_dma source(%dma_start3A_129 : memref<128x32xf32, #tpu.memory_space<vmem>>) target(%dma_start3A_135 : memref<10240x32xf32, #tpu.memory_space<vmem_shared>>) offsets(%dma_start3A_132 : memref<128xi32, #tpu.memory_space<vmem>>) semaphore(%run_scoped3A_125 : memref<!tpu.dma_semaphore, #tpu.memory_space<semaphore_mem>>) {add = true}
        %dma_wait3A_136 = arith.constant 0 : i32
        %dma_wait3A_137 = arith.constant 0 : i32
        %dma_wait3A_138 = tpu.memref_slice %arg10[%run_scoped3A_123, %dma_wait3A_136, %dma_wait3A_137] : memref<6x128x32xf32, #tpu.memory_space<vmem>> -> memref<1x128x32xf32, #tpu.memory_space<vmem>>
        %dma_wait3A_139 = tpu.memref_squeeze %dma_wait3A_138 : memref<1x128x32xf32, #tpu.memory_space<vmem>> -> memref<128x32xf32, #tpu.memory_space<vmem>>
        %dma_wait3A_140 = arith.constant 0 : i32
        %dma_wait3A_141 = tpu.memref_slice %arg8[%run_scoped3A_124, %dma_wait3A_140] : memref<1x128xi32, #tpu.memory_space<vmem>> -> memref<1x128xi32, #tpu.memory_space<vmem>>
        %dma_wait3A_142 = tpu.memref_squeeze %dma_wait3A_141 : memref<1x128xi32, #tpu.memory_space<vmem>> -> memref<128xi32, #tpu.memory_space<vmem>>
        %dma_wait3A_143 = arith.constant 0 : i32
        %dma_wait3A_144 = arith.constant 0 : i32
        %dma_wait3A_145 = tpu.memref_slice %arg11[%dma_wait3A_143, %dma_wait3A_144] : memref<10240x32xf32, #tpu.memory_space<vmem_shared>> -> memref<10240x32xf32, #tpu.memory_space<vmem_shared>>
        tpu.wait_indirect_dma semaphore(%run_scoped3A_125 : memref<!tpu.dma_semaphore, #tpu.memory_space<semaphore_mem>>) src(%dma_wait3A_139 : memref<128x32xf32, #tpu.memory_space<vmem>>) dst(%dma_wait3A_145 : memref<10240x32xf32, #tpu.memory_space<vmem_shared>>)
        tpu.yield
      }) : () -> ()
    } else {
    }
    %barrier3A_94 = arith.constant 0 : index
    tpu.barrier barrier_id(%barrier3A_94)
    %mul3A_95 = arith.constant 640 : i32
    %mul3A_96 = arith.muli %arg1, %mul3A_95 : i32
    %mul3A_97 = arith.constant 640 : i32
    %mul3A_98 = arith.muli %arg1, %mul3A_97 : i32
    "tpu.region"() ({
      %run_scoped3A_99 = tpu.sem_alloc : memref<!tpu.dma_semaphore, #tpu.memory_space<semaphore_mem>>
      %dma_start3A_100 = arith.constant 0 : i32
      %dma_start3A_101 = tpu.memref_slice %arg5[%arg0, %mul3A_98, %dma_start3A_100] : memref<2x10240x32xf32, #tpu.memory_space<hbm>> -> memref<1x640x32xf32, #tpu.memory_space<hbm>>
      %dma_start3A_102 = tpu.memref_squeeze %dma_start3A_101 : memref<1x640x32xf32, #tpu.memory_space<hbm>> -> memref<640x32xf32, #tpu.memory_space<hbm>>
      %dma_start3A_103 = arith.constant 0 : i32
      %dma_start3A_104 = tpu.memref_slice %arg11[%mul3A_96, %dma_start3A_103] : memref<10240x32xf32, #tpu.memory_space<vmem_shared>> -> memref<640x32xf32, #tpu.memory_space<vmem_shared>>
      tpu.enqueue_dma source(%dma_start3A_104 : memref<640x32xf32, #tpu.memory_space<vmem_shared>>) target(%dma_start3A_102 : memref<640x32xf32, #tpu.memory_space<hbm>>) target_semaphore(%run_scoped3A_99 : memref<!tpu.dma_semaphore, #tpu.memory_space<semaphore_mem>>)
      %dma_wait3A_105 = arith.constant 0 : i32
      %dma_wait3A_106 = tpu.memref_slice %arg5[%arg0, %mul3A_98, %dma_wait3A_105] : memref<2x10240x32xf32, #tpu.memory_space<hbm>> -> memref<1x640x32xf32, #tpu.memory_space<hbm>>
      %dma_wait3A_107 = tpu.memref_squeeze %dma_wait3A_106 : memref<1x640x32xf32, #tpu.memory_space<hbm>> -> memref<640x32xf32, #tpu.memory_space<hbm>>
      %dma_wait3A_108 = arith.constant 0 : i32
      %dma_wait3A_109 = tpu.memref_slice %arg11[%mul3A_96, %dma_wait3A_108] : memref<10240x32xf32, #tpu.memory_space<vmem_shared>> -> memref<640x32xf32, #tpu.memory_space<vmem_shared>>
      tpu.wait_dma2 semaphore(%run_scoped3A_99 : memref<!tpu.dma_semaphore, #tpu.memory_space<semaphore_mem>>) src(%dma_wait3A_109 : memref<640x32xf32, #tpu.memory_space<vmem_shared>>) dst(%dma_wait3A_107 : memref<640x32xf32, #tpu.memory_space<hbm>>)
      tpu.yield
    }) : () -> ()
    return
  }
}

module attributes {stable_mosaic.version = 14 : i64} {
  func.func @_mm1_body(%arg0: i32, %arg1: memref<5000x128xf32, #tpu.memory_space<vmem>>, %arg2: memref<32x128xf32, #tpu.memory_space<vmem>>, %arg3: memref<5000x32xf32, #tpu.memory_space<vmem>>) attributes {dimension_semantics = [#tpu.dimension_semantics<arbitrary>], iteration_bounds = array<i64: 2>, scalar_prefetch = 0 : i64, scratch_operands = 0 : i64, tpu.core_type = #tpu.core_type<tc>, window_params = [{transform_indices = @transform_0, window_bounds = array<i64: 5000, 128>}, {pipeline_mode = #tpu.pipeline_mode<synchronous>, transform_indices = @transform_1, window_bounds = array<i64: 32, 128>}, {transform_indices = @transform_2, window_bounds = array<i64: 5000, 32>}]} {
    %get3A = arith.constant 0 : index
    %get3A_0 = arith.constant 0 : index
    %get3A_1 = vector.load %arg1[%get3A, %get3A_0] : memref<5000x128xf32, #tpu.memory_space<vmem>>, vector<5000x128xf32>
    %get3A_2 = arith.constant 0 : index
    %get3A_3 = arith.constant 0 : index
    %get3A_4 = vector.load %arg2[%get3A_2, %get3A_3] : memref<32x128xf32, #tpu.memory_space<vmem>>, vector<32x128xf32>
    %dot_general3A = arith.constant dense<0.000000e+00> : vector<5000x32xf32>
    %dot_general3A_5 = tpu.matmul %get3A_1, %get3A_4, %dot_general3A {dimension_numbers = #tpu.dot_dimension_numbers<[1], [1], [0], [0], [0, 0, 1, 0], [], []>, transpose_lhs_hint = false} : vector<5000x128xf32>, vector<32x128xf32>, vector<5000x32xf32> -> vector<5000x32xf32>
    %swap3A = arith.constant 0 : index
    %swap3A_6 = arith.constant 0 : index
    %swap3A_7 = vector.load %arg3[%swap3A, %swap3A_6] : memref<5000x32xf32, #tpu.memory_space<vmem>>, vector<5000x32xf32>
    tpu.vector_store %arg3[%swap3A, %swap3A_6], %dot_general3A_5 {strides = array<i32>} : memref<5000x32xf32, #tpu.memory_space<vmem>>, vector<5000x32xf32>,
    return
  }
  func.func @transform_0(%arg0: i32) -> (i32, i32) {
    %c0_i32 = arith.constant 0 : i32
    %c0_i32_0 = arith.constant 0 : i32
    return %arg0, %c0_i32 : i32, i32
  }
  func.func @transform_1(%arg0: i32) -> (i32, i32) {
    %c0_i32 = arith.constant 0 : i32
    %c0_i32_0 = arith.constant 0 : i32
    %c0_i32_1 = arith.constant 0 : i32
    return %c0_i32, %c0_i32_0 : i32, i32
  }
  func.func @transform_2(%arg0: i32) -> (i32, i32) {
    %c0_i32 = arith.constant 0 : i32
    %c0_i32_0 = arith.constant 0 : i32
    return %arg0, %c0_i32 : i32, i32
  }
}

module attributes {stable_mosaic.version = 14 : i64} {
  func.func @_mid_body(%arg0: i32, %arg1: memref<2x2560x128xf32, #tpu.memory_space<vmem>>, %arg2: memref<1x128xf32, #tpu.memory_space<vmem>>, %arg3: memref<128x64xf32, #tpu.memory_space<vmem>>, %arg4: memref<2560x64xf32, #tpu.memory_space<vmem>>) attributes {dimension_semantics = [#tpu.dimension_semantics<arbitrary>], iteration_bounds = array<i64: 1>, scalar_prefetch = 0 : i64, scratch_operands = 0 : i64, tpu.core_type = #tpu.core_type<tc>, window_params = [{transform_indices = @transform_0, window_bounds = array<i64: 2, 2560, 128>}, {pipeline_mode = #tpu.pipeline_mode<synchronous>, transform_indices = @transform_1, window_bounds = array<i64: 1, 128>}, {pipeline_mode = #tpu.pipeline_mode<synchronous>, transform_indices = @transform_2, window_bounds = array<i64: 128, 64>}, {transform_indices = @transform_3, window_bounds = array<i64: 2560, 64>}]} {
    %get3A = arith.constant 0 : index
    %get3A_0 = arith.constant 0 : index
    %get3A_1 = arith.constant 0 : index
    %get3A_2 = vector.load %arg1[%get3A, %get3A_0, %get3A_1] : memref<2x2560x128xf32, #tpu.memory_space<vmem>>, vector<1x2560x128xf32>
    %get3A_3 = vector.shape_cast %get3A_2 : vector<1x2560x128xf32> to vector<2560x128xf32>
    %get3A_4 = arith.constant 1 : index
    %get3A_5 = arith.constant 0 : index
    %get3A_6 = arith.constant 0 : index
    %get3A_7 = vector.load %arg1[%get3A_4, %get3A_5, %get3A_6] : memref<2x2560x128xf32, #tpu.memory_space<vmem>>, vector<1x2560x128xf32>
    %get3A_8 = vector.shape_cast %get3A_7 : vector<1x2560x128xf32> to vector<2560x128xf32>
    %add3A = arith.addf %get3A_3, %get3A_8 : vector<2560x128xf32>
    %get3A_9 = arith.constant 0 : index
    %get3A_10 = arith.constant 0 : index
    %get3A_11 = vector.load %arg2[%get3A_9, %get3A_10] : memref<1x128xf32, #tpu.memory_space<vmem>>, vector<1x128xf32>
    %add3A_12 = vector.broadcast %get3A_11 : vector<1x128xf32> to vector<2560x128xf32>
    %add3A_13 = arith.addf %add3A, %add3A_12 : vector<2560x128xf32>
    %max3A = arith.constant 0.000000e+00 : f32
    %max3A_14 = vector.broadcast %max3A : f32 to vector<2560x128xf32>
    %max3A_15 = arith.maximumf %add3A_13, %max3A_14 : vector<2560x128xf32>
    %get3A_16 = arith.constant 0 : index
    %get3A_17 = arith.constant 0 : index
    %get3A_18 = vector.load %arg3[%get3A_16, %get3A_17] : memref<128x64xf32, #tpu.memory_space<vmem>>, vector<128x64xf32>
    %dot_general3A = arith.constant dense<0.000000e+00> : vector<2560x64xf32>
    %dot_general3A_19 = tpu.matmul %max3A_15, %get3A_18, %dot_general3A {dimension_numbers = #tpu.dot_dimension_numbers<[1], [0], [0], [1], [0, 0, 1, 1], [], []>, transpose_lhs_hint = false} : vector<2560x128xf32>, vector<128x64xf32>, vector<2560x64xf32> -> vector<2560x64xf32>
    %swap3A = arith.constant 0 : index
    %swap3A_20 = arith.constant 0 : index
    %swap3A_21 = vector.load %arg4[%swap3A, %swap3A_20] : memref<2560x64xf32, #tpu.memory_space<vmem>>, vector<2560x64xf32>
    tpu.vector_store %arg4[%swap3A, %swap3A_20], %dot_general3A_19 {strides = array<i32>} : memref<2560x64xf32, #tpu.memory_space<vmem>>, vector<2560x64xf32>,
    return
  }
  func.func @transform_0(%arg0: i32) -> (i32, i32, i32) {
    %c0_i32 = arith.constant 0 : i32
    %c0_i32_0 = arith.constant 0 : i32
    %c0_i32_1 = arith.constant 0 : i32
    return %c0_i32, %arg0, %c0_i32_0 : i32, i32, i32
  }
  func.func @transform_1(%arg0: i32) -> (i32, i32) {
    %c0_i32 = arith.constant 0 : i32
    %c0_i32_0 = arith.constant 0 : i32
    %c0_i32_1 = arith.constant 0 : i32
    return %c0_i32, %c0_i32_0 : i32, i32
  }
  func.func @transform_2(%arg0: i32) -> (i32, i32) {
    %c0_i32 = arith.constant 0 : i32
    %c0_i32_0 = arith.constant 0 : i32
    %c0_i32_1 = arith.constant 0 : i32
    return %c0_i32, %c0_i32_0 : i32, i32
  }
  func.func @transform_3(%arg0: i32) -> (i32, i32) {
    %c0_i32 = arith.constant 0 : i32
    %c0_i32_0 = arith.constant 0 : i32
    return %arg0, %c0_i32 : i32, i32
  }
}

module attributes {stable_mosaic.version = 14 : i64} {
  func.func @_fin_body(%arg0: i32, %arg1: memref<2x1280x128xf32, #tpu.memory_space<vmem>>, %arg2: memref<1x128xf32, #tpu.memory_space<vmem>>, %arg3: memref<1280x128xf32, #tpu.memory_space<vmem>>) attributes {dimension_semantics = [#tpu.dimension_semantics<arbitrary>], iteration_bounds = array<i64: 1>, scalar_prefetch = 0 : i64, scratch_operands = 0 : i64, tpu.core_type = #tpu.core_type<tc>, window_params = [{pipeline_mode = #tpu.pipeline_mode<synchronous>, transform_indices = @transform_0, window_bounds = array<i64: 2, 1280, 128>}, {pipeline_mode = #tpu.pipeline_mode<synchronous>, transform_indices = @transform_1, window_bounds = array<i64: 1, 128>}, {transform_indices = @transform_2, window_bounds = array<i64: 1280, 128>}]} {
    %get3A = arith.constant 0 : index
    %get3A_0 = arith.constant 0 : index
    %get3A_1 = arith.constant 0 : index
    %get3A_2 = vector.load %arg1[%get3A, %get3A_0, %get3A_1] : memref<2x1280x128xf32, #tpu.memory_space<vmem>>, vector<1x1280x128xf32>
    %get3A_3 = vector.shape_cast %get3A_2 : vector<1x1280x128xf32> to vector<1280x128xf32>
    %get3A_4 = arith.constant 1 : index
    %get3A_5 = arith.constant 0 : index
    %get3A_6 = arith.constant 0 : index
    %get3A_7 = vector.load %arg1[%get3A_4, %get3A_5, %get3A_6] : memref<2x1280x128xf32, #tpu.memory_space<vmem>>, vector<1x1280x128xf32>
    %get3A_8 = vector.shape_cast %get3A_7 : vector<1x1280x128xf32> to vector<1280x128xf32>
    %add3A = arith.addf %get3A_3, %get3A_8 : vector<1280x128xf32>
    %get3A_9 = arith.constant 0 : index
    %get3A_10 = arith.constant 0 : index
    %get3A_11 = vector.load %arg2[%get3A_9, %get3A_10] : memref<1x128xf32, #tpu.memory_space<vmem>>, vector<1x128xf32>
    %add3A_12 = vector.broadcast %get3A_11 : vector<1x128xf32> to vector<1280x128xf32>
    %add3A_13 = arith.addf %add3A, %add3A_12 : vector<1280x128xf32>
    %swap3A = arith.constant 0 : index
    %swap3A_14 = arith.constant 0 : index
    %swap3A_15 = vector.load %arg3[%swap3A, %swap3A_14] : memref<1280x128xf32, #tpu.memory_space<vmem>>, vector<1280x128xf32>
    tpu.vector_store %arg3[%swap3A, %swap3A_14], %add3A_13 {strides = array<i32>} : memref<1280x128xf32, #tpu.memory_space<vmem>>, vector<1280x128xf32>,
    return
  }
  func.func @transform_0(%arg0: i32) -> (i32, i32, i32) {
    %c0_i32 = arith.constant 0 : i32
    %c0_i32_0 = arith.constant 0 : i32
    %c0_i32_1 = arith.constant 0 : i32
    %c0_i32_2 = arith.constant 0 : i32
    return %c0_i32, %c0_i32_0, %c0_i32_1 : i32, i32, i32
  }
  func.func @transform_1(%arg0: i32) -> (i32, i32) {
    %c0_i32 = arith.constant 0 : i32
    %c0_i32_0 = arith.constant 0 : i32
    %c0_i32_1 = arith.constant 0 : i32
    return %c0_i32, %c0_i32_0 : i32, i32
  }
  func.func @transform_2(%arg0: i32) -> (i32, i32) {
    %c0_i32 = arith.constant 0 : i32
    %c0_i32_0 = arith.constant 0 : i32
    return %arg0, %c0_i32 : i32, i32
  }
}

</mosaic_0001>

<sc_bundles>
// kernel: kernel.10.cloned.1.call-start
scs
__scs_entry_jumppad:
0x0: {  	(pc) =	sbr.rel $0x88, $3  }
0x1: {  	(tag) =	ssettag $0x0;
	lr =	simm.s32 $0x1  }
0x2: {  	[smem:$0x3F9B] =	sst lr;
	_ =	strace $0xD0000000  }
0x3: {  	_ = 	snop  }
0x4: {  	_ = 	snop  }
0x5: {  	_ = 	snop  }
0x6: {  	_ = 	snop  }
0x7: {  	_ = 	snop  }
__scs_overlays_trampoline_lowered:
0x8: {  	[smem:$0x3FAA] =	sst s0  }
0x9: {  	[smem:$0x3FAB] =	sst s1  }
0xa: {  	[smem:$0x3FAC] =	sst s2  }
0xb: {  	[smem:$0x3FAD] =	sst s3  }
0xc: {  	[smem:$0x3FAE] =	sst s4  }
0xd: {  	[smem:$0x3FAF] =	sst s5  }
0xe: {  	[smem:$0x3FB0] =	sst s6  }
0xf: {  	[smem:$0x3FB1] =	sst s7  }
0x10: {  	[smem:$0x3FB2] =	sst s8  }
0x11: {  	[smem:$0x3FB3] =	sst s9;
	s0 =	simm.s32 @!p0 $0x0  }
0x12: {  	s1 =	sld [smem:$0x3F99];
	s0 =	simm.s32 @p0 $0x1  }
0x13: {  	[smem:$0x3FB4] =	sst s0;
	s0 =	simm.s32 @!p1 $0x0  }
0x14: {  	s2 =	sld [smem:$0x3F98];
	s0 =	simm.s32 @p1 $0x1  }
0x15: {  	[smem:$0x3FB5] =	sst s0;
	s0 =	simm.s32 @!p2 $0x0  }
0x16: {  	s3 =	sld [smem:$0x3FDB];
	s0 =	simm.s32 @p2 $0x1  }
0x17: {  	s4 =	simm.s32 $0x1BF5;
	[smem:$0x3FB7] =	sst s0  }
0x18: {  	s0 =	sld [smem:$0x3F9A];
	_ =	swait.ge [sflag:s4], $0x0  }
0x19: {  	s7 =	sld [smem:$0x3F9B]  }
0x1a: {  	s8 =	sadd.s32 $0xFFFFE003, lr  }
0x1b: {  	s9 =	sadd.s32 $0xFFFFFEF7, lr;
	s5 =	simm.s32 $0xFFFFFFFF;
	p2 =	slt.u32 s8, $0xFFFFF086  }
0x1c: {  	p1 =	slt.u32 s9, $0xF7A;
	s5 =	simm.s32 @!p2 $0x0  }
0x1d: {  	s5 =	simm.s32 @p1 $0x1;
	p0 =	seq.s32 s7, s2  }
0x1e: {  	s7 =	smul.u32 @!p0 $0xF7A, s2;
	p2 =	seq.s32 @!p0 s5, $0x0  }
0x1f: {  	s9 =	smul.u32 $0xF7A, s1;
	s8 =	simm.s32 @!p0 $0x1BF5;
	p2 =	por !p2, p0  }
0x20: {  	[sflag:s8] =	ssyncset.s32 @!p0 $0xFFFFF086;
	s6 =	sadd.s32 @!p0 s3, s7;
	s7 =	simm.s32 @!p0 $0x108  }
0x21: {  	s3 =	sadd.s32 s3, s9;
	s6 =	sadd.s32 @!p0 $0x88, s6;
	s7 =	simm.s32 @p2 $0x1082  }
0x22: {  	[simem:s7], [sflag:s8] =	dma.local @!p0 [hbm:s6], $0xF7A  }
0x23: {  	s9 =	sor.u32 $0xD0000000, s2;
	s6 =	simm.s32 $0x108;
	_ =	swait.ge @!p0 [sflag:s8], $0x0  }
0x24: {  	s3 =	sadd.s32 $0x88, s3;
	s6 =	simm.s32 @!p1 $0x1082;
	[sflag:s4] =	ssyncset.s32 $0xFFFFF086  }
0x25: {  	[simem:s6], [sflag:s4] =	dma.local [hbm:s3], $0xF7A  }
0x26: {  	[smem:$0x3F9B] =	sst s1;
	(tag) =	ssettag s2;
	_ =	strace s9  }
0x27: {  	s1 =	sld [smem:$0x3FAB]  }
0x28: {  	s2 =	sld [smem:$0x3FAC]  }
0x29: {  	s4 =	sld [smem:$0x3FAE]  }
0x2a: {  	p0 =	seq.s32 s5, $0x0;
	s5 =	sld [smem:$0x3FAF]  }
0x2b: {  	s6 =	sld [smem:$0x3FB0]  }
0x2c: {  	s7 =	sld [smem:$0x3FB1]  }
0x2d: {  	s3 =	simm.s32 $0x108;
	s8 =	sld [smem:$0x3FB2]  }
0x2e: {  	s3 =	simm.s32 @!p0 $0x1082;
	s9 =	sld [smem:$0x3FB3]  }
0x2f: {  	lr =	sadd.s32 s0, s3;
	s0 =	sld [smem:$0x3FAA]  }
0x30: {  	s3 =	sld [smem:$0x3FAD]  }
0x31: {  	[smem:$0x3FB6] =	sst s10  }
0x32: {  	s10 =	sld [smem:$0x3FB4];
	_ =	sdelay $0x3  }
0x33: {  	p0 =	seq.s32 s10, $0x1;
	s10 =	sld [smem:$0x3FB6];
	_ =	sdelay $0x3  }
0x34: {  	[smem:$0x3FB6] =	sst s10  }
0x35: {  	s10 =	sld [smem:$0x3FB5];
	_ =	sdelay $0x3  }
0x36: {  	p1 =	seq.s32 s10, $0x1;
	s10 =	sld [smem:$0x3FB6];
	_ =	sdelay $0x3  }
0x37: {  	[smem:$0x3FB6] =	sst s10  }
0x38: {  	s10 =	sld [smem:$0x3FB7]  }
0x39: {  	_ = 	snop;
	(pc) =	sbr.ind lr, $3  }
0x3a: {  	_ = 	snop  }
0x3b: {  	_ = 	snop  }
0x3c: {  	p2 =	seq.s32 s10, $0x1;
	s10 =	sld [smem:$0x3FB6]  }
0x3d: {  	_ =	shalt  }
0x3e: {  	_ =	shalt  }
0x3f: {  	_ =	shalt  }
0x40: {  	_ =	shalt  }
0x41: {  	_ =	shalt  }
0x42: {  	_ =	shalt  }
0x43: {  	_ =	shalt  }
0x44: {  	_ =	shalt  }
0x45: {  	_ =	shalt  }
0x46: {  	_ =	shalt  }
0x47: {  	_ =	shalt  }
0x48: {  	_ =	shalt  }
0x49: {  	_ =	shalt  }
0x4a: {  	_ =	shalt  }
0x4b: {  	_ =	shalt  }
0x4c: {  	_ =	shalt  }
0x4d: {  	_ =	shalt  }
0x4e: {  	_ =	shalt  }
0x4f: {  	_ =	shalt  }
0x50: {  	_ =	shalt  }
0x51: {  	_ =	shalt  }
0x52: {  	_ =	shalt  }
0x53: {  	_ =	shalt  }
0x54: {  	_ =	shalt  }
0x55: {  	_ =	shalt  }
0x56: {  	_ =	shalt  }
0x57: {  	_ =	shalt  }
0x58: {  	_ =	shalt  }
0x59: {  	_ =	shalt  }
0x5a: {  	_ =	shalt  }
0x5b: {  	_ =	shalt  }
0x5c: {  	_ =	shalt  }
0x5d: {  	_ =	shalt  }
0x5e: {  	_ =	shalt  }
0x5f: {  	_ =	shalt  }
0x60: {  	_ =	shalt  }
0x61: {  	_ =	shalt  }
0x62: {  	_ =	shalt  }
0x63: {  	_ =	shalt  }
0x64: {  	_ =	shalt  }
0x65: {  	_ =	shalt  }
0x66: {  	_ =	shalt  }
0x67: {  	_ =	shalt  }
0x68: {  	_ =	shalt  }
0x69: {  	_ =	shalt  }
0x6a: {  	_ =	shalt  }
0x6b: {  	_ =	shalt  }
0x6c: {  	_ =	shalt  }
0x6d: {  	_ =	shalt  }
0x6e: {  	_ =	shalt  }
0x6f: {  	_ =	shalt  }
0x70: {  	_ =	shalt  }
0x71: {  	_ =	shalt  }
0x72: {  	_ =	shalt  }
0x73: {  	_ =	shalt  }
0x74: {  	_ =	shalt  }
0x75: {  	_ =	shalt  }
0x76: {  	_ =	shalt  }
0x77: {  	_ =	shalt  }
0x78: {  	_ =	shalt  }
0x79: {  	_ =	shalt  }
0x7a: {  	_ =	shalt  }
0x7b: {  	_ =	shalt  }
0x7c: {  	_ =	shalt  }
0x7d: {  	_ =	shalt  }
0x7e: {  	_ =	shalt  }
0x7f: {  	_ =	shalt  }
0x80: {  	_ =	shalt  }
0x81: {  	_ =	shalt  }
0x82: {  	_ =	shalt  }
0x83: {  	_ =	shalt  }
0x84: {  	_ =	shalt  }
0x85: {  	_ =	shalt  }
0x86: {  	_ =	shalt  }
0x87: {  	_ =	shalt  }
.Lfunc_end0:
.L_simem_size_0:
called_computation.1_lowered:
.L_overlay_start_0:
0x88: {  	s2 =	sld [smem:$0x3FD9]  }
0x89: {  	s3 =	sld [smem:$0x3FFE];
	_ =	sdelay $0x1  }
0x8a: {  	s1 =	srdreg.scid  }
0x8b: {  	s0 =	sand.u32 $0x1, s1  }
0x8c: {  	s16 =	sshll.u32 s0, $0xA;
	s2 =	sadd.s32 s3, s2  }
0x8d: {  	s2 =	sadd.s32 s2, s16  }
0x8e: {  	[smem:$0x3FC2] =	sst s2  }
0x8f: {  	_ = 	snop  }
0x90: {  	(tm) =	ssettm $0x1  }
0x91: {  	s17 =	sld [smem:$0x3FFB];
	_ =	sdelay $0x3  }
0x92: {  	_ =	strace s17  }
0x93: {  	s2 =	sld [smem:$0x3FFC];
	_ =	sdelay $0x3  }
0x94: {  	_ =	strace s2  }
0x95: {  	s2 =	sld [smem:$0x3FFD];
	_ =	sdelay $0x3  }
0x96: {  	_ =	strace s2  }
0x97: {  	_ =	strace $0x8FFFFFFF  }
0x98: {  	s18 =	sld [smem:$0x3FDB];
	_ =	sdelay $0x1  }
0x99: {  	s19 =	simm.s32 $_scs_section_size  }
0x9a: {  	s4 =	simm.s32 $_size__tile_overlayer_lowered;
	s5 =	simm.s32 $_tile_overlayer_lowered  }
0x9b: {  	s22 =	simm.s32 $0x1BFF;
	s21 =	sshll.u32 s5, $0x1;
	s2 =	sadd.s32 s19, s18  }
0x9c: {  	s6 =	simm.s32 $0x0;
	s20 =	sshll.u32 s4, $0x1;
	s4 =	sadd.s32 s21, s2  }
0x9d: {  	[timem:s6], [sflag:s22] =	dma.local [hbm:s4], s20  }
0x9e: {  	_ =	swait.ge [sflag:s22], s20  }
0x9f: {  	s3 =	ssub.s32 $0x0, s20;
	[sflag:s22] =	ssyncset.done $0x0  }
0xa0: {  	[sflag:s22] =	ssyncadd.s32 s3;
	_ =	sdelay $0x1  }
0xa1: {  	s23 =	simm.s32 $0x1B8B  }
0xa2: {  	_ =	swait.ge [sflag:s23], $0x1  }
0xa3: {  	[sflag:s23] =	ssyncset.done $0x0  }
0xa4: {  	s25 =	simm.s32 $0x1B8E;
	s24 =	sld [smem:$0x3FFE];
	[sflag:s23] =	ssyncadd.s32 $0xFFFFFFFF  }
0xa5: {  	s26 =	simm.s32 $execute0_lowered;
	[smem:$0x3FD2] =	sst s25  }
0xa6: {  	s4 =	sshll.u32 s26, $0x1;
	_ =	strace $0x80000049;
	[dreg:$0x1] =	wrdreg $0xFFFFFFFF  }
0xa7: {  	s28 =	simm.s32 $_size_execute0_lowered;
	s2 =	sadd.s32 s2, s4;
	[dreg:$0x0] =	wrdreg $0x0  }
0xa8: {  	s4 =	sshll.u32 s28, $0x1;
	[dreg:$0x2] =	wrdreg s2  }
0xa9: {  	[dreg:$0x3] =	wrdreg s4  }
0xaa: {  	[dreg:$0x4] =	wrdreg $0xC0  }
0xab: {  	_ =	task [dreg:s6], $0x5FFFF  }
0xac: {  	[dreg:$0x1] =	wrdreg $0xFFFFFFFF  }
0xad: {  	[dreg:$0x0] =	wrdreg $0x60  }
0xae: {  	[dreg:$0x2] =	wrdreg s24  }
0xaf: {  	[dreg:$0x3] =	wrdreg $0x7F000  }
0xb0: {  	[dreg:$0x4] =	wrdreg $0xA7000  }
0xb1: {  	[dreg:$0x5] =	wrdreg $0x9  }
0xb2: {  	_ =	task.clear_ibuf [dreg:s6], $0x6FFFF;
	_ =	strace $0x90000049  }
0xb3: {  	s29 =	simm.s32 $0x9;
	_ =	strace $0x8000004B  }
0xb4: {  	_ =	swait.ge [sflag:s29], $0x1  }
0xb5: {  	[sflag:s29] =	ssyncadd.s32 $0xFFFFFFFF  }
0xb6: {  	_ =	strace $0x9000004B  }
0xb7: {  	_ =	sfence  }
0xb8: {  	s30 =	sld [smem:$0x0];
	_ =	sdelay $0x2  }
0xb9: {  	s31 =	sshll.u32 s1, $0xD;
	s1 =	sshrl.u32 s1, $0x2  }
0xba: {  	s3 =	sand.u32 $0x4000, s31;
	s1 =	sadd.s32 s1, s30  }
0xbb: {  	s0 =	sor.u32 s3, s0;
	s1 =	sshll.u32 s1, $0x11  }
0xbc: {  	s0 =	sor.u32 s1, s0  }
0xbd: {  	s0 =	sadd.s32 $0x8F2B, s0  }
0xbe: {  	[sflag:s0] =	ssyncadd.remote.s32 $0x1  }
0xbf: {  	_ =	sfence.sel $0xFFFF  }
0xc0: {  	[dreg:$0x0] =	wrdreg $0xFFFFFFFF;
	(pc) =	sbr.abs _section_cstart, $3  }
0xc1: {  	[dreg:$0x1] =	wrdreg $0xFFFFFFFF  }
0xc2: {  	_ =	task.clear_ibuf [dreg:s6], $0x2FFFF;
	_ =	strace $0x9FFFFFFF  }
0xc3: {  	(tm) =	ssettm $0x7FFFFFFF  }
tec
execute0_lowered:
.L_overlay_start_1:
0x0: {  	(tag) =	ssettag $0x1  }
0x1: {  	s1 =	rddreg [dreg:$0x0]  }
0x2: {  	s0 =	rddreg [dreg:$0x1];
	s4 =	stileid.u32  }
0x3: {  	s3 =	srdreg.scid;
	s2 =	rddreg [dreg:$0x2]  }
0x4: {  	s15 =	simm.s32 $0xD;
	s17 =	simm.s32 $0x80;
	s28 =	simm.s32 $0x2  }
0x5: {  	s30 =	simm.s32 $0x6F00;
	s31 =	simm.s32 $0x3;
	s29 =	simm.s32 $0x5  }
0x6: {  	s5 =	smul.u32 $0x2710, s4;
	s6 =	sand.u32 $0x1, s3;
	s3 =	simm.s32 $0x0  }
0x7: {  	s9 =	smul.u32 $0x2800, s4;
	s11 =	sadd.s32 $0xB600, s1;
	s13 =	sadd.s32 $0x1F000, s1  }
0x8: {  	s20 =	sshll.u32 s4, $0x4;
	p0 =	sne.s32 s4, $0x0;
	s7 =	smul.u32 $0x28000, s6  }
0x9: {  	[smem:$0x7FF] =	sst s3;
	s10 =	sshll.u32 s6, $0x4;
	s6 =	ssub.s32 $0x2, s6  }
0xa: {  	s22 =	sadd.s32 s20, s11;
	s20 =	simm.s32 $0x5700;
	s8 =	sshrl.u32 s5, $0x3  }
0xb: {  	_ =	strace $0x8000004A;
	s10 =	sor.u32 s4, s10;
	[dreg:$0x4] =	wrdreg s13  }
0xc: {  	s18 =	sshrl.u32 s6, $0x1;
	s5 =	sadd.s32 s5, s2;
	s24 =	sadd.s32 $0x9C00, s22  }
0xd: {  	s25 =	sadd.s32 s9, s0;
	s4 =	sshll.u32 s4, $0x6;
	s8 =	sadd.s32 s8, s1  }
0xe: {  	s7 =	sadd.s32 s9, s7;
	s12 =	smul.u32 $0x2700, s10;
	s6 =	ssub.s32 s6, s18  }
0xf: {  	[dreg:$0x8] =	wrdreg s24;
	p1 =	sgt.u32 s10, $0x3;
	s13 =	sor.u32 $0x1C0D, s4  }
0x10: {  	s26 =	sshrl.u32 s5, $0x3;
	s18 =	simm.s32 $0x4F00;
	s24 =	simm.s32 $0x4  }
0x11: {  	s4 =	simm.s32 $0x6;
	s9 =	simm.s32 $0xC;
	s10 =	simm.s32 $0x0  }
0x12: {  	s7 =	sshrl.u32 s7, $0x3;
	s8 =	sadd.s32 $0x1800, s8;
	s6 =	smax.u32 s6, $0x1  }
0x13: {  	[dreg:$0xd] =	wrdreg s26;
	s26 =	simm.s32 $0x6700;
	s1 =	sadd.s32 s7, s1  }
0x14: {  	s19 =	sshrl.u32 s12, $0x3;
	[dreg:$0x6] =	wrdreg s8;
	s7 =	sadd.s32 $0x13840, s22  }
0x15: {  	[dreg:$0xb] =	wrdreg s6;
	s6 =	sshrl.u32 @!p0 s0, $0x3;
	s22 =	simm.s32 $0x5F00  }
0x16: {  	s8 =	simm.s32 $0xB;
	s21 =	sadd.s32 s11, s19;
	[dreg:$0x9] =	wrdreg s7  }
.Ltmp0:
0x17: {  	s1 =	sadd.s32 $0x24000, s1;
	[dreg:$0xc] =	wrdreg s6;
	(pc) =	sbr.rel .LBB2_1-.Ltmp0, $4  }
0x18: {  	s19 =	simm.s32 $0x8;
	s6 =	simm.s32 $0x9;
	[dreg:$0x5] =	wrdreg s21  }
0x19: {  	s7 =	simm.s32 $0xA;
	s23 =	sadd.s32 $0x9C40, s21;
	[dreg:$0xa] =	wrdreg s1  }
0x1a: {  	s1 =	sshrl.u32 s25, $0x3;
	s21 =	simm.s32 $0x7700;
	[dreg:$0x7] =	wrdreg s23  }
0x1b: {  	s23 =	simm.s32 $0x1;
	[dreg:$0xe] =	wrdreg s1;
	s1 =	simm.s32 $0x7  }
.LBB2_4:
0x1c: {  	_ =	swait.ge [sflag:s7], $0x800  }
0x1d: {  	[sflag:s7] =	ssyncset.done $0x0  }
0x1e: {  	[sflag:s7] =	ssyncadd.s32 $0xFFFFF800  }
0x1f: {  	_ =	swait.ge [sflag:s8], $0x800  }
0x20: {  	[sflag:s8] =	ssyncset.done $0x0  }
0x21: {  	[sflag:s8] =	ssyncadd.s32 $0xFFFFF800  }
0x22: {  	_ =	swait.ge [sflag:s9], $0x800  }
0x23: {  	s5 =	simm.s32 @!p1 $0x80;
	[sflag:s9] =	ssyncset.done $0x0  }
0x24: {  	s11 =	simm.s32 @!p1 $0x4E80;
	s12 =	simm.s32 @!p1 $0x4F00;
	[sflag:s9] =	ssyncadd.s32 $0xFFFFF800  }
0x25: {  	[tilespmem:s12], [sflag:$0x1] =	stream.indirect.gather @!p1 [spmem:s2], $0x10, s11, s5, $0xb8;
	[tilespmem:$0xCE10] =	vst v63  }
0x26: {  	s11 =	simm.s32 @!p1 $0x1  }
0x27: {  	_ =	swait.ge @!p1 [sflag:s11], $0x800  }
0x28: {  	[sflag:s11] =	ssyncset.done @!p1 $0x0  }
0x29: {  	[sflag:s11] =	ssyncadd.s32 @!p1 $0xFFFFF800;
	s11 =	simm.s32 @!p1 $0x4E00  }
0x2a: {  	[spmem:s0] =	stream.indirect.scatter.add.f32 @!p1 [tilespmem:s12], [sflag:$0xD], $0x10, s11, s5, $0xb8;
	[tilespmem:$0xCE10] =	vst v63  }
0x2b: {  	s5 =	simm.s32 @!p1 $0xD  }
0x2c: {  	_ =	swait.ge @!p1 [sflag:s5], $0x800  }
0x2d: {  	[sflag:s5] =	ssyncset.done @!p1 $0x0  }
0x2e: {  	[sflag:s5] =	ssyncadd.s32 @!p1 $0xFFFFF800  }
0x2f: {  	[bflag:$0x0] =	sbarrier.arrive $0xFFFF  }
0x30: {  	s14 =	rddreg [dreg:$0xa]  }
0x31: {  	s16 =	rddreg [dreg:$0xe]  }
0x32: {  	[hbm:s14], [sflag:s13] =	dma.local [spmem:s16], $0x500  }
0x33: {  	_ =	swait.ge [sflag:s15], $0x500  }
0x34: {  	s10 =	sadd.s32 $0x1, s10;
	s25 =	rddreg [dreg:$0xb]  }
0x35: {  	p2 =	sne.s32 s10, s25  }
.Ltmp1:
0x36: {  	_ = 	snop;
	(pc) =	sbr.rel @!p2 .LBB2_5-.Ltmp1, $3  }
0x37: {  	_ =	sdelay $0x1  }
0x38: {  	[sflag:s15] =	ssyncset.done $0x0  }
0x39: {  	[sflag:s15] =	ssyncadd.s32 $0xFFFFFB00  }
.LBB2_1:
0x3a: {  	s11 =	rddreg [dreg:$0x4]  }
0x3b: {  	s5 =	simm.s32 @!p0 $0x1C0D;
	s12 =	rddreg [dreg:$0xc]  }
0x3c: {  	[spmem:s12], [sflag:s5] =	dma.local @!p0 [hbm:s11], $0x5000  }
0x3d: {  	s5 =	simm.s32 @!p0 $0xD  }
0x3e: {  	_ =	swait.ge @!p0 [sflag:s5], $0x5000  }
0x3f: {  	[sflag:s5] =	ssyncset.done @!p0 $0x0;
	s16 =	rddreg [dreg:$0x6]  }
0x40: {  	s25 =	rddreg [dreg:$0xd];
	[sflag:s5] =	ssyncadd.s32 @!p0 $0xFFFFB000  }
0x41: {  	[spmem:s25], [sflag:s13] =	dma.local [hbm:s16], $0x4E2  }
0x42: {  	_ =	swait.ge [sflag:s15], $0x4E2  }
0x43: {  	[sflag:s15] =	ssyncset.done $0x0  }
0x44: {  	s12 =	rddreg [dreg:$0x5];
	[sflag:s15] =	ssyncadd.s32 $0xFFFFFB1E  }
0x45: {  	[tilespmem:s3], [sflag:$0xD] =	stream.linear.gather [hbm4b:s12+s3], $0x2700, $0x38;
	[tilespmem:$0xCE10] =	vst v63  }
0x46: {  	_ =	swait.ge [sflag:s15], $0x2700  }
0x47: {  	[sflag:s15] =	ssyncset.done $0x0  }
0x48: {  	s16 =	simm.s32 $0x2700;
	s14 =	rddreg [dreg:$0x7];
	[sflag:s15] =	ssyncadd.s32 $0xFFFFD900  }
0x49: {  	[tilespmem:s16], [sflag:$0xD] =	stream.linear.gather [hbm4b:s14+s3], $0x2700, $0x38;
	[tilespmem:$0xCE10] =	vst v63  }
0x4a: {  	_ =	swait.ge [sflag:s15], $0x2700  }
0x4b: {  	s11 =	simm.s32 @!p1 $0x4E00;
	[sflag:s15] =	ssyncset.done $0x0  }
0x4c: {  	s5 =	simm.s32 @!p1 $0x0;
	s12 =	rddreg [dreg:$0x8];
	[sflag:s15] =	ssyncadd.s32 $0xFFFFD900  }
0x4d: {  	[tilespmem:s11], [sflag:$0xD] =	stream.linear.gather @!p1 [hbm4b:s12+s5], $0x80, $0x38;
	[tilespmem:$0xCE10] =	vst v63  }
0x4e: {  	s11 =	simm.s32 @!p1 $0xD  }
0x4f: {  	_ =	swait.ge @!p1 [sflag:s11], $0x80  }
0x50: {  	[sflag:s11] =	ssyncset.done @!p1 $0x0  }
0x51: {  	s12 =	simm.s32 @!p1 $0x4E80;
	s14 =	rddreg [dreg:$0x9];
	[sflag:s11] =	ssyncadd.s32 @!p1 $0xFFFFFF80  }
0x52: {  	[tilespmem:s12], [sflag:$0xD] =	stream.linear.gather @!p1 [hbm4b:s14+s5], $0x80, $0x38;
	[tilespmem:$0xCE10] =	vst v63  }
0x53: {  	_ =	swait.ge @!p1 [sflag:s11], $0x80  }
0x54: {  	[sflag:s11] =	ssyncset.done @!p1 $0x0  }
0x55: {  	[sflag:s11] =	ssyncadd.s32 @!p1 $0xFFFFFF80  }
0x56: {  	[bflag:$0x0] =	sbarrier.arrive $0xFFFF  }
0x57: {  	[tilespmem:s18], [sflag:$0x1] =	stream.indirect.gather [spmem:s2], $0x10, s16, s17, $0xb8;
	[tilespmem:$0xCE10] =	vst v63  }
0x58: {  	s16 =	simm.s32 $0x2780  }
0x59: {  	[tilespmem:s20], [sflag:$0x2] =	stream.indirect.gather [spmem:s2], $0x10, s16, s17, $0xb8;
	[tilespmem:$0xCE10] =	vst v63  }
0x5a: {  	s25 =	simm.s32 $0x2800  }
0x5b: {  	[tilespmem:s22], [sflag:$0x3] =	stream.indirect.gather [spmem:s2], $0x10, s25, s17, $0xb8;
	[tilespmem:$0xCE10] =	vst v63  }
0x5c: {  	_ =	swait.ge [sflag:s23], $0x800  }
0x5d: {  	[sflag:s23] =	ssyncset.done $0x0  }
0x5e: {  	[sflag:s23] =	ssyncadd.s32 $0xFFFFF800  }
0x5f: {  	[spmem:s0] =	stream.indirect.scatter.add.f32 [tilespmem:s18], [sflag:$0x7], $0x10, s3, s17, $0xb8;
	[tilespmem:$0xCE10] =	vst v63  }
0x60: {  	s11 =	simm.s32 $0x2880  }
0x61: {  	[tilespmem:s26], [sflag:$0x4] =	stream.indirect.gather [spmem:s2], $0x10, s11, s17, $0xb8;
	[tilespmem:$0xCE10] =	vst v63  }
0x62: {  	_ =	swait.ge [sflag:s28], $0x800  }
0x63: {  	[sflag:s28] =	ssyncset.done $0x0  }
0x64: {  	[sflag:s28] =	ssyncadd.s32 $0xFFFFF800  }
0x65: {  	[spmem:s0] =	stream.indirect.scatter.add.f32 [tilespmem:s20], [sflag:$0x8], $0x10, s17, s17, $0xb8;
	[tilespmem:$0xCE10] =	vst v63  }
0x66: {  	s12 =	simm.s32 $0x2900  }
0x67: {  	[tilespmem:s30], [sflag:$0x5] =	stream.indirect.gather [spmem:s2], $0x10, s12, s17, $0xb8;
	[tilespmem:$0xCE10] =	vst v63  }
0x68: {  	_ =	swait.ge [sflag:s31], $0x800  }
0x69: {  	[sflag:s31] =	ssyncset.done $0x0  }
0x6a: {  	s14 =	simm.s32 $0x100;
	[sflag:s31] =	ssyncadd.s32 $0xFFFFF800  }
0x6b: {  	[spmem:s0] =	stream.indirect.scatter.add.f32 [tilespmem:s22], [sflag:$0x9], $0x10, s14, s17, $0xb8;
	[tilespmem:$0xCE10] =	vst v63  }
0x6c: {  	s16 =	simm.s32 $0x2980  }
0x6d: {  	[tilespmem:s21], [sflag:$0x6] =	stream.indirect.gather [spmem:s2], $0x10, s16, s17, $0xb8;
	[tilespmem:$0xCE10] =	vst v63  }
0x6e: {  	_ =	swait.ge [sflag:s24], $0x800  }
0x6f: {  	[sflag:s24] =	ssyncset.done $0x0  }
0x70: {  	s25 =	simm.s32 $0x180;
	[sflag:s24] =	ssyncadd.s32 $0xFFFFF800  }
0x71: {  	[spmem:s0] =	stream.indirect.scatter.add.f32 [tilespmem:s26], [sflag:$0xA], $0x10, s25, s17, $0xb8;
	[tilespmem:$0xCE10] =	vst v63  }
0x72: {  	_ =	swait.ge [sflag:s1], $0x800  }
0x73: {  	[sflag:s1] =	ssyncset.done $0x0  }
0x74: {  	s11 =	simm.s32 $0x2A00;
	[sflag:s1] =	ssyncadd.s32 $0xFFFFF800  }
0x75: {  	[tilespmem:s18], [sflag:$0x1] =	stream.indirect.gather [spmem:s2], $0x10, s11, s17, $0xb8;
	[tilespmem:$0xCE10] =	vst v63  }
0x76: {  	_ =	swait.ge [sflag:s29], $0x800  }
0x77: {  	[sflag:s29] =	ssyncset.done $0x0  }
0x78: {  	s12 =	simm.s32 $0x200;
	[sflag:s29] =	ssyncadd.s32 $0xFFFFF800  }
0x79: {  	[spmem:s0] =	stream.indirect.scatter.add.f32 [tilespmem:s30], [sflag:$0xB], $0x10, s12, s17, $0xb8;
	[tilespmem:$0xCE10] =	vst v63  }
0x7a: {  	_ =	swait.ge [sflag:s19], $0x800  }
0x7b: {  	[sflag:s19] =	ssyncset.done $0x0  }
0x7c: {  	s14 =	simm.s32 $0x2A80;
	[sflag:s19] =	ssyncadd.s32 $0xFFFFF800  }
0x7d: {  	[tilespmem:s20], [sflag:$0x2] =	stream.indirect.gather [spmem:s2], $0x10, s14, s17, $0xb8;
	[tilespmem:$0xCE10] =	vst v63  }
0x7e: {  	_ =	swait.ge [sflag:s4], $0x800  }
0x7f: {  	[sflag:s4] =	ssyncset.done $0x0  }
0x80: {  	s16 =	simm.s32 $0x280;
	[sflag:s4] =	ssyncadd.s32 $0xFFFFF800  }
0x81: {  	[spmem:s0] =	stream.indirect.scatter.add.f32 [tilespmem:s21], [sflag:$0xC], $0x10, s16, s17, $0xb8;
	[tilespmem:$0xCE10] =	vst v63  }
0x82: {  	_ =	swait.ge [sflag:s6], $0x800  }
0x83: {  	[sflag:s6] =	ssyncset.done $0x0  }
0x84: {  	s5 =	simm.s32 $0x0;
	s25 =	simm.s32 $0x2B00;
	[sflag:s6] =	ssyncadd.s32 $0xFFFFF800  }
0x85: {  	[tilespmem:s22], [sflag:$0x3] =	stream.indirect.gather [spmem:s2], $0x10, s25, s17, $0xb8;
	[tilespmem:$0xCE10] =	vst v63  }
.LBB2_2:
0x86: {  	_ =	swait.ge [sflag:s23], $0x800  }
0x87: {  	s11 =	sshra.s32 s5, $0x2;
	[sflag:s23] =	ssyncset.done $0x0  }
0x88: {  	s12 =	sadd.s32 $0x300, s11;
	[sflag:s23] =	ssyncadd.s32 $0xFFFFF800  }
0x89: {  	[spmem:s0] =	stream.indirect.scatter.add.f32 [tilespmem:s18], [sflag:$0x7], $0x10, s12, s17, $0xb8;
	[tilespmem:$0xCE10] =	vst v63  }
0x8a: {  	_ =	swait.ge [sflag:s7], $0x800  }
0x8b: {  	[sflag:s7] =	ssyncset.done $0x0  }
0x8c: {  	s25 =	sadd.s32 $0x2B80, s11;
	[sflag:s7] =	ssyncadd.s32 $0xFFFFF800  }
0x8d: {  	[tilespmem:s26], [sflag:$0x4] =	stream.indirect.gather [spmem:s2], $0x10, s25, s17, $0xb8;
	[tilespmem:$0xCE10] =	vst v63  }
0x8e: {  	_ =	swait.ge [sflag:s28], $0x800  }
0x8f: {  	[sflag:s28] =	ssyncset.done $0x0  }
0x90: {  	s14 =	sadd.s32 $0x380, s11;
	[sflag:s28] =	ssyncadd.s32 $0xFFFFF800  }
0x91: {  	[spmem:s0] =	stream.indirect.scatter.add.f32 [tilespmem:s20], [sflag:$0x8], $0x10, s14, s17, $0xb8;
	[tilespmem:$0xCE10] =	vst v63  }
0x92: {  	_ =	swait.ge [sflag:s8], $0x800  }
0x93: {  	[sflag:s8] =	ssyncset.done $0x0  }
0x94: {  	s16 =	sadd.s32 $0x2C00, s11;
	[sflag:s8] =	ssyncadd.s32 $0xFFFFF800  }
0x95: {  	[tilespmem:s30], [sflag:$0x5] =	stream.indirect.gather [spmem:s2], $0x10, s16, s17, $0xb8;
	[tilespmem:$0xCE10] =	vst v63  }
0x96: {  	_ =	swait.ge [sflag:s31], $0x800  }
0x97: {  	[sflag:s31] =	ssyncset.done $0x0  }
0x98: {  	s25 =	sadd.s32 $0x400, s11;
	[sflag:s31] =	ssyncadd.s32 $0xFFFFF800  }
0x99: {  	[spmem:s0] =	stream.indirect.scatter.add.f32 [tilespmem:s22], [sflag:$0x9], $0x10, s25, s17, $0xb8;
	[tilespmem:$0xCE10] =	vst v63  }
0x9a: {  	_ =	swait.ge [sflag:s9], $0x800  }
0x9b: {  	[sflag:s9] =	ssyncset.done $0x0  }
0x9c: {  	s14 =	sadd.s32 $0x2C80, s11;
	[sflag:s9] =	ssyncadd.s32 $0xFFFFF800  }
0x9d: {  	[tilespmem:s21], [sflag:$0x6] =	stream.indirect.gather [spmem:s2], $0x10, s14, s17, $0xb8;
	[tilespmem:$0xCE10] =	vst v63  }
0x9e: {  	_ =	swait.ge [sflag:s24], $0x800  }
0x9f: {  	[sflag:s24] =	ssyncset.done $0x0  }
0xa0: {  	s16 =	sadd.s32 $0x480, s11;
	[sflag:s24] =	ssyncadd.s32 $0xFFFFF800  }
0xa1: {  	[spmem:s0] =	stream.indirect.scatter.add.f32 [tilespmem:s26], [sflag:$0xA], $0x10, s16, s17, $0xb8;
	[tilespmem:$0xCE10] =	vst v63  }
0xa2: {  	_ =	swait.ge [sflag:s1], $0x800  }
0xa3: {  	p2 =	seq.s32 s5, $0x8400;
	[sflag:s1] =	ssyncset.done $0x0  }
0xa4: {  	s12 =	simm.s32 @p2 $0x5;
	[sflag:s1] =	ssyncadd.s32 $0xFFFFF800  }
0xa5: {  	_ =	swait.ge @p2 [sflag:s12], $0x800  }
0xa6: {  	[sflag:s12] =	ssyncset.done @p2 $0x0  }
0xa7: {  	[sflag:s12] =	ssyncadd.s32 @p2 $0xFFFFF800;
	s12 =	sshra.s32 @p2 s5, $0x2  }
0xa8: {  	s14 =	simm.s32 @p2 $0x6F00;
	s16 =	simm.s32 @p2 $0x80;
	s12 =	sadd.s32 @p2 $0x500, s12  }
0xa9: {  	[spmem:s0] =	stream.indirect.scatter.add.f32 @p2 [tilespmem:s14], [sflag:$0xB], $0x10, s12, s16, $0xb8;
	[tilespmem:$0xCE10] =	vst v63  }
0xaa: {  	s12 =	simm.s32 @p2 $0x8  }
0xab: {  	_ =	swait.ge @p2 [sflag:s12], $0x800  }
0xac: {  	[sflag:s12] =	ssyncset.done @p2 $0x0  }
0xad: {  	[sflag:s12] =	ssyncadd.s32 @p2 $0xFFFFF800;
	s12 =	sshra.s32 @!p2 s5, $0x2  }
0xae: {  	s25 =	simm.s32 @!p2 $0x4F00;
	s16 =	simm.s32 @!p2 $0x80;
	s14 =	sadd.s32 @!p2 $0x2D00, s12  }
0xaf: {  	[tilespmem:s25], [sflag:$0x1] =	stream.indirect.gather @!p2 [spmem:s2], $0x10, s14, s16, $0xb8;
	[tilespmem:$0xCE10] =	vst v63  }
0xb0: {  	s14 =	simm.s32 @!p2 $0x5  }
0xb1: {  	_ =	swait.ge @!p2 [sflag:s14], $0x800  }
0xb2: {  	[sflag:s14] =	ssyncset.done @!p2 $0x0  }
0xb3: {  	s25 =	simm.s32 @!p2 $0x6F00;
	[sflag:s14] =	ssyncadd.s32 @!p2 $0xFFFFF800;
	s14 =	sadd.s32 @!p2 $0x500, s12  }
0xb4: {  	[spmem:s0] =	stream.indirect.scatter.add.f32 @!p2 [tilespmem:s25], [sflag:$0xB], $0x10, s14, s16, $0xb8;
	[tilespmem:$0xCE10] =	vst v63  }
0xb5: {  	s14 =	simm.s32 @!p2 $0x8  }
0xb6: {  	_ =	swait.ge @!p2 [sflag:s14], $0x800  }
0xb7: {  	[sflag:s14] =	ssyncset.done @!p2 $0x0  }
0xb8: {  	s12 =	sadd.s32 @!p2 $0x2D80, s12;
	[sflag:s14] =	ssyncadd.s32 @!p2 $0xFFFFF800;
	s14 =	simm.s32 @!p2 $0x5700  }
0xb9: {  	[tilespmem:s14], [sflag:$0x2] =	stream.indirect.gather @!p2 [spmem:s2], $0x10, s12, s16, $0xb8;
	[tilespmem:$0xCE10] =	vst v63  }
0xba: {  	_ =	swait.ge [sflag:s4], $0x800  }
0xbb: {  	[sflag:s4] =	ssyncset.done $0x0  }
.Ltmp2:
0xbc: {  	s25 =	sadd.s32 $0x580, s11;
	[sflag:s4] =	ssyncadd.s32 $0xFFFFF800;
	(pc) =	sbr.rel @p2 .LBB2_4-.Ltmp2, $4  }
0xbd: {  	[spmem:s0] =	stream.indirect.scatter.add.f32 [tilespmem:s21], [sflag:$0xC], $0x10, s25, s17, $0xb8;
	[tilespmem:$0xCE10] =	vst v63  }
0xbe: {  	_ =	swait.ge [sflag:s6], $0x800  }
0xbf: {  	[sflag:s6] =	ssyncset.done $0x0  }
0xc0: {  	[sflag:s6] =	ssyncadd.s32 $0xFFFFF800  }
.Ltmp3:
0xc1: {  	(pc) =	sbr.rel .LBB2_2-.Ltmp3, $3  }
0xc2: {  	_ =	sdelay $0x1  }
0xc3: {  	s11 =	sadd.s32 $0x2E00, s11;
	s5 =	sadd.s32 $0xC00, s5  }
0xc4: {  	[tilespmem:s22], [sflag:$0x3] =	stream.indirect.gather [spmem:s2], $0x10, s11, s17, $0xb8;
	[tilespmem:$0xCE10] =	vst v63  }
.LBB2_5:
0xc5: {  	_ =	sfence.sel $0x180000  }
0xc6: {  	[bflag:$0x0] =	sbarrier.arrive $0xFFFF  }
0xc7: {  	_ =	strace $0x9000004A  }
0xc8: {  	[bflag:$0x2] =	sbarrier.arrive $0xFFFF  }
0xc9: {  	s0 =	rddreg [dreg:$0x3]  }
0xca: {  	s0 =	sadd.s32 @!p0 $0x100000, s0  }
0xcb: {  	[sflag:s0] =	ssyncadd.tile.s32 @!p0 $0x1;
	_ =	shalt  }
.Lfunc_end2:
_tile_overlayer_lowered:
.L_overlay_start_2:
0xcc: {  	(tag) =	ssettag $0x2  }
0xcd: {  	s0 =	rddreg [dreg:$0x0];
	s2 =	stileid.u32  }
0xce: {  	s1 =	rddreg [dreg:$0x1];
	p0 =	sne.s32 s2, $0x0  }
0xcf: {  	s3 =	rddreg [dreg:$0x2];
	[bflag:$0x3] =	sbarrier.arrive $0xFFFF;
	s2 =	simm.s32 @!p0 $0x1C0D  }
0xd0: {  	[timem:s3], [sflag:s2] =	dma.local @!p0 [hbm:s0], s1  }
0xd1: {  	s0 =	simm.s32 @!p0 $0xD  }
0xd2: {  	_ =	swait.ge @!p0 [sflag:s0], s1  }
0xd3: {  	s1 =	ssub.s32 @!p0 $0x0, s1;
	[sflag:s0] =	ssyncset.done @!p0 $0x0  }
0xd4: {  	[sflag:s0] =	ssyncadd.s32 @!p0 s1  }
0xd5: {  	[bflag:$0x3] =	sbarrier.arrive $0xFFFF  }
0xd6: {  	_ =	shalt  }

// kernel: kernel.7.cloned.1.call-start
scs
__scs_entry_jumppad:
0x0: {  	(pc) =	sbr.rel $0x88, $3  }
0x1: {  	(tag) =	ssettag $0x0;
	lr =	simm.s32 $0x1  }
0x2: {  	[smem:$0x3F9B] =	sst lr;
	_ =	strace $0xD0000000  }
0x3: {  	_ = 	snop  }
0x4: {  	_ = 	snop  }
0x5: {  	_ = 	snop  }
0x6: {  	_ = 	snop  }
0x7: {  	_ = 	snop  }
__scs_overlays_trampoline_lowered:
0x8: {  	[smem:$0x3FAA] =	sst s0  }
0x9: {  	[smem:$0x3FAB] =	sst s1  }
0xa: {  	[smem:$0x3FAC] =	sst s2  }
0xb: {  	[smem:$0x3FAD] =	sst s3  }
0xc: {  	[smem:$0x3FAE] =	sst s4  }
0xd: {  	[smem:$0x3FAF] =	sst s5  }
0xe: {  	[smem:$0x3FB0] =	sst s6  }
0xf: {  	[smem:$0x3FB1] =	sst s7  }
0x10: {  	[smem:$0x3FB2] =	sst s8  }
0x11: {  	[smem:$0x3FB3] =	sst s9;
	s0 =	simm.s32 @!p0 $0x0  }
0x12: {  	s1 =	sld [smem:$0x3F99];
	s0 =	simm.s32 @p0 $0x1  }
0x13: {  	[smem:$0x3FB4] =	sst s0;
	s0 =	simm.s32 @!p1 $0x0  }
0x14: {  	s2 =	sld [smem:$0x3F98];
	s0 =	simm.s32 @p1 $0x1  }
0x15: {  	[smem:$0x3FB5] =	sst s0;
	s0 =	simm.s32 @!p2 $0x0  }
0x16: {  	s3 =	sld [smem:$0x3FDB];
	s0 =	simm.s32 @p2 $0x1  }
0x17: {  	s4 =	simm.s32 $0x1BF5;
	[smem:$0x3FB7] =	sst s0  }
0x18: {  	s0 =	sld [smem:$0x3F9A];
	_ =	swait.ge [sflag:s4], $0x0  }
0x19: {  	s7 =	sld [smem:$0x3F9B]  }
0x1a: {  	s8 =	sadd.s32 $0xFFFFE003, lr  }
0x1b: {  	s9 =	sadd.s32 $0xFFFFFEF7, lr;
	s5 =	simm.s32 $0xFFFFFFFF;
	p2 =	slt.u32 s8, $0xFFFFF086  }
0x1c: {  	p1 =	slt.u32 s9, $0xF7A;
	s5 =	simm.s32 @!p2 $0x0  }
0x1d: {  	s5 =	simm.s32 @p1 $0x1;
	p0 =	seq.s32 s7, s2  }
0x1e: {  	s7 =	smul.u32 @!p0 $0xF7A, s2;
	p2 =	seq.s32 @!p0 s5, $0x0  }
0x1f: {  	s9 =	smul.u32 $0xF7A, s1;
	s8 =	simm.s32 @!p0 $0x1BF5;
	p2 =	por !p2, p0  }
0x20: {  	[sflag:s8] =	ssyncset.s32 @!p0 $0xFFFFF086;
	s6 =	sadd.s32 @!p0 s3, s7;
	s7 =	simm.s32 @!p0 $0x108  }
0x21: {  	s3 =	sadd.s32 s3, s9;
	s6 =	sadd.s32 @!p0 $0x88, s6;
	s7 =	simm.s32 @p2 $0x1082  }
0x22: {  	[simem:s7], [sflag:s8] =	dma.local @!p0 [hbm:s6], $0xF7A  }
0x23: {  	s9 =	sor.u32 $0xD0000000, s2;
	s6 =	simm.s32 $0x108;
	_ =	swait.ge @!p0 [sflag:s8], $0x0  }
0x24: {  	s3 =	sadd.s32 $0x88, s3;
	s6 =	simm.s32 @!p1 $0x1082;
	[sflag:s4] =	ssyncset.s32 $0xFFFFF086  }
0x25: {  	[simem:s6], [sflag:s4] =	dma.local [hbm:s3], $0xF7A  }
0x26: {  	[smem:$0x3F9B] =	sst s1;
	(tag) =	ssettag s2;
	_ =	strace s9  }
0x27: {  	s1 =	sld [smem:$0x3FAB]  }
0x28: {  	s2 =	sld [smem:$0x3FAC]  }
0x29: {  	s4 =	sld [smem:$0x3FAE]  }
0x2a: {  	p0 =	seq.s32 s5, $0x0;
	s5 =	sld [smem:$0x3FAF]  }
0x2b: {  	s6 =	sld [smem:$0x3FB0]  }
0x2c: {  	s7 =	sld [smem:$0x3FB1]  }
0x2d: {  	s3 =	simm.s32 $0x108;
	s8 =	sld [smem:$0x3FB2]  }
0x2e: {  	s3 =	simm.s32 @!p0 $0x1082;
	s9 =	sld [smem:$0x3FB3]  }
0x2f: {  	lr =	sadd.s32 s0, s3;
	s0 =	sld [smem:$0x3FAA]  }
0x30: {  	s3 =	sld [smem:$0x3FAD]  }
0x31: {  	[smem:$0x3FB6] =	sst s10  }
0x32: {  	s10 =	sld [smem:$0x3FB4];
	_ =	sdelay $0x3  }
0x33: {  	p0 =	seq.s32 s10, $0x1;
	s10 =	sld [smem:$0x3FB6];
	_ =	sdelay $0x3  }
0x34: {  	[smem:$0x3FB6] =	sst s10  }
0x35: {  	s10 =	sld [smem:$0x3FB5];
	_ =	sdelay $0x3  }
0x36: {  	p1 =	seq.s32 s10, $0x1;
	s10 =	sld [smem:$0x3FB6];
	_ =	sdelay $0x3  }
0x37: {  	[smem:$0x3FB6] =	sst s10  }
0x38: {  	s10 =	sld [smem:$0x3FB7]  }
0x39: {  	_ = 	snop;
	(pc) =	sbr.ind lr, $3  }
0x3a: {  	_ = 	snop  }
0x3b: {  	_ = 	snop  }
0x3c: {  	p2 =	seq.s32 s10, $0x1;
	s10 =	sld [smem:$0x3FB6]  }
0x3d: {  	_ =	shalt  }
0x3e: {  	_ =	shalt  }
0x3f: {  	_ =	shalt  }
0x40: {  	_ =	shalt  }
0x41: {  	_ =	shalt  }
0x42: {  	_ =	shalt  }
0x43: {  	_ =	shalt  }
0x44: {  	_ =	shalt  }
0x45: {  	_ =	shalt  }
0x46: {  	_ =	shalt  }
0x47: {  	_ =	shalt  }
0x48: {  	_ =	shalt  }
0x49: {  	_ =	shalt  }
0x4a: {  	_ =	shalt  }
0x4b: {  	_ =	shalt  }
0x4c: {  	_ =	shalt  }
0x4d: {  	_ =	shalt  }
0x4e: {  	_ =	shalt  }
0x4f: {  	_ =	shalt  }
0x50: {  	_ =	shalt  }
0x51: {  	_ =	shalt  }
0x52: {  	_ =	shalt  }
0x53: {  	_ =	shalt  }
0x54: {  	_ =	shalt  }
0x55: {  	_ =	shalt  }
0x56: {  	_ =	shalt  }
0x57: {  	_ =	shalt  }
0x58: {  	_ =	shalt  }
0x59: {  	_ =	shalt  }
0x5a: {  	_ =	shalt  }
0x5b: {  	_ =	shalt  }
0x5c: {  	_ =	shalt  }
0x5d: {  	_ =	shalt  }
0x5e: {  	_ =	shalt  }
0x5f: {  	_ =	shalt  }
0x60: {  	_ =	shalt  }
0x61: {  	_ =	shalt  }
0x62: {  	_ =	shalt  }
0x63: {  	_ =	shalt  }
0x64: {  	_ =	shalt  }
0x65: {  	_ =	shalt  }
0x66: {  	_ =	shalt  }
0x67: {  	_ =	shalt  }
0x68: {  	_ =	shalt  }
0x69: {  	_ =	shalt  }
0x6a: {  	_ =	shalt  }
0x6b: {  	_ =	shalt  }
0x6c: {  	_ =	shalt  }
0x6d: {  	_ =	shalt  }
0x6e: {  	_ =	shalt  }
0x6f: {  	_ =	shalt  }
0x70: {  	_ =	shalt  }
0x71: {  	_ =	shalt  }
0x72: {  	_ =	shalt  }
0x73: {  	_ =	shalt  }
0x74: {  	_ =	shalt  }
0x75: {  	_ =	shalt  }
0x76: {  	_ =	shalt  }
0x77: {  	_ =	shalt  }
0x78: {  	_ =	shalt  }
0x79: {  	_ =	shalt  }
0x7a: {  	_ =	shalt  }
0x7b: {  	_ =	shalt  }
0x7c: {  	_ =	shalt  }
0x7d: {  	_ =	shalt  }
0x7e: {  	_ =	shalt  }
0x7f: {  	_ =	shalt  }
0x80: {  	_ =	shalt  }
0x81: {  	_ =	shalt  }
0x82: {  	_ =	shalt  }
0x83: {  	_ =	shalt  }
0x84: {  	_ =	shalt  }
0x85: {  	_ =	shalt  }
0x86: {  	_ =	shalt  }
0x87: {  	_ =	shalt  }
.Lfunc_end0:
.L_simem_size_0:
called_computation_lowered:
.L_overlay_start_0:
0x88: {  	s2 =	sld [smem:$0x3FD9]  }
0x89: {  	s3 =	sld [smem:$0x3FFE];
	_ =	sdelay $0x1  }
0x8a: {  	s1 =	srdreg.scid  }
0x8b: {  	s0 =	sand.u32 $0x1, s1  }
0x8c: {  	s16 =	sshll.u32 s0, $0xA;
	s2 =	sadd.s32 s3, s2  }
0x8d: {  	s2 =	sadd.s32 s2, s16  }
0x8e: {  	[smem:$0x3FC2] =	sst s2  }
0x8f: {  	_ = 	snop  }
0x90: {  	(tm) =	ssettm $0x1  }
0x91: {  	s17 =	sld [smem:$0x3FFB];
	_ =	sdelay $0x3  }
0x92: {  	_ =	strace s17  }
0x93: {  	s2 =	sld [smem:$0x3FFC];
	_ =	sdelay $0x3  }
0x94: {  	_ =	strace s2  }
0x95: {  	s2 =	sld [smem:$0x3FFD];
	_ =	sdelay $0x3  }
0x96: {  	_ =	strace s2  }
0x97: {  	_ =	strace $0x8FFFFFFF  }
0x98: {  	s18 =	sld [smem:$0x3FDB];
	_ =	sdelay $0x1  }
0x99: {  	s19 =	simm.s32 $_scs_section_size  }
0x9a: {  	s4 =	simm.s32 $_size__tile_overlayer_lowered;
	s5 =	simm.s32 $_tile_overlayer_lowered  }
0x9b: {  	s22 =	simm.s32 $0x1BFF;
	s21 =	sshll.u32 s5, $0x1;
	s2 =	sadd.s32 s19, s18  }
0x9c: {  	s6 =	simm.s32 $0x0;
	s20 =	sshll.u32 s4, $0x1;
	s4 =	sadd.s32 s21, s2  }
0x9d: {  	[timem:s6], [sflag:s22] =	dma.local [hbm:s4], s20  }
0x9e: {  	_ =	swait.ge [sflag:s22], s20  }
0x9f: {  	s3 =	ssub.s32 $0x0, s20;
	[sflag:s22] =	ssyncset.done $0x0  }
0xa0: {  	[sflag:s22] =	ssyncadd.s32 s3;
	_ =	sdelay $0x1  }
0xa1: {  	s23 =	simm.s32 $0x1B8B  }
0xa2: {  	_ =	swait.ge [sflag:s23], $0x1  }
0xa3: {  	[sflag:s23] =	ssyncset.done $0x0  }
0xa4: {  	s25 =	simm.s32 $0x1B8E;
	s24 =	sld [smem:$0x3FFE];
	[sflag:s23] =	ssyncadd.s32 $0xFFFFFFFF  }
0xa5: {  	s26 =	simm.s32 $execute0_lowered;
	[smem:$0x3FD2] =	sst s25  }
0xa6: {  	s4 =	sshll.u32 s26, $0x1;
	_ =	strace $0x80000046;
	[dreg:$0x1] =	wrdreg $0xFFFFFFFF  }
0xa7: {  	s28 =	simm.s32 $_size_execute0_lowered;
	s2 =	sadd.s32 s2, s4;
	[dreg:$0x0] =	wrdreg $0x0  }
0xa8: {  	s4 =	sshll.u32 s28, $0x1;
	[dreg:$0x2] =	wrdreg s2  }
0xa9: {  	[dreg:$0x3] =	wrdreg s4  }
0xaa: {  	[dreg:$0x4] =	wrdreg $0xC0  }
0xab: {  	_ =	task [dreg:s6], $0x5FFFF  }
0xac: {  	[dreg:$0x1] =	wrdreg $0xFFFFFFFF  }
0xad: {  	[dreg:$0x0] =	wrdreg $0x60  }
0xae: {  	[dreg:$0x2] =	wrdreg s24  }
0xaf: {  	[dreg:$0x3] =	wrdreg $0xAF000  }
0xb0: {  	[dreg:$0x4] =	wrdreg $0xFF000  }
0xb1: {  	[dreg:$0x5] =	wrdreg $0x9  }
0xb2: {  	_ =	task.clear_ibuf [dreg:s6], $0x6FFFF;
	_ =	strace $0x90000046  }
0xb3: {  	s29 =	simm.s32 $0x9;
	_ =	strace $0x80000048  }
0xb4: {  	_ =	swait.ge [sflag:s29], $0x1  }
0xb5: {  	[sflag:s29] =	ssyncadd.s32 $0xFFFFFFFF  }
0xb6: {  	_ =	strace $0x90000048  }
0xb7: {  	_ =	sfence  }
0xb8: {  	s30 =	sld [smem:$0x0];
	_ =	sdelay $0x2  }
0xb9: {  	s31 =	sshll.u32 s1, $0xD;
	s1 =	sshrl.u32 s1, $0x2  }
0xba: {  	s3 =	sand.u32 $0x4000, s31;
	s1 =	sadd.s32 s1, s30  }
0xbb: {  	s0 =	sor.u32 s3, s0;
	s1 =	sshll.u32 s1, $0x11  }
0xbc: {  	s0 =	sor.u32 s1, s0  }
0xbd: {  	s0 =	sadd.s32 $0x8F2B, s0  }
0xbe: {  	[sflag:s0] =	ssyncadd.remote.s32 $0x1  }
0xbf: {  	_ =	sfence.sel $0xFFFF  }
0xc0: {  	[dreg:$0x0] =	wrdreg $0xFFFFFFFF;
	(pc) =	sbr.abs _section_cstart, $3  }
0xc1: {  	[dreg:$0x1] =	wrdreg $0xFFFFFFFF  }
0xc2: {  	_ =	task.clear_ibuf [dreg:s6], $0x2FFFF;
	_ =	strace $0x9FFFFFFF  }
0xc3: {  	(tm) =	ssettm $0x7FFFFFFF  }
tec
execute0_lowered:
.L_overlay_start_1:
0x0: {  	(tag) =	ssettag $0x1  }
0x1: {  	s1 =	rddreg [dreg:$0x0]  }
0x2: {  	s0 =	rddreg [dreg:$0x1];
	s4 =	stileid.u32  }
0x3: {  	s3 =	srdreg.scid;
	s2 =	rddreg [dreg:$0x2]  }
0x4: {  	s15 =	simm.s32 $0xD;
	s17 =	simm.s32 $0x80;
	s28 =	simm.s32 $0x2  }
0x5: {  	s30 =	simm.s32 $0x8F00;
	s31 =	simm.s32 $0x3;
	s29 =	simm.s32 $0x5  }
0x6: {  	s5 =	smul.u32 $0x4E20, s4;
	s6 =	sand.u32 $0x1, s3;
	s3 =	simm.s32 $0x0  }
0x7: {  	s9 =	smul.u32 $0x5000, s4;
	s11 =	sadd.s32 $0xB600, s1;
	s13 =	sadd.s32 $0x1F000, s1  }
0x8: {  	s20 =	sshll.u32 s4, $0x4;
	p0 =	sne.s32 s4, $0x0;
	s7 =	smul.u32 $0x50000, s6  }
0x9: {  	[smem:$0x7FF] =	sst s3;
	s10 =	sshll.u32 s6, $0x4;
	s6 =	ssub.s32 $0x2, s6  }
0xa: {  	s22 =	sadd.s32 s20, s11;
	s20 =	simm.s32 $0x5F00;
	s8 =	sshrl.u32 s5, $0x3  }
0xb: {  	_ =	strace $0x80000047;
	s10 =	sor.u32 s4, s10;
	[dreg:$0x4] =	wrdreg s13  }
0xc: {  	s18 =	sshrl.u32 s6, $0x1;
	s5 =	sadd.s32 s5, s2;
	s24 =	sadd.s32 $0x9C00, s22  }
0xd: {  	s25 =	sadd.s32 s9, s0;
	s4 =	sshll.u32 s4, $0x6;
	s8 =	sadd.s32 s8, s1  }
0xe: {  	s7 =	sadd.s32 s9, s7;
	s12 =	smul.u32 $0x2700, s10;
	s6 =	ssub.s32 s6, s18  }
0xf: {  	[dreg:$0x8] =	wrdreg s24;
	p1 =	sgt.u32 s10, $0x3;
	s13 =	sor.u32 $0x1C0D, s4  }
0x10: {  	s26 =	sshrl.u32 s5, $0x3;
	s18 =	simm.s32 $0x4F00;
	s24 =	simm.s32 $0x4  }
0x11: {  	s4 =	simm.s32 $0x6;
	s9 =	simm.s32 $0xC;
	s10 =	simm.s32 $0x0  }
0x12: {  	s7 =	sshrl.u32 s7, $0x3;
	s8 =	sadd.s32 $0x1800, s8;
	s6 =	smax.u32 s6, $0x1  }
0x13: {  	[dreg:$0xd] =	wrdreg s26;
	s26 =	simm.s32 $0x7F00;
	s1 =	sadd.s32 s7, s1  }
0x14: {  	s19 =	sshrl.u32 s12, $0x3;
	[dreg:$0x6] =	wrdreg s8;
	s7 =	sadd.s32 $0x13840, s22  }
0x15: {  	[dreg:$0xb] =	wrdreg s6;
	s6 =	sshrl.u32 @!p0 s0, $0x3;
	s22 =	simm.s32 $0x6F00  }
0x16: {  	s8 =	simm.s32 $0xB;
	s21 =	sadd.s32 s11, s19;
	[dreg:$0x9] =	wrdreg s7  }
.Ltmp0:
0x17: {  	s1 =	sadd.s32 $0x29000, s1;
	[dreg:$0xc] =	wrdreg s6;
	(pc) =	sbr.rel .LBB2_1-.Ltmp0, $4  }
0x18: {  	s19 =	simm.s32 $0x8;
	s6 =	simm.s32 $0x9;
	[dreg:$0x5] =	wrdreg s21  }
0x19: {  	s7 =	simm.s32 $0xA;
	s23 =	sadd.s32 $0x9C40, s21;
	[dreg:$0xa] =	wrdreg s1  }
0x1a: {  	s1 =	sshrl.u32 s25, $0x3;
	s21 =	simm.s32 $0x9F00;
	[dreg:$0x7] =	wrdreg s23  }
0x1b: {  	s23 =	simm.s32 $0x1;
	[dreg:$0xe] =	wrdreg s1;
	s1 =	simm.s32 $0x7  }
.LBB2_4:
0x1c: {  	_ =	swait.ge [sflag:s7], $0x1000  }
0x1d: {  	[sflag:s7] =	ssyncset.done $0x0  }
0x1e: {  	[sflag:s7] =	ssyncadd.s32 $0xFFFFF000  }
0x1f: {  	_ =	swait.ge [sflag:s8], $0x1000  }
0x20: {  	[sflag:s8] =	ssyncset.done $0x0  }
0x21: {  	[sflag:s8] =	ssyncadd.s32 $0xFFFFF000  }
0x22: {  	_ =	swait.ge [sflag:s9], $0x1000  }
0x23: {  	s5 =	simm.s32 @!p1 $0x80;
	[sflag:s9] =	ssyncset.done $0x0  }
0x24: {  	s11 =	simm.s32 @!p1 $0x4E80;
	s12 =	simm.s32 @!p1 $0x4F00;
	[sflag:s9] =	ssyncadd.s32 $0xFFFFF000  }
0x25: {  	[tilespmem:s12], [sflag:$0x1] =	stream.indirect.gather @!p1 [spmem:s2], $0x20, s11, s5, $0xb8;
	[tilespmem:$0x14D20] =	vst v63  }
0x26: {  	s11 =	simm.s32 @!p1 $0x1  }
0x27: {  	_ =	swait.ge @!p1 [sflag:s11], $0x1000  }
0x28: {  	[sflag:s11] =	ssyncset.done @!p1 $0x0  }
0x29: {  	[sflag:s11] =	ssyncadd.s32 @!p1 $0xFFFFF000;
	s11 =	simm.s32 @!p1 $0x4E00  }
0x2a: {  	[spmem:s0] =	stream.indirect.scatter.add.f32 @!p1 [tilespmem:s12], [sflag:$0xD], $0x20, s11, s5, $0xb8;
	[tilespmem:$0x14D20] =	vst v63  }
0x2b: {  	s5 =	simm.s32 @!p1 $0xD  }
0x2c: {  	_ =	swait.ge @!p1 [sflag:s5], $0x1000  }
0x2d: {  	[sflag:s5] =	ssyncset.done @!p1 $0x0  }
0x2e: {  	[sflag:s5] =	ssyncadd.s32 @!p1 $0xFFFFF000  }
0x2f: {  	[bflag:$0x0] =	sbarrier.arrive $0xFFFF  }
0x30: {  	s14 =	rddreg [dreg:$0xa]  }
0x31: {  	s16 =	rddreg [dreg:$0xe]  }
0x32: {  	[hbm:s14], [sflag:s13] =	dma.local [spmem:s16], $0xA00  }
0x33: {  	_ =	swait.ge [sflag:s15], $0xA00  }
0x34: {  	s10 =	sadd.s32 $0x1, s10;
	s25 =	rddreg [dreg:$0xb]  }
0x35: {  	p2 =	sne.s32 s10, s25  }
.Ltmp1:
0x36: {  	_ = 	snop;
	(pc) =	sbr.rel @!p2 .LBB2_5-.Ltmp1, $3  }
0x37: {  	_ =	sdelay $0x1  }
0x38: {  	[sflag:s15] =	ssyncset.done $0x0  }
0x39: {  	[sflag:s15] =	ssyncadd.s32 $0xFFFFF600  }
.LBB2_1:
0x3a: {  	s11 =	rddreg [dreg:$0x4]  }
0x3b: {  	s5 =	simm.s32 @!p0 $0x1C0D;
	s12 =	rddreg [dreg:$0xc]  }
0x3c: {  	[spmem:s12], [sflag:s5] =	dma.local @!p0 [hbm:s11], $0xA000  }
0x3d: {  	s5 =	simm.s32 @!p0 $0xD  }
0x3e: {  	_ =	swait.ge @!p0 [sflag:s5], $0xA000  }
0x3f: {  	[sflag:s5] =	ssyncset.done @!p0 $0x0;
	s16 =	rddreg [dreg:$0x6]  }
0x40: {  	s25 =	rddreg [dreg:$0xd];
	[sflag:s5] =	ssyncadd.s32 @!p0 $0xFFFF6000  }
0x41: {  	[spmem:s25], [sflag:s13] =	dma.local [hbm:s16], $0x9C4  }
0x42: {  	_ =	swait.ge [sflag:s15], $0x9C4  }
0x43: {  	[sflag:s15] =	ssyncset.done $0x0  }
0x44: {  	s12 =	rddreg [dreg:$0x5];
	[sflag:s15] =	ssyncadd.s32 $0xFFFFF63C  }
0x45: {  	[tilespmem:s3], [sflag:$0xD] =	stream.linear.gather [hbm4b:s12+s3], $0x2700, $0x38;
	[tilespmem:$0x14D20] =	vst v63  }
0x46: {  	_ =	swait.ge [sflag:s15], $0x2700  }
0x47: {  	[sflag:s15] =	ssyncset.done $0x0  }
0x48: {  	s16 =	simm.s32 $0x2700;
	s14 =	rddreg [dreg:$0x7];
	[sflag:s15] =	ssyncadd.s32 $0xFFFFD900  }
0x49: {  	[tilespmem:s16], [sflag:$0xD] =	stream.linear.gather [hbm4b:s14+s3], $0x2700, $0x38;
	[tilespmem:$0x14D20] =	vst v63  }
0x4a: {  	_ =	swait.ge [sflag:s15], $0x2700  }
0x4b: {  	s11 =	simm.s32 @!p1 $0x4E00;
	[sflag:s15] =	ssyncset.done $0x0  }
0x4c: {  	s5 =	simm.s32 @!p1 $0x0;
	s12 =	rddreg [dreg:$0x8];
	[sflag:s15] =	ssyncadd.s32 $0xFFFFD900  }
0x4d: {  	[tilespmem:s11], [sflag:$0xD] =	stream.linear.gather @!p1 [hbm4b:s12+s5], $0x80, $0x38;
	[tilespmem:$0x14D20] =	vst v63  }
0x4e: {  	s11 =	simm.s32 @!p1 $0xD  }
0x4f: {  	_ =	swait.ge @!p1 [sflag:s11], $0x80  }
0x50: {  	[sflag:s11] =	ssyncset.done @!p1 $0x0  }
0x51: {  	s12 =	simm.s32 @!p1 $0x4E80;
	s14 =	rddreg [dreg:$0x9];
	[sflag:s11] =	ssyncadd.s32 @!p1 $0xFFFFFF80  }
0x52: {  	[tilespmem:s12], [sflag:$0xD] =	stream.linear.gather @!p1 [hbm4b:s14+s5], $0x80, $0x38;
	[tilespmem:$0x14D20] =	vst v63  }
0x53: {  	_ =	swait.ge @!p1 [sflag:s11], $0x80  }
0x54: {  	[sflag:s11] =	ssyncset.done @!p1 $0x0  }
0x55: {  	[sflag:s11] =	ssyncadd.s32 @!p1 $0xFFFFFF80  }
0x56: {  	[bflag:$0x0] =	sbarrier.arrive $0xFFFF  }
0x57: {  	[tilespmem:s18], [sflag:$0x1] =	stream.indirect.gather [spmem:s2], $0x20, s16, s17, $0xb8;
	[tilespmem:$0x14D20] =	vst v63  }
0x58: {  	s16 =	simm.s32 $0x2780  }
0x59: {  	[tilespmem:s20], [sflag:$0x2] =	stream.indirect.gather [spmem:s2], $0x20, s16, s17, $0xb8;
	[tilespmem:$0x14D20] =	vst v63  }
0x5a: {  	s25 =	simm.s32 $0x2800  }
0x5b: {  	[tilespmem:s22], [sflag:$0x3] =	stream.indirect.gather [spmem:s2], $0x20, s25, s17, $0xb8;
	[tilespmem:$0x14D20] =	vst v63  }
0x5c: {  	_ =	swait.ge [sflag:s23], $0x1000  }
0x5d: {  	[sflag:s23] =	ssyncset.done $0x0  }
0x5e: {  	[sflag:s23] =	ssyncadd.s32 $0xFFFFF000  }
0x5f: {  	[spmem:s0] =	stream.indirect.scatter.add.f32 [tilespmem:s18], [sflag:$0x7], $0x20, s3, s17, $0xb8;
	[tilespmem:$0x14D20] =	vst v63  }
0x60: {  	s11 =	simm.s32 $0x2880  }
0x61: {  	[tilespmem:s26], [sflag:$0x4] =	stream.indirect.gather [spmem:s2], $0x20, s11, s17, $0xb8;
	[tilespmem:$0x14D20] =	vst v63  }
0x62: {  	_ =	swait.ge [sflag:s28], $0x1000  }
0x63: {  	[sflag:s28] =	ssyncset.done $0x0  }
0x64: {  	[sflag:s28] =	ssyncadd.s32 $0xFFFFF000  }
0x65: {  	[spmem:s0] =	stream.indirect.scatter.add.f32 [tilespmem:s20], [sflag:$0x8], $0x20, s17, s17, $0xb8;
	[tilespmem:$0x14D20] =	vst v63  }
0x66: {  	s12 =	simm.s32 $0x2900  }
0x67: {  	[tilespmem:s30], [sflag:$0x5] =	stream.indirect.gather [spmem:s2], $0x20, s12, s17, $0xb8;
	[tilespmem:$0x14D20] =	vst v63  }
0x68: {  	_ =	swait.ge [sflag:s31], $0x1000  }
0x69: {  	[sflag:s31] =	ssyncset.done $0x0  }
0x6a: {  	s14 =	simm.s32 $0x100;
	[sflag:s31] =	ssyncadd.s32 $0xFFFFF000  }
0x6b: {  	[spmem:s0] =	stream.indirect.scatter.add.f32 [tilespmem:s22], [sflag:$0x9], $0x20, s14, s17, $0xb8;
	[tilespmem:$0x14D20] =	vst v63  }
0x6c: {  	s16 =	simm.s32 $0x2980  }
0x6d: {  	[tilespmem:s21], [sflag:$0x6] =	stream.indirect.gather [spmem:s2], $0x20, s16, s17, $0xb8;
	[tilespmem:$0x14D20] =	vst v63  }
0x6e: {  	_ =	swait.ge [sflag:s24], $0x1000  }
0x6f: {  	[sflag:s24] =	ssyncset.done $0x0  }
0x70: {  	s25 =	simm.s32 $0x180;
	[sflag:s24] =	ssyncadd.s32 $0xFFFFF000  }
0x71: {  	[spmem:s0] =	stream.indirect.scatter.add.f32 [tilespmem:s26], [sflag:$0xA], $0x20, s25, s17, $0xb8;
	[tilespmem:$0x14D20] =	vst v63  }
0x72: {  	_ =	swait.ge [sflag:s1], $0x1000  }
0x73: {  	[sflag:s1] =	ssyncset.done $0x0  }
0x74: {  	s11 =	simm.s32 $0x2A00;
	[sflag:s1] =	ssyncadd.s32 $0xFFFFF000  }
0x75: {  	[tilespmem:s18], [sflag:$0x1] =	stream.indirect.gather [spmem:s2], $0x20, s11, s17, $0xb8;
	[tilespmem:$0x14D20] =	vst v63  }
0x76: {  	_ =	swait.ge [sflag:s29], $0x1000  }
0x77: {  	[sflag:s29] =	ssyncset.done $0x0  }
0x78: {  	s12 =	simm.s32 $0x200;
	[sflag:s29] =	ssyncadd.s32 $0xFFFFF000  }
0x79: {  	[spmem:s0] =	stream.indirect.scatter.add.f32 [tilespmem:s30], [sflag:$0xB], $0x20, s12, s17, $0xb8;
	[tilespmem:$0x14D20] =	vst v63  }
0x7a: {  	_ =	swait.ge [sflag:s19], $0x1000  }
0x7b: {  	[sflag:s19] =	ssyncset.done $0x0  }
0x7c: {  	s14 =	simm.s32 $0x2A80;
	[sflag:s19] =	ssyncadd.s32 $0xFFFFF000  }
0x7d: {  	[tilespmem:s20], [sflag:$0x2] =	stream.indirect.gather [spmem:s2], $0x20, s14, s17, $0xb8;
	[tilespmem:$0x14D20] =	vst v63  }
0x7e: {  	_ =	swait.ge [sflag:s4], $0x1000  }
0x7f: {  	[sflag:s4] =	ssyncset.done $0x0  }
0x80: {  	s16 =	simm.s32 $0x280;
	[sflag:s4] =	ssyncadd.s32 $0xFFFFF000  }
0x81: {  	[spmem:s0] =	stream.indirect.scatter.add.f32 [tilespmem:s21], [sflag:$0xC], $0x20, s16, s17, $0xb8;
	[tilespmem:$0x14D20] =	vst v63  }
0x82: {  	_ =	swait.ge [sflag:s6], $0x1000  }
0x83: {  	[sflag:s6] =	ssyncset.done $0x0  }
0x84: {  	s5 =	simm.s32 $0x0;
	s25 =	simm.s32 $0x2B00;
	[sflag:s6] =	ssyncadd.s32 $0xFFFFF000  }
0x85: {  	[tilespmem:s22], [sflag:$0x3] =	stream.indirect.gather [spmem:s2], $0x20, s25, s17, $0xb8;
	[tilespmem:$0x14D20] =	vst v63  }
.LBB2_2:
0x86: {  	_ =	swait.ge [sflag:s23], $0x1000  }
0x87: {  	s11 =	sshra.s32 s5, $0x2;
	[sflag:s23] =	ssyncset.done $0x0  }
0x88: {  	s12 =	sadd.s32 $0x300, s11;
	[sflag:s23] =	ssyncadd.s32 $0xFFFFF000  }
0x89: {  	[spmem:s0] =	stream.indirect.scatter.add.f32 [tilespmem:s18], [sflag:$0x7], $0x20, s12, s17, $0xb8;
	[tilespmem:$0x14D20] =	vst v63  }
0x8a: {  	_ =	swait.ge [sflag:s7], $0x1000  }
0x8b: {  	[sflag:s7] =	ssyncset.done $0x0  }
0x8c: {  	s25 =	sadd.s32 $0x2B80, s11;
	[sflag:s7] =	ssyncadd.s32 $0xFFFFF000  }
0x8d: {  	[tilespmem:s26], [sflag:$0x4] =	stream.indirect.gather [spmem:s2], $0x20, s25, s17, $0xb8;
	[tilespmem:$0x14D20] =	vst v63  }
0x8e: {  	_ =	swait.ge [sflag:s28], $0x1000  }
0x8f: {  	[sflag:s28] =	ssyncset.done $0x0  }
0x90: {  	s14 =	sadd.s32 $0x380, s11;
	[sflag:s28] =	ssyncadd.s32 $0xFFFFF000  }
0x91: {  	[spmem:s0] =	stream.indirect.scatter.add.f32 [tilespmem:s20], [sflag:$0x8], $0x20, s14, s17, $0xb8;
	[tilespmem:$0x14D20] =	vst v63  }
0x92: {  	_ =	swait.ge [sflag:s8], $0x1000  }
0x93: {  	[sflag:s8] =	ssyncset.done $0x0  }
0x94: {  	s16 =	sadd.s32 $0x2C00, s11;
	[sflag:s8] =	ssyncadd.s32 $0xFFFFF000  }
0x95: {  	[tilespmem:s30], [sflag:$0x5] =	stream.indirect.gather [spmem:s2], $0x20, s16, s17, $0xb8;
	[tilespmem:$0x14D20] =	vst v63  }
0x96: {  	_ =	swait.ge [sflag:s31], $0x1000  }
0x97: {  	[sflag:s31] =	ssyncset.done $0x0  }
0x98: {  	s25 =	sadd.s32 $0x400, s11;
	[sflag:s31] =	ssyncadd.s32 $0xFFFFF000  }
0x99: {  	[spmem:s0] =	stream.indirect.scatter.add.f32 [tilespmem:s22], [sflag:$0x9], $0x20, s25, s17, $0xb8;
	[tilespmem:$0x14D20] =	vst v63  }
0x9a: {  	_ =	swait.ge [sflag:s9], $0x1000  }
0x9b: {  	[sflag:s9] =	ssyncset.done $0x0  }
0x9c: {  	s14 =	sadd.s32 $0x2C80, s11;
	[sflag:s9] =	ssyncadd.s32 $0xFFFFF000  }
0x9d: {  	[tilespmem:s21], [sflag:$0x6] =	stream.indirect.gather [spmem:s2], $0x20, s14, s17, $0xb8;
	[tilespmem:$0x14D20] =	vst v63  }
0x9e: {  	_ =	swait.ge [sflag:s24], $0x1000  }
0x9f: {  	[sflag:s24] =	ssyncset.done $0x0  }
0xa0: {  	s16 =	sadd.s32 $0x480, s11;
	[sflag:s24] =	ssyncadd.s32 $0xFFFFF000  }
0xa1: {  	[spmem:s0] =	stream.indirect.scatter.add.f32 [tilespmem:s26], [sflag:$0xA], $0x20, s16, s17, $0xb8;
	[tilespmem:$0x14D20] =	vst v63  }
0xa2: {  	_ =	swait.ge [sflag:s1], $0x1000  }
0xa3: {  	p2 =	seq.s32 s5, $0x8400;
	[sflag:s1] =	ssyncset.done $0x0  }
0xa4: {  	s12 =	simm.s32 @p2 $0x5;
	[sflag:s1] =	ssyncadd.s32 $0xFFFFF000  }
0xa5: {  	_ =	swait.ge @p2 [sflag:s12], $0x1000  }
0xa6: {  	[sflag:s12] =	ssyncset.done @p2 $0x0  }
0xa7: {  	[sflag:s12] =	ssyncadd.s32 @p2 $0xFFFFF000;
	s12 =	sshra.s32 @p2 s5, $0x2  }
0xa8: {  	s14 =	simm.s32 @p2 $0x8F00;
	s16 =	simm.s32 @p2 $0x80;
	s12 =	sadd.s32 @p2 $0x500, s12  }
0xa9: {  	[spmem:s0] =	stream.indirect.scatter.add.f32 @p2 [tilespmem:s14], [sflag:$0xB], $0x20, s12, s16, $0xb8;
	[tilespmem:$0x14D20] =	vst v63  }
0xaa: {  	s12 =	simm.s32 @p2 $0x8  }
0xab: {  	_ =	swait.ge @p2 [sflag:s12], $0x1000  }
0xac: {  	[sflag:s12] =	ssyncset.done @p2 $0x0  }
0xad: {  	[sflag:s12] =	ssyncadd.s32 @p2 $0xFFFFF000;
	s12 =	sshra.s32 @!p2 s5, $0x2  }
0xae: {  	s25 =	simm.s32 @!p2 $0x4F00;
	s16 =	simm.s32 @!p2 $0x80;
	s14 =	sadd.s32 @!p2 $0x2D00, s12  }
0xaf: {  	[tilespmem:s25], [sflag:$0x1] =	stream.indirect.gather @!p2 [spmem:s2], $0x20, s14, s16, $0xb8;
	[tilespmem:$0x14D20] =	vst v63  }
0xb0: {  	s14 =	simm.s32 @!p2 $0x5  }
0xb1: {  	_ =	swait.ge @!p2 [sflag:s14], $0x1000  }
0xb2: {  	[sflag:s14] =	ssyncset.done @!p2 $0x0  }
0xb3: {  	s25 =	simm.s32 @!p2 $0x8F00;
	[sflag:s14] =	ssyncadd.s32 @!p2 $0xFFFFF000;
	s14 =	sadd.s32 @!p2 $0x500, s12  }
0xb4: {  	[spmem:s0] =	stream.indirect.scatter.add.f32 @!p2 [tilespmem:s25], [sflag:$0xB], $0x20, s14, s16, $0xb8;
	[tilespmem:$0x14D20] =	vst v63  }
0xb5: {  	s14 =	simm.s32 @!p2 $0x8  }
0xb6: {  	_ =	swait.ge @!p2 [sflag:s14], $0x1000  }
0xb7: {  	[sflag:s14] =	ssyncset.done @!p2 $0x0  }
0xb8: {  	s12 =	sadd.s32 @!p2 $0x2D80, s12;
	[sflag:s14] =	ssyncadd.s32 @!p2 $0xFFFFF000;
	s14 =	simm.s32 @!p2 $0x5F00  }
0xb9: {  	[tilespmem:s14], [sflag:$0x2] =	stream.indirect.gather @!p2 [spmem:s2], $0x20, s12, s16, $0xb8;
	[tilespmem:$0x14D20] =	vst v63  }
0xba: {  	_ =	swait.ge [sflag:s4], $0x1000  }
0xbb: {  	[sflag:s4] =	ssyncset.done $0x0  }
.Ltmp2:
0xbc: {  	s25 =	sadd.s32 $0x580, s11;
	[sflag:s4] =	ssyncadd.s32 $0xFFFFF000;
	(pc) =	sbr.rel @p2 .LBB2_4-.Ltmp2, $4  }
0xbd: {  	[spmem:s0] =	stream.indirect.scatter.add.f32 [tilespmem:s21], [sflag:$0xC], $0x20, s25, s17, $0xb8;
	[tilespmem:$0x14D20] =	vst v63  }
0xbe: {  	_ =	swait.ge [sflag:s6], $0x1000  }
0xbf: {  	[sflag:s6] =	ssyncset.done $0x0  }
0xc0: {  	[sflag:s6] =	ssyncadd.s32 $0xFFFFF000  }
.Ltmp3:
0xc1: {  	(pc) =	sbr.rel .LBB2_2-.Ltmp3, $3  }
0xc2: {  	_ =	sdelay $0x1  }
0xc3: {  	s11 =	sadd.s32 $0x2E00, s11;
	s5 =	sadd.s32 $0xC00, s5  }
0xc4: {  	[tilespmem:s22], [sflag:$0x3] =	stream.indirect.gather [spmem:s2], $0x20, s11, s17, $0xb8;
	[tilespmem:$0x14D20] =	vst v63  }
.LBB2_5:
0xc5: {  	_ =	sfence.sel $0x180000  }
0xc6: {  	[bflag:$0x0] =	sbarrier.arrive $0xFFFF  }
0xc7: {  	_ =	strace $0x90000047  }
0xc8: {  	[bflag:$0x2] =	sbarrier.arrive $0xFFFF  }
0xc9: {  	s0 =	rddreg [dreg:$0x3]  }
0xca: {  	s0 =	sadd.s32 @!p0 $0x100000, s0  }
0xcb: {  	[sflag:s0] =	ssyncadd.tile.s32 @!p0 $0x1;
	_ =	shalt  }
.Lfunc_end2:
_tile_overlayer_lowered:
.L_overlay_start_2:
0xcc: {  	(tag) =	ssettag $0x2  }
0xcd: {  	s0 =	rddreg [dreg:$0x0];
	s2 =	stileid.u32  }
0xce: {  	s1 =	rddreg [dreg:$0x1];
	p0 =	sne.s32 s2, $0x0  }
0xcf: {  	s3 =	rddreg [dreg:$0x2];
	[bflag:$0x3] =	sbarrier.arrive $0xFFFF;
	s2 =	simm.s32 @!p0 $0x1C0D  }
0xd0: {  	[timem:s3], [sflag:s2] =	dma.local @!p0 [hbm:s0], s1  }
0xd1: {  	s0 =	simm.s32 @!p0 $0xD  }
0xd2: {  	_ =	swait.ge @!p0 [sflag:s0], s1  }
0xd3: {  	s1 =	ssub.s32 @!p0 $0x0, s1;
	[sflag:s0] =	ssyncset.done @!p0 $0x0  }
0xd4: {  	[sflag:s0] =	ssyncadd.s32 @!p0 s1  }
0xd5: {  	[bflag:$0x3] =	sbarrier.arrive $0xFFFF  }
0xd6: {  	_ =	shalt  }

</sc_bundles>
